<compile_context>
chip_gen: v7x
topology: tpu7x:2x2x1
jax: 0.10.2.dev20260603
libtpu: 0.0.44.dev20260713+nightly
codegen_flags: <defaults>
</compile_context>

<pallas_src>
import functools

import jax
import jax.numpy as jnp
from jax import lax
from jax.experimental import pallas as pl
from jax.experimental.pallas import tpu as pltpu
from jax.experimental.pallas import tpu_sc as plsc

B = 8
N = 4096
NPOINT = 1024
RADIUS = 0.4
NSAMPLE = 32
EPS = 1e-5
R2 = RADIUS * RADIUS
M_TOT = B * NPOINT * NSAMPLE



def _fps_body(xyz_ref, out_ref):
    X = xyz_ref[:, 0, :]
    Y = xyz_ref[:, 1, :]
    Z = xyz_ref[:, 2, :]
    iota = lax.broadcasted_iota(jnp.int32, (B, N), 1)

    def body(i, carry):
        distance, farthest = carry
        oh = (iota == farthest).astype(jnp.float32)
        cx = jnp.sum(X * oh, axis=1, keepdims=True)
        cy = jnp.sum(Y * oh, axis=1, keepdims=True)
        cz = jnp.sum(Z * oh, axis=1, keepdims=True)
        cxyz = jnp.concatenate([cx, cy, cz], axis=1)
        out_ref[pl.ds(i, 1)] = cxyz.reshape(1, B, 3)
        dx = X - cx
        dy = Y - cy
        dz = Z - cz
        d = (dx * dx + dy * dy) + dz * dz
        distance = jnp.minimum(distance, d)
        mx = jnp.max(distance, axis=1, keepdims=True)
        elig = distance == mx
        farthest = jnp.min(jnp.where(elig, iota, N), axis=1, keepdims=True)
        return distance, farthest

    init = (jnp.full((B, N), 1e10, dtype=jnp.float32),
            jnp.zeros((B, 1), dtype=jnp.int32))
    lax.fori_loop(0, NPOINT, body, init)


def _fps(xyz):
    out = pl.pallas_call(
        _fps_body,
        out_shape=jax.ShapeDtypeStruct((NPOINT, B, 3), jnp.float32),
    )(xyz)
    return jnp.transpose(out, (1, 2, 0))



S_TILE = 128
DN = (((0,), (0,)), ((), ()))


def _ballq_body(xyz_ref, nxyzt_ref, srcn_ref, dstn_ref, out_ref):
    b = pl.program_id(0)
    nxT = nxyzt_ref[0]
    X3 = xyz_ref[0]
    dot = lax.dot_general(nxT.astype(jnp.bfloat16), X3.astype(jnp.bfloat16),
                          (((1,), (0,)), ((), ())),
                          preferred_element_type=jnp.float32)
    srcn = srcn_ref[0]
    dstn = dstn_ref[0]
    sq = -2.0 * dot + srcn + dstn
    m = (sq <= R2).astype(jnp.float32)
    tri = (lax.broadcasted_iota(jnp.int32, (128, 128), 0)
           <= lax.broadcasted_iota(jnp.int32, (128, 128), 1)).astype(jnp.float32)
    parts = []
    carry = jnp.zeros((S_TILE, 1), jnp.float32)
    for cblk in range(N // 128):
        ch = m[:, cblk * 128:(cblk + 1) * 128]
        cs = lax.dot_general(ch, tri, (((1,), (0,)), ((), ())),
                             preferred_element_type=jnp.float32) + carry
        parts.append(cs)
        carry = cs[:, 127:128]
    pos = jnp.concatenate(parts, axis=1)
    count = pos[:, N - 1:N]
    iota = lax.broadcasted_iota(jnp.int32, (S_TILE, N), 1).astype(jnp.float32)
    cols = []
    first = None
    for j in range(NSAMPLE):
        ohj = m * (pos == jnp.float32(j + 1))
        vj = jnp.sum(iota * ohj, axis=1, keepdims=True)
        if j == 0:
            first = vj
        else:
            vj = jnp.where(count >= jnp.float32(j + 1), vj, first)
        cols.append(vj)
    idxm = jnp.concatenate(cols, axis=1)
    idxm = jnp.where(count >= 1.0, idxm, jnp.float32(N - 1))
    out_ref[0] = idxm.astype(jnp.int32).T + b * N


def _ball_query(xyz, new_xyz):
    new_xyz_t = jnp.transpose(new_xyz, (0, 2, 1))
    srcn = jnp.sum(new_xyz_t ** 2, -1)[:, :, None]
    dstn = jnp.sum(jnp.transpose(xyz, (0, 2, 1)) ** 2, -1)[:, None, :]
    return pl.pallas_call(
        _ballq_body,
        grid=(B, NPOINT // S_TILE),
        in_specs=[
            pl.BlockSpec((1, 3, N), lambda b, s: (b, 0, 0)),
            pl.BlockSpec((1, S_TILE, 3), lambda b, s: (b, s, 0)),
            pl.BlockSpec((1, S_TILE, 1), lambda b, s: (b, s, 0)),
            pl.BlockSpec((1, 1, N), lambda b, s: (b, 0, 0)),
        ],
        out_specs=pl.BlockSpec((1, NSAMPLE, S_TILE), lambda b, s: (b, 0, s)),
        out_shape=jax.ShapeDtypeStruct((B, NSAMPLE, NPOINT), jnp.int32),
    )(xyz, new_xyz_t, srcn, dstn)



GCH = 512


def _sc_gather(table, idx):
    info = plsc.get_sparse_core_info()
    nc, ns = info.num_cores, info.num_subcores
    nw = nc * ns
    b_per_w = M_TOT // nw
    mesh = plsc.VectorSubcoreMesh(core_axis_name="c", subcore_axis_name="s")

    @functools.partial(
        pl.kernel, mesh=mesh,
        out_type=jax.ShapeDtypeStruct((M_TOT, 128), jnp.float32),
        scratch_types=[
            pltpu.VMEM((GCH,), jnp.int32),
            pltpu.VMEM((GCH, 128), jnp.float32),
            pltpu.SemaphoreType.DMA,
        ],
    )
    def k(table_hbm, idx_hbm, out_hbm, idx_v, rows_v, sem):
        wid = lax.axis_index("s") * nc + lax.axis_index("c")
        base = wid * b_per_w
        for ci in range(b_per_w // GCH):
            o = base + ci * GCH
            pltpu.sync_copy(idx_hbm.at[pl.ds(o, GCH)], idx_v)
            pltpu.async_copy(table_hbm.at[idx_v], rows_v, sem).wait()
            pltpu.sync_copy(rows_v, out_hbm.at[pl.ds(o, GCH)])

    return k(table, idx)



D_TILE = 4096


def _x0_body(g_ref, c_ref, x0_ref, mom_ref):
    first = pl.program_id(0) == 0

    @pl.when(first)
    def _():
        mom_ref[...] = jnp.zeros((16, 8), jnp.float32)

    g = g_ref[...]
    c = c_ref[...]
    x0 = jnp.concatenate(
        [g[:, 0:3] - c, g[:, 3:6], jnp.zeros((D_TILE, 2), jnp.float32)], axis=1)
    x0_ref[...] = x0
    sig = lax.dot_general(x0, x0, DN, preferred_element_type=jnp.float32)
    s = jnp.sum(x0, axis=0, keepdims=True)
    mom_ref[0:8, :] += sig
    mom_ref[8:9, :] += s


def _x0_build(g, centers):
    return pl.pallas_call(
        _x0_body,
        grid=(M_TOT // D_TILE,),
        in_specs=[
            pl.BlockSpec((D_TILE, 128), lambda i: (i, 0)),
            pl.BlockSpec((D_TILE, 3), lambda i: (i, 0)),
        ],
        out_specs=[
            pl.BlockSpec((D_TILE, 8), lambda i: (i, 0)),
            pl.BlockSpec((16, 8), lambda i: (0, 0)),
        ],
        out_shape=[
            jax.ShapeDtypeStruct((M_TOT, 8), jnp.float32),
            jax.ShapeDtypeStruct((16, 8), jnp.float32),
        ],
    )(g, centers)



L_TILE = 8192


def _layer_body(x_ref, w_ref, b_ref, y_ref, mom_ref, *, c_out):
    first = pl.program_id(0) == 0

    @pl.when(first)
    def _():
        mom_ref[...] = jnp.zeros((c_out + 8, c_out), jnp.float32)

    x = x_ref[...]
    y = lax.dot_general(x, w_ref[...], (((1,), (0,)), ((), ())),
                        preferred_element_type=jnp.float32) + b_ref[...]
    y = jnp.maximum(y, 0.0)
    y_ref[...] = y
    sig = lax.dot_general(y, y, DN, preferred_element_type=jnp.float32)
    s = jnp.sum(y, axis=0, keepdims=True)
    mom_ref[0:c_out, :] += sig
    mom_ref[c_out:c_out + 1, :] += s


def _layer(x, wp, bp, c_out):
    c_in = x.shape[1]
    return pl.pallas_call(
        functools.partial(_layer_body, c_out=c_out),
        grid=(M_TOT // L_TILE,),
        in_specs=[
            pl.BlockSpec((L_TILE, c_in), lambda i: (i, 0)),
            pl.BlockSpec((c_in, c_out), lambda i: (0, 0)),
            pl.BlockSpec((1, c_out), lambda i: (0, 0)),
        ],
        out_specs=[
            pl.BlockSpec((L_TILE, c_out), lambda i: (i, 0)),
            pl.BlockSpec((c_out + 8, c_out), lambda i: (0, 0)),
        ],
        out_shape=[
            jax.ShapeDtypeStruct((M_TOT, c_out), jnp.float32),
            jax.ShapeDtypeStruct((c_out + 8, c_out), jnp.float32),
        ],
    )(x, wp, bp)



G_TILE = 512


def _final_body(x_ref, w_ref, b_ref, out_ref):
    acc = jnp.full((G_TILE, 64), -jnp.inf, jnp.float32)
    for k in range(NSAMPLE):
        xk = x_ref[0, k]
        y = lax.dot_general(xk, w_ref[...], (((1,), (0,)), ((), ())),
                            preferred_element_type=jnp.float32) + b_ref[...]
        acc = jnp.maximum(acc, jnp.maximum(y, 0.0))
    out_ref[0] = acc


def _final(x2, wp, bp):
    x4 = x2.reshape(B, NSAMPLE, NPOINT, 32)
    return pl.pallas_call(
        _final_body,
        grid=(B, NPOINT // G_TILE),
        in_specs=[
            pl.BlockSpec((1, NSAMPLE, G_TILE, 32), lambda b, s: (b, 0, s, 0)),
            pl.BlockSpec((32, 64), lambda b, s: (0, 0)),
            pl.BlockSpec((1, 64), lambda b, s: (0, 0)),
        ],
        out_specs=pl.BlockSpec((1, G_TILE, 64), lambda b, s: (b, s, 0)),
        out_shape=jax.ShapeDtypeStruct((B, NPOINT, 64), jnp.float32),
    )(x4, wp, bp)




def _affine(w, b, g, be, mom, c_in, srow):
    sig = mom[0:c_in, 0:c_in]
    s = mom[srow, 0:c_in]
    m = jnp.float32(M_TOT)
    ws = w @ s
    mean = (ws + b * m) / m
    ey2 = (jnp.einsum('oc,cd,od->o', w, sig, w) + 2.0 * b * ws + m * b * b) / m
    var = ey2 - mean * mean
    scale = g / jnp.sqrt(var + EPS)
    wp = w * scale[:, None]
    bp = scale * (b - mean) + be
    return wp, bp


def _pack(wp, bp, c_in_pad, c_out):
    wt = jnp.zeros((c_in_pad, c_out), jnp.float32).at[0:wp.shape[1]].set(wp.T)
    return wt, bp.reshape(1, c_out)




def kernel(xyz, points, w0, b0, g0, be0, w1, b1, g1, be1, w2, b2, g2, be2):
    new_xyz = _fps(xyz)
    idx = _ball_query(xyz, new_xyz)

    table = jnp.concatenate([xyz, points], axis=1)
    table = jnp.transpose(table, (0, 2, 1)).reshape(B * N, 6)
    table = jnp.pad(table, ((0, 0), (0, 122)))
    flat_idx = idx.reshape(M_TOT)
    g = _sc_gather(table, flat_idx)

    centers = jnp.broadcast_to(
        jnp.transpose(new_xyz, (0, 2, 1))[:, None, :, :],
        (B, NSAMPLE, NPOINT, 3)).reshape(M_TOT, 3)
    x0, mom0 = _x0_build(g, centers)

    wp0, bp0 = _affine(w0, b0, g0, be0, mom0, 6, 8)
    w0t, b0t = _pack(wp0, bp0, 8, 32)
    x1, mom1 = _layer(x0, w0t, b0t, 32)

    wp1, bp1 = _affine(w1, b1, g1, be1, mom1, 32, 32)
    w1t, b1t = _pack(wp1, bp1, 32, 32)
    x2, mom2 = _layer(x1, w1t, b1t, 32)

    wp2, bp2 = _affine(w2, b2, g2, be2, mom2, 32, 32)
    w2t, b2t = _pack(wp2, bp2, 32, 64)
    y = _final(x2, w2t, b2t)

    new_points = jnp.transpose(y, (0, 2, 1))
    return (new_xyz, new_points)

# --- scband reference (transcript-rebuilt; emitter-appended) ---
"""Pipeline reference for scband-point-net-set-abstraction-50543175139454 (READ-ONLY COPY).

The authoritative reference and input builder live on the scoring server;
editing this copy changes nothing except your own understanding.
"""

import jax, jax.numpy as jnp
import numpy as np

B = 8
N = 4096
D_FEAT = 3
NPOINT = 1024
RADIUS = 0.4
NSAMPLE = 32
MLP = [32, 32, 64]
IN_CH = 6
EPS = 1e-5


def square_distance(src, dst):
    dist = -2.0 * jnp.matmul(src, jnp.transpose(dst, (0, 2, 1)))
    dist = dist + jnp.sum(src ** 2, -1)[:, :, None]
    dist = dist + jnp.sum(dst ** 2, -1)[:, None, :]
    return dist


def index_points(points, idx):
    b = points.shape[0]
    batch_idx = jnp.arange(b).reshape((b,) + (1,) * (idx.ndim - 1))
    return points[batch_idx, idx]


def farthest_point_sample(xyz, npoint):
    b, n, c = xyz.shape

    def body(i, carry):
        centroids, distance, farthest = carry
        centroids = centroids.at[:, i].set(farthest)
        centroid = xyz[jnp.arange(b), farthest][:, None, :]
        dist = jnp.sum((xyz - centroid) ** 2, axis=-1)
        distance = jnp.minimum(distance, dist)
        farthest = jnp.argmax(distance, axis=-1).astype(jnp.int32)
        return (centroids, distance, farthest)

    init = (jnp.zeros((b, npoint), dtype=jnp.int32),
            jnp.full((b, n), 1e10, dtype=jnp.float32),
            jnp.zeros((b,), dtype=jnp.int32))
    centroids, _, _ = jax.lax.fori_loop(0, npoint, body, init)
    return centroids


def query_ball_point(radius, nsample, xyz, new_xyz):
    b, n, c = xyz.shape
    s = new_xyz.shape[1]
    sqrdists = square_distance(new_xyz, xyz)
    group_idx = jnp.broadcast_to(jnp.arange(n, dtype=jnp.int32)[None, None, :], (b, s, n))
    group_idx = jnp.where(sqrdists > radius ** 2, n, group_idx)
    group_idx = jnp.sort(group_idx, axis=-1)[:, :, :nsample]
    group_first = jnp.broadcast_to(group_idx[:, :, 0:1], group_idx.shape)
    group_idx = jnp.where(group_idx == n, group_first, group_idx)
    return group_idx


def setup_inputs(seed: int = 0):
    key = jax.random.key(seed)
    ks = jax.random.split(key, 8)
    inp = {
        'xyz': jax.random.normal(ks[0], (B, 3, N), dtype=jnp.float32),
        'points': jax.random.normal(ks[1], (B, D_FEAT, N), dtype=jnp.float32),
    }
    chans = [IN_CH] + MLP
    for i in range(len(MLP)):
        inp['w%d' % i] = jax.random.normal(ks[2 + i], (chans[i + 1], chans[i]), dtype=jnp.float32) * 0.1
        inp['b%d' % i] = jnp.zeros((chans[i + 1],), dtype=jnp.float32)
        inp['g%d' % i] = jnp.ones((chans[i + 1],), dtype=jnp.float32)
        inp['be%d' % i] = jnp.zeros((chans[i + 1],), dtype=jnp.float32)
    return inp


def reference(xyz, points, w0, b0, g0, be0, w1, b1, g1, be1, w2, b2, g2, be2):
    xyz_t = jnp.transpose(xyz, (0, 2, 1))
    pts_t = jnp.transpose(points, (0, 2, 1))
    xyz_sg = jax.lax.stop_gradient(xyz_t)
    fps_idx = farthest_point_sample(xyz_sg, NPOINT)
    new_xyz = index_points(xyz_t, fps_idx)
    idx = query_ball_point(RADIUS, NSAMPLE, xyz_sg, jax.lax.stop_gradient(new_xyz))
    grouped_xyz = index_points(xyz_t, idx)
    grouped_xyz_norm = grouped_xyz - new_xyz[:, :, None, :]
    grouped_points = index_points(pts_t, idx)
    new_points = jnp.concatenate([grouped_xyz_norm, grouped_points], axis=-1)
    new_points = jnp.transpose(new_points, (0, 3, 2, 1))
    for (w, bb, g, be) in ((w0, b0, g0, be0), (w1, b1, g1, be1), (w2, b2, g2, be2)):
        new_points = jnp.einsum('oc,bcks->boks', w, new_points) + bb[None, :, None, None]
        mean = jnp.mean(new_points, axis=(0, 2, 3), keepdims=True)
        var = jnp.var(new_points, axis=(0, 2, 3), keepdims=True)
        new_points = (new_points - mean) / jnp.sqrt(var + EPS)
        new_points = new_points * g[None, :, None, None] + be[None, :, None, None]
        new_points = jax.nn.relu(new_points)
    new_points = jnp.max(new_points, axis=2)
    new_xyz_out = jnp.transpose(new_xyz, (0, 2, 1))
    return (new_xyz_out, new_points)

if __name__ == "__main__":
    import jax
    _d = setup_inputs()
    print(jax.jit(kernel)(*tuple(_d.values())))

</pallas_src>

<mosaic_0001>
#map = affine_map<(d0, d1) -> (0, 0)>
#map1 = affine_map<(d0, d1) -> (0)>
module attributes {stable_mosaic.version = 14 : i64} {
  func.func @k(%arg0: i32, %arg1: i32, %arg2: memref<32768x128xf32, #tpu.memory_space<hbm>>, %arg3: memref<262144xi32, #tpu.memory_space<hbm>>, %arg4: memref<262144x128xf32, #tpu.memory_space<hbm>>, %arg5: memref<512xi32, #tpu.memory_space<vmem>>, %arg6: memref<512x128xf32, #tpu.memory_space<vmem>>, %arg7: memref<!tpu.dma_semaphore, #tpu.memory_space<semaphore_mem>>) attributes {dimension_semantics = [#tpu.dimension_semantics<core_parallel>, #tpu.dimension_semantics<subcore_parallel>], iteration_bounds = array<i64: 2, 16>, scalar_prefetch = 0 : i64, scratch_operands = 3 : i64, tpu.core_type = #tpu.core_type<sc_vector_subcore>, window_params = [{transform_indices = #map}, {transform_indices = #map1}, {transform_indices = #map}]} {
    %mul3A = arith.constant 2 : i32
    %mul3A_0 = arith.muli %arg1, %mul3A : i32
    %add3A = arith.addi %mul3A_0, %arg0 : i32
    %mul3A_1 = arith.constant 8192 : i32
    %mul3A_2 = arith.muli %add3A, %mul3A_1 : i32
    %add3A_3 = arith.constant 0 : i32
    %add3A_4 = arith.addi %mul3A_2, %add3A_3 : i32
    "tpu.region"() ({
      %run_scoped3A = tpu.sem_alloc : memref<!tpu.dma_semaphore, #tpu.memory_space<semaphore_mem>>
      %dma_start3A_129 = tpu.memref_slice %arg3[%add3A_4] : memref<262144xi32, #tpu.memory_space<hbm>> -> memref<512xi32, #tpu.memory_space<hbm>>
      %dma_start3A_130 = tpu.memref_slice %arg3[%add3A_4] : memref<262144xi32, #tpu.memory_space<hbm>> -> memref<512xi32, #tpu.memory_space<hbm>>
      tpu.enqueue_dma source(%dma_start3A_130 : memref<512xi32, #tpu.memory_space<hbm>>) target(%arg5 : memref<512xi32, #tpu.memory_space<vmem>>) target_semaphore(%run_scoped3A : memref<!tpu.dma_semaphore, #tpu.memory_space<semaphore_mem>>)
      %dma_wait3A_131 = tpu.memref_slice %arg3[%add3A_4] : memref<262144xi32, #tpu.memory_space<hbm>> -> memref<512xi32, #tpu.memory_space<hbm>>
      %dma_wait3A_132 = tpu.memref_slice %arg3[%add3A_4] : memref<262144xi32, #tpu.memory_space<hbm>> -> memref<512xi32, #tpu.memory_space<hbm>>
      tpu.wait_dma2 semaphore(%run_scoped3A : memref<!tpu.dma_semaphore, #tpu.memory_space<semaphore_mem>>) src(%dma_wait3A_132 : memref<512xi32, #tpu.memory_space<hbm>>) dst(%arg5 : memref<512xi32, #tpu.memory_space<vmem>>)
      tpu.yield
    }) : () -> ()
    %dma_start3A = arith.constant 0 : i32
    %dma_start3A_5 = arith.constant 0 : i32
    %dma_start3A_6 = tpu.memref_slice %arg2[%dma_start3A, %dma_start3A_5] : memref<32768x128xf32, #tpu.memory_space<hbm>> -> memref<32768x128xf32, #tpu.memory_space<hbm>>
    tpu.enqueue_indirect_dma source(%dma_start3A_6 : memref<32768x128xf32, #tpu.memory_space<hbm>>) target(%arg6 : memref<512x128xf32, #tpu.memory_space<vmem>>) offsets(%arg5 : memref<512xi32, #tpu.memory_space<vmem>>) semaphore(%arg7 : memref<!tpu.dma_semaphore, #tpu.memory_space<semaphore_mem>>)
    %dma_wait3A = arith.constant 0 : i32
    %dma_wait3A_7 = arith.constant 0 : i32
    %dma_wait3A_8 = tpu.memref_slice %arg2[%dma_wait3A, %dma_wait3A_7] : memref<32768x128xf32, #tpu.memory_space<hbm>> -> memref<32768x128xf32, #tpu.memory_space<hbm>>
    tpu.wait_indirect_dma semaphore(%arg7 : memref<!tpu.dma_semaphore, #tpu.memory_space<semaphore_mem>>) src(%dma_wait3A_8 : memref<32768x128xf32, #tpu.memory_space<hbm>>) dst(%arg6 : memref<512x128xf32, #tpu.memory_space<vmem>>)
    "tpu.region"() ({
      %run_scoped3A = tpu.sem_alloc : memref<!tpu.dma_semaphore, #tpu.memory_space<semaphore_mem>>
      %dma_start3A_129 = arith.constant 0 : i32
      %dma_start3A_130 = tpu.memref_slice %arg4[%add3A_4, %dma_start3A_129] : memref<262144x128xf32, #tpu.memory_space<hbm>> -> memref<512x128xf32, #tpu.memory_space<hbm>>
      %dma_start3A_131 = arith.constant 0 : i32
      %dma_start3A_132 = tpu.memref_slice %arg4[%add3A_4, %dma_start3A_131] : memref<262144x128xf32, #tpu.memory_space<hbm>> -> memref<512x128xf32, #tpu.memory_space<hbm>>
      tpu.enqueue_dma source(%arg6 : memref<512x128xf32, #tpu.memory_space<vmem>>) target(%dma_start3A_132 : memref<512x128xf32, #tpu.memory_space<hbm>>) target_semaphore(%run_scoped3A : memref<!tpu.dma_semaphore, #tpu.memory_space<semaphore_mem>>)
      %dma_wait3A_133 = arith.constant 0 : i32
      %dma_wait3A_134 = tpu.memref_slice %arg4[%add3A_4, %dma_wait3A_133] : memref<262144x128xf32, #tpu.memory_space<hbm>> -> memref<512x128xf32, #tpu.memory_space<hbm>>
      %dma_wait3A_135 = arith.constant 0 : i32
      %dma_wait3A_136 = tpu.memref_slice %arg4[%add3A_4, %dma_wait3A_135] : memref<262144x128xf32, #tpu.memory_space<hbm>> -> memref<512x128xf32, #tpu.memory_space<hbm>>
      tpu.wait_dma2 semaphore(%run_scoped3A : memref<!tpu.dma_semaphore, #tpu.memory_space<semaphore_mem>>) src(%arg6 : memref<512x128xf32, #tpu.memory_space<vmem>>) dst(%dma_wait3A_136 : memref<512x128xf32, #tpu.memory_space<hbm>>)
      tpu.yield
    }) : () -> ()
    %add3A_9 = arith.constant 512 : i32
    %add3A_10 = arith.addi %mul3A_2, %add3A_9 : i32
    "tpu.region"() ({
      %run_scoped3A = tpu.sem_alloc : memref<!tpu.dma_semaphore, #tpu.memory_space<semaphore_mem>>
      %dma_start3A_129 = tpu.memref_slice %arg3[%add3A_10] : memref<262144xi32, #tpu.memory_space<hbm>> -> memref<512xi32, #tpu.memory_space<hbm>>
      %dma_start3A_130 = tpu.memref_slice %arg3[%add3A_10] : memref<262144xi32, #tpu.memory_space<hbm>> -> memref<512xi32, #tpu.memory_space<hbm>>
      tpu.enqueue_dma source(%dma_start3A_130 : memref<512xi32, #tpu.memory_space<hbm>>) target(%arg5 : memref<512xi32, #tpu.memory_space<vmem>>) target_semaphore(%run_scoped3A : memref<!tpu.dma_semaphore, #tpu.memory_space<semaphore_mem>>)
      %dma_wait3A_131 = tpu.memref_slice %arg3[%add3A_10] : memref<262144xi32, #tpu.memory_space<hbm>> -> memref<512xi32, #tpu.memory_space<hbm>>
      %dma_wait3A_132 = tpu.memref_slice %arg3[%add3A_10] : memref<262144xi32, #tpu.memory_space<hbm>> -> memref<512xi32, #tpu.memory_space<hbm>>
      tpu.wait_dma2 semaphore(%run_scoped3A : memref<!tpu.dma_semaphore, #tpu.memory_space<semaphore_mem>>) src(%dma_wait3A_132 : memref<512xi32, #tpu.memory_space<hbm>>) dst(%arg5 : memref<512xi32, #tpu.memory_space<vmem>>)
      tpu.yield
    }) : () -> ()
    %dma_start3A_11 = arith.constant 0 : i32
    %dma_start3A_12 = arith.constant 0 : i32
    %dma_start3A_13 = tpu.memref_slice %arg2[%dma_start3A_11, %dma_start3A_12] : memref<32768x128xf32, #tpu.memory_space<hbm>> -> memref<32768x128xf32, #tpu.memory_space<hbm>>
    tpu.enqueue_indirect_dma source(%dma_start3A_13 : memref<32768x128xf32, #tpu.memory_space<hbm>>) target(%arg6 : memref<512x128xf32, #tpu.memory_space<vmem>>) offsets(%arg5 : memref<512xi32, #tpu.memory_space<vmem>>) semaphore(%arg7 : memref<!tpu.dma_semaphore, #tpu.memory_space<semaphore_mem>>)
    %dma_wait3A_14 = arith.constant 0 : i32
    %dma_wait3A_15 = arith.constant 0 : i32
    %dma_wait3A_16 = tpu.memref_slice %arg2[%dma_wait3A_14, %dma_wait3A_15] : memref<32768x128xf32, #tpu.memory_space<hbm>> -> memref<32768x128xf32, #tpu.memory_space<hbm>>
    tpu.wait_indirect_dma semaphore(%arg7 : memref<!tpu.dma_semaphore, #tpu.memory_space<semaphore_mem>>) src(%dma_wait3A_16 : memref<32768x128xf32, #tpu.memory_space<hbm>>) dst(%arg6 : memref<512x128xf32, #tpu.memory_space<vmem>>)
    "tpu.region"() ({
      %run_scoped3A = tpu.sem_alloc : memref<!tpu.dma_semaphore, #tpu.memory_space<semaphore_mem>>
      %dma_start3A_129 = arith.constant 0 : i32
      %dma_start3A_130 = tpu.memref_slice %arg4[%add3A_10, %dma_start3A_129] : memref<262144x128xf32, #tpu.memory_space<hbm>> -> memref<512x128xf32, #tpu.memory_space<hbm>>
      %dma_start3A_131 = arith.constant 0 : i32
      %dma_start3A_132 = tpu.memref_slice %arg4[%add3A_10, %dma_start3A_131] : memref<262144x128xf32, #tpu.memory_space<hbm>> -> memref<512x128xf32, #tpu.memory_space<hbm>>
      tpu.enqueue_dma source(%arg6 : memref<512x128xf32, #tpu.memory_space<vmem>>) target(%dma_start3A_132 : memref<512x128xf32, #tpu.memory_space<hbm>>) target_semaphore(%run_scoped3A : memref<!tpu.dma_semaphore, #tpu.memory_space<semaphore_mem>>)
      %dma_wait3A_133 = arith.constant 0 : i32
      %dma_wait3A_134 = tpu.memref_slice %arg4[%add3A_10, %dma_wait3A_133] : memref<262144x128xf32, #tpu.memory_space<hbm>> -> memref<512x128xf32, #tpu.memory_space<hbm>>
      %dma_wait3A_135 = arith.constant 0 : i32
      %dma_wait3A_136 = tpu.memref_slice %arg4[%add3A_10, %dma_wait3A_135] : memref<262144x128xf32, #tpu.memory_space<hbm>> -> memref<512x128xf32, #tpu.memory_space<hbm>>
      tpu.wait_dma2 semaphore(%run_scoped3A : memref<!tpu.dma_semaphore, #tpu.memory_space<semaphore_mem>>) src(%arg6 : memref<512x128xf32, #tpu.memory_space<vmem>>) dst(%dma_wait3A_136 : memref<512x128xf32, #tpu.memory_space<hbm>>)
      tpu.yield
    }) : () -> ()
    %add3A_17 = arith.constant 1024 : i32
    %add3A_18 = arith.addi %mul3A_2, %add3A_17 : i32
    "tpu.region"() ({
      %run_scoped3A = tpu.sem_alloc : memref<!tpu.dma_semaphore, #tpu.memory_space<semaphore_mem>>
      %dma_start3A_129 = tpu.memref_slice %arg3[%add3A_18] : memref<262144xi32, #tpu.memory_space<hbm>> -> memref<512xi32, #tpu.memory_space<hbm>>
      %dma_start3A_130 = tpu.memref_slice %arg3[%add3A_18] : memref<262144xi32, #tpu.memory_space<hbm>> -> memref<512xi32, #tpu.memory_space<hbm>>
      tpu.enqueue_dma source(%dma_start3A_130 : memref<512xi32, #tpu.memory_space<hbm>>) target(%arg5 : memref<512xi32, #tpu.memory_space<vmem>>) target_semaphore(%run_scoped3A : memref<!tpu.dma_semaphore, #tpu.memory_space<semaphore_mem>>)
      %dma_wait3A_131 = tpu.memref_slice %arg3[%add3A_18] : memref<262144xi32, #tpu.memory_space<hbm>> -> memref<512xi32, #tpu.memory_space<hbm>>
      %dma_wait3A_132 = tpu.memref_slice %arg3[%add3A_18] : memref<262144xi32, #tpu.memory_space<hbm>> -> memref<512xi32, #tpu.memory_space<hbm>>
      tpu.wait_dma2 semaphore(%run_scoped3A : memref<!tpu.dma_semaphore, #tpu.memory_space<semaphore_mem>>) src(%dma_wait3A_132 : memref<512xi32, #tpu.memory_space<hbm>>) dst(%arg5 : memref<512xi32, #tpu.memory_space<vmem>>)
      tpu.yield
    }) : () -> ()
    %dma_start3A_19 = arith.constant 0 : i32
    %dma_start3A_20 = arith.constant 0 : i32
    %dma_start3A_21 = tpu.memref_slice %arg2[%dma_start3A_19, %dma_start3A_20] : memref<32768x128xf32, #tpu.memory_space<hbm>> -> memref<32768x128xf32, #tpu.memory_space<hbm>>
    tpu.enqueue_indirect_dma source(%dma_start3A_21 : memref<32768x128xf32, #tpu.memory_space<hbm>>) target(%arg6 : memref<512x128xf32, #tpu.memory_space<vmem>>) offsets(%arg5 : memref<512xi32, #tpu.memory_space<vmem>>) semaphore(%arg7 : memref<!tpu.dma_semaphore, #tpu.memory_space<semaphore_mem>>)
    %dma_wait3A_22 = arith.constant 0 : i32
    %dma_wait3A_23 = arith.constant 0 : i32
    %dma_wait3A_24 = tpu.memref_slice %arg2[%dma_wait3A_22, %dma_wait3A_23] : memref<32768x128xf32, #tpu.memory_space<hbm>> -> memref<32768x128xf32, #tpu.memory_space<hbm>>
    tpu.wait_indirect_dma semaphore(%arg7 : memref<!tpu.dma_semaphore, #tpu.memory_space<semaphore_mem>>) src(%dma_wait3A_24 : memref<32768x128xf32, #tpu.memory_space<hbm>>) dst(%arg6 : memref<512x128xf32, #tpu.memory_space<vmem>>)
    "tpu.region"() ({
      %run_scoped3A = tpu.sem_alloc : memref<!tpu.dma_semaphore, #tpu.memory_space<semaphore_mem>>
      %dma_start3A_129 = arith.constant 0 : i32
      %dma_start3A_130 = tpu.memref_slice %arg4[%add3A_18, %dma_start3A_129] : memref<262144x128xf32, #tpu.memory_space<hbm>> -> memref<512x128xf32, #tpu.memory_space<hbm>>
      %dma_start3A_131 = arith.constant 0 : i32
      %dma_start3A_132 = tpu.memref_slice %arg4[%add3A_18, %dma_start3A_131] : memref<262144x128xf32, #tpu.memory_space<hbm>> -> memref<512x128xf32, #tpu.memory_space<hbm>>
      tpu.enqueue_dma source(%arg6 : memref<512x128xf32, #tpu.memory_space<vmem>>) target(%dma_start3A_132 : memref<512x128xf32, #tpu.memory_space<hbm>>) target_semaphore(%run_scoped3A : memref<!tpu.dma_semaphore, #tpu.memory_space<semaphore_mem>>)
      %dma_wait3A_133 = arith.constant 0 : i32
      %dma_wait3A_134 = tpu.memref_slice %arg4[%add3A_18, %dma_wait3A_133] : memref<262144x128xf32, #tpu.memory_space<hbm>> -> memref<512x128xf32, #tpu.memory_space<hbm>>
      %dma_wait3A_135 = arith.constant 0 : i32
      %dma_wait3A_136 = tpu.memref_slice %arg4[%add3A_18, %dma_wait3A_135] : memref<262144x128xf32, #tpu.memory_space<hbm>> -> memref<512x128xf32, #tpu.memory_space<hbm>>
      tpu.wait_dma2 semaphore(%run_scoped3A : memref<!tpu.dma_semaphore, #tpu.memory_space<semaphore_mem>>) src(%arg6 : memref<512x128xf32, #tpu.memory_space<vmem>>) dst(%dma_wait3A_136 : memref<512x128xf32, #tpu.memory_space<hbm>>)
      tpu.yield
    }) : () -> ()
    %add3A_25 = arith.constant 1536 : i32
    %add3A_26 = arith.addi %mul3A_2, %add3A_25 : i32
    "tpu.region"() ({
      %run_scoped3A = tpu.sem_alloc : memref<!tpu.dma_semaphore, #tpu.memory_space<semaphore_mem>>
      %dma_start3A_129 = tpu.memref_slice %arg3[%add3A_26] : memref<262144xi32, #tpu.memory_space<hbm>> -> memref<512xi32, #tpu.memory_space<hbm>>
      %dma_start3A_130 = tpu.memref_slice %arg3[%add3A_26] : memref<262144xi32, #tpu.memory_space<hbm>> -> memref<512xi32, #tpu.memory_space<hbm>>
      tpu.enqueue_dma source(%dma_start3A_130 : memref<512xi32, #tpu.memory_space<hbm>>) target(%arg5 : memref<512xi32, #tpu.memory_space<vmem>>) target_semaphore(%run_scoped3A : memref<!tpu.dma_semaphore, #tpu.memory_space<semaphore_mem>>)
      %dma_wait3A_131 = tpu.memref_slice %arg3[%add3A_26] : memref<262144xi32, #tpu.memory_space<hbm>> -> memref<512xi32, #tpu.memory_space<hbm>>
      %dma_wait3A_132 = tpu.memref_slice %arg3[%add3A_26] : memref<262144xi32, #tpu.memory_space<hbm>> -> memref<512xi32, #tpu.memory_space<hbm>>
      tpu.wait_dma2 semaphore(%run_scoped3A : memref<!tpu.dma_semaphore, #tpu.memory_space<semaphore_mem>>) src(%dma_wait3A_132 : memref<512xi32, #tpu.memory_space<hbm>>) dst(%arg5 : memref<512xi32, #tpu.memory_space<vmem>>)
      tpu.yield
    }) : () -> ()
    %dma_start3A_27 = arith.constant 0 : i32
    %dma_start3A_28 = arith.constant 0 : i32
    %dma_start3A_29 = tpu.memref_slice %arg2[%dma_start3A_27, %dma_start3A_28] : memref<32768x128xf32, #tpu.memory_space<hbm>> -> memref<32768x128xf32, #tpu.memory_space<hbm>>
    tpu.enqueue_indirect_dma source(%dma_start3A_29 : memref<32768x128xf32, #tpu.memory_space<hbm>>) target(%arg6 : memref<512x128xf32, #tpu.memory_space<vmem>>) offsets(%arg5 : memref<512xi32, #tpu.memory_space<vmem>>) semaphore(%arg7 : memref<!tpu.dma_semaphore, #tpu.memory_space<semaphore_mem>>)
    %dma_wait3A_30 = arith.constant 0 : i32
    %dma_wait3A_31 = arith.constant 0 : i32
    %dma_wait3A_32 = tpu.memref_slice %arg2[%dma_wait3A_30, %dma_wait3A_31] : memref<32768x128xf32, #tpu.memory_space<hbm>> -> memref<32768x128xf32, #tpu.memory_space<hbm>>
    tpu.wait_indirect_dma semaphore(%arg7 : memref<!tpu.dma_semaphore, #tpu.memory_space<semaphore_mem>>) src(%dma_wait3A_32 : memref<32768x128xf32, #tpu.memory_space<hbm>>) dst(%arg6 : memref<512x128xf32, #tpu.memory_space<vmem>>)
    "tpu.region"() ({
      %run_scoped3A = tpu.sem_alloc : memref<!tpu.dma_semaphore, #tpu.memory_space<semaphore_mem>>
      %dma_start3A_129 = arith.constant 0 : i32
      %dma_start3A_130 = tpu.memref_slice %arg4[%add3A_26, %dma_start3A_129] : memref<262144x128xf32, #tpu.memory_space<hbm>> -> memref<512x128xf32, #tpu.memory_space<hbm>>
      %dma_start3A_131 = arith.constant 0 : i32
      %dma_start3A_132 = tpu.memref_slice %arg4[%add3A_26, %dma_start3A_131] : memref<262144x128xf32, #tpu.memory_space<hbm>> -> memref<512x128xf32, #tpu.memory_space<hbm>>
      tpu.enqueue_dma source(%arg6 : memref<512x128xf32, #tpu.memory_space<vmem>>) target(%dma_start3A_132 : memref<512x128xf32, #tpu.memory_space<hbm>>) target_semaphore(%run_scoped3A : memref<!tpu.dma_semaphore, #tpu.memory_space<semaphore_mem>>)
      %dma_wait3A_133 = arith.constant 0 : i32
      %dma_wait3A_134 = tpu.memref_slice %arg4[%add3A_26, %dma_wait3A_133] : memref<262144x128xf32, #tpu.memory_space<hbm>> -> memref<512x128xf32, #tpu.memory_space<hbm>>
      %dma_wait3A_135 = arith.constant 0 : i32
      %dma_wait3A_136 = tpu.memref_slice %arg4[%add3A_26, %dma_wait3A_135] : memref<262144x128xf32, #tpu.memory_space<hbm>> -> memref<512x128xf32, #tpu.memory_space<hbm>>
      tpu.wait_dma2 semaphore(%run_scoped3A : memref<!tpu.dma_semaphore, #tpu.memory_space<semaphore_mem>>) src(%arg6 : memref<512x128xf32, #tpu.memory_space<vmem>>) dst(%dma_wait3A_136 : memref<512x128xf32, #tpu.memory_space<hbm>>)
      tpu.yield
    }) : () -> ()
    %add3A_33 = arith.constant 2048 : i32
    %add3A_34 = arith.addi %mul3A_2, %add3A_33 : i32
    "tpu.region"() ({
      %run_scoped3A = tpu.sem_alloc : memref<!tpu.dma_semaphore, #tpu.memory_space<semaphore_mem>>
      %dma_start3A_129 = tpu.memref_slice %arg3[%add3A_34] : memref<262144xi32, #tpu.memory_space<hbm>> -> memref<512xi32, #tpu.memory_space<hbm>>
      %dma_start3A_130 = tpu.memref_slice %arg3[%add3A_34] : memref<262144xi32, #tpu.memory_space<hbm>> -> memref<512xi32, #tpu.memory_space<hbm>>
      tpu.enqueue_dma source(%dma_start3A_130 : memref<512xi32, #tpu.memory_space<hbm>>) target(%arg5 : memref<512xi32, #tpu.memory_space<vmem>>) target_semaphore(%run_scoped3A : memref<!tpu.dma_semaphore, #tpu.memory_space<semaphore_mem>>)
      %dma_wait3A_131 = tpu.memref_slice %arg3[%add3A_34] : memref<262144xi32, #tpu.memory_space<hbm>> -> memref<512xi32, #tpu.memory_space<hbm>>
      %dma_wait3A_132 = tpu.memref_slice %arg3[%add3A_34] : memref<262144xi32, #tpu.memory_space<hbm>> -> memref<512xi32, #tpu.memory_space<hbm>>
      tpu.wait_dma2 semaphore(%run_scoped3A : memref<!tpu.dma_semaphore, #tpu.memory_space<semaphore_mem>>) src(%dma_wait3A_132 : memref<512xi32, #tpu.memory_space<hbm>>) dst(%arg5 : memref<512xi32, #tpu.memory_space<vmem>>)
      tpu.yield
    }) : () -> ()
    %dma_start3A_35 = arith.constant 0 : i32
    %dma_start3A_36 = arith.constant 0 : i32
    %dma_start3A_37 = tpu.memref_slice %arg2[%dma_start3A_35, %dma_start3A_36] : memref<32768x128xf32, #tpu.memory_space<hbm>> -> memref<32768x128xf32, #tpu.memory_space<hbm>>
    tpu.enqueue_indirect_dma source(%dma_start3A_37 : memref<32768x128xf32, #tpu.memory_space<hbm>>) target(%arg6 : memref<512x128xf32, #tpu.memory_space<vmem>>) offsets(%arg5 : memref<512xi32, #tpu.memory_space<vmem>>) semaphore(%arg7 : memref<!tpu.dma_semaphore, #tpu.memory_space<semaphore_mem>>)
    %dma_wait3A_38 = arith.constant 0 : i32
    %dma_wait3A_39 = arith.constant 0 : i32
    %dma_wait3A_40 = tpu.memref_slice %arg2[%dma_wait3A_38, %dma_wait3A_39] : memref<32768x128xf32, #tpu.memory_space<hbm>> -> memref<32768x128xf32, #tpu.memory_space<hbm>>
    tpu.wait_indirect_dma semaphore(%arg7 : memref<!tpu.dma_semaphore, #tpu.memory_space<semaphore_mem>>) src(%dma_wait3A_40 : memref<32768x128xf32, #tpu.memory_space<hbm>>) dst(%arg6 : memref<512x128xf32, #tpu.memory_space<vmem>>)
    "tpu.region"() ({
      %run_scoped3A = tpu.sem_alloc : memref<!tpu.dma_semaphore, #tpu.memory_space<semaphore_mem>>
      %dma_start3A_129 = arith.constant 0 : i32
      %dma_start3A_130 = tpu.memref_slice %arg4[%add3A_34, %dma_start3A_129] : memref<262144x128xf32, #tpu.memory_space<hbm>> -> memref<512x128xf32, #tpu.memory_space<hbm>>
      %dma_start3A_131 = arith.constant 0 : i32
      %dma_start3A_132 = tpu.memref_slice %arg4[%add3A_34, %dma_start3A_131] : memref<262144x128xf32, #tpu.memory_space<hbm>> -> memref<512x128xf32, #tpu.memory_space<hbm>>
      tpu.enqueue_dma source(%arg6 : memref<512x128xf32, #tpu.memory_space<vmem>>) target(%dma_start3A_132 : memref<512x128xf32, #tpu.memory_space<hbm>>) target_semaphore(%run_scoped3A : memref<!tpu.dma_semaphore, #tpu.memory_space<semaphore_mem>>)
      %dma_wait3A_133 = arith.constant 0 : i32
      %dma_wait3A_134 = tpu.memref_slice %arg4[%add3A_34, %dma_wait3A_133] : memref<262144x128xf32, #tpu.memory_space<hbm>> -> memref<512x128xf32, #tpu.memory_space<hbm>>
      %dma_wait3A_135 = arith.constant 0 : i32
      %dma_wait3A_136 = tpu.memref_slice %arg4[%add3A_34, %dma_wait3A_135] : memref<262144x128xf32, #tpu.memory_space<hbm>> -> memref<512x128xf32, #tpu.memory_space<hbm>>
      tpu.wait_dma2 semaphore(%run_scoped3A : memref<!tpu.dma_semaphore, #tpu.memory_space<semaphore_mem>>) src(%arg6 : memref<512x128xf32, #tpu.memory_space<vmem>>) dst(%dma_wait3A_136 : memref<512x128xf32, #tpu.memory_space<hbm>>)
      tpu.yield
    }) : () -> ()
    %add3A_41 = arith.constant 2560 : i32
    %add3A_42 = arith.addi %mul3A_2, %add3A_41 : i32
    "tpu.region"() ({
      %run_scoped3A = tpu.sem_alloc : memref<!tpu.dma_semaphore, #tpu.memory_space<semaphore_mem>>
      %dma_start3A_129 = tpu.memref_slice %arg3[%add3A_42] : memref<262144xi32, #tpu.memory_space<hbm>> -> memref<512xi32, #tpu.memory_space<hbm>>
      %dma_start3A_130 = tpu.memref_slice %arg3[%add3A_42] : memref<262144xi32, #tpu.memory_space<hbm>> -> memref<512xi32, #tpu.memory_space<hbm>>
      tpu.enqueue_dma source(%dma_start3A_130 : memref<512xi32, #tpu.memory_space<hbm>>) target(%arg5 : memref<512xi32, #tpu.memory_space<vmem>>) target_semaphore(%run_scoped3A : memref<!tpu.dma_semaphore, #tpu.memory_space<semaphore_mem>>)
      %dma_wait3A_131 = tpu.memref_slice %arg3[%add3A_42] : memref<262144xi32, #tpu.memory_space<hbm>> -> memref<512xi32, #tpu.memory_space<hbm>>
      %dma_wait3A_132 = tpu.memref_slice %arg3[%add3A_42] : memref<262144xi32, #tpu.memory_space<hbm>> -> memref<512xi32, #tpu.memory_space<hbm>>
      tpu.wait_dma2 semaphore(%run_scoped3A : memref<!tpu.dma_semaphore, #tpu.memory_space<semaphore_mem>>) src(%dma_wait3A_132 : memref<512xi32, #tpu.memory_space<hbm>>) dst(%arg5 : memref<512xi32, #tpu.memory_space<vmem>>)
      tpu.yield
    }) : () -> ()
    %dma_start3A_43 = arith.constant 0 : i32
    %dma_start3A_44 = arith.constant 0 : i32
    %dma_start3A_45 = tpu.memref_slice %arg2[%dma_start3A_43, %dma_start3A_44] : memref<32768x128xf32, #tpu.memory_space<hbm>> -> memref<32768x128xf32, #tpu.memory_space<hbm>>
    tpu.enqueue_indirect_dma source(%dma_start3A_45 : memref<32768x128xf32, #tpu.memory_space<hbm>>) target(%arg6 : memref<512x128xf32, #tpu.memory_space<vmem>>) offsets(%arg5 : memref<512xi32, #tpu.memory_space<vmem>>) semaphore(%arg7 : memref<!tpu.dma_semaphore, #tpu.memory_space<semaphore_mem>>)
    %dma_wait3A_46 = arith.constant 0 : i32
    %dma_wait3A_47 = arith.constant 0 : i32
    %dma_wait3A_48 = tpu.memref_slice %arg2[%dma_wait3A_46, %dma_wait3A_47] : memref<32768x128xf32, #tpu.memory_space<hbm>> -> memref<32768x128xf32, #tpu.memory_space<hbm>>
    tpu.wait_indirect_dma semaphore(%arg7 : memref<!tpu.dma_semaphore, #tpu.memory_space<semaphore_mem>>) src(%dma_wait3A_48 : memref<32768x128xf32, #tpu.memory_space<hbm>>) dst(%arg6 : memref<512x128xf32, #tpu.memory_space<vmem>>)
    "tpu.region"() ({
      %run_scoped3A = tpu.sem_alloc : memref<!tpu.dma_semaphore, #tpu.memory_space<semaphore_mem>>
      %dma_start3A_129 = arith.constant 0 : i32
      %dma_start3A_130 = tpu.memref_slice %arg4[%add3A_42, %dma_start3A_129] : memref<262144x128xf32, #tpu.memory_space<hbm>> -> memref<512x128xf32, #tpu.memory_space<hbm>>
      %dma_start3A_131 = arith.constant 0 : i32
      %dma_start3A_132 = tpu.memref_slice %arg4[%add3A_42, %dma_start3A_131] : memref<262144x128xf32, #tpu.memory_space<hbm>> -> memref<512x128xf32, #tpu.memory_space<hbm>>
      tpu.enqueue_dma source(%arg6 : memref<512x128xf32, #tpu.memory_space<vmem>>) target(%dma_start3A_132 : memref<512x128xf32, #tpu.memory_space<hbm>>) target_semaphore(%run_scoped3A : memref<!tpu.dma_semaphore, #tpu.memory_space<semaphore_mem>>)
      %dma_wait3A_133 = arith.constant 0 : i32
      %dma_wait3A_134 = tpu.memref_slice %arg4[%add3A_42, %dma_wait3A_133] : memref<262144x128xf32, #tpu.memory_space<hbm>> -> memref<512x128xf32, #tpu.memory_space<hbm>>
      %dma_wait3A_135 = arith.constant 0 : i32
      %dma_wait3A_136 = tpu.memref_slice %arg4[%add3A_42, %dma_wait3A_135] : memref<262144x128xf32, #tpu.memory_space<hbm>> -> memref<512x128xf32, #tpu.memory_space<hbm>>
      tpu.wait_dma2 semaphore(%run_scoped3A : memref<!tpu.dma_semaphore, #tpu.memory_space<semaphore_mem>>) src(%arg6 : memref<512x128xf32, #tpu.memory_space<vmem>>) dst(%dma_wait3A_136 : memref<512x128xf32, #tpu.memory_space<hbm>>)
      tpu.yield
    }) : () -> ()
    %add3A_49 = arith.constant 3072 : i32
    %add3A_50 = arith.addi %mul3A_2, %add3A_49 : i32
    "tpu.region"() ({
      %run_scoped3A = tpu.sem_alloc : memref<!tpu.dma_semaphore, #tpu.memory_space<semaphore_mem>>
      %dma_start3A_129 = tpu.memref_slice %arg3[%add3A_50] : memref<262144xi32, #tpu.memory_space<hbm>> -> memref<512xi32, #tpu.memory_space<hbm>>
      %dma_start3A_130 = tpu.memref_slice %arg3[%add3A_50] : memref<262144xi32, #tpu.memory_space<hbm>> -> memref<512xi32, #tpu.memory_space<hbm>>
      tpu.enqueue_dma source(%dma_start3A_130 : memref<512xi32, #tpu.memory_space<hbm>>) target(%arg5 : memref<512xi32, #tpu.memory_space<vmem>>) target_semaphore(%run_scoped3A : memref<!tpu.dma_semaphore, #tpu.memory_space<semaphore_mem>>)
      %dma_wait3A_131 = tpu.memref_slice %arg3[%add3A_50] : memref<262144xi32, #tpu.memory_space<hbm>> -> memref<512xi32, #tpu.memory_space<hbm>>
      %dma_wait3A_132 = tpu.memref_slice %arg3[%add3A_50] : memref<262144xi32, #tpu.memory_space<hbm>> -> memref<512xi32, #tpu.memory_space<hbm>>
      tpu.wait_dma2 semaphore(%run_scoped3A : memref<!tpu.dma_semaphore, #tpu.memory_space<semaphore_mem>>) src(%dma_wait3A_132 : memref<512xi32, #tpu.memory_space<hbm>>) dst(%arg5 : memref<512xi32, #tpu.memory_space<vmem>>)
      tpu.yield
    }) : () -> ()
    %dma_start3A_51 = arith.constant 0 : i32
    %dma_start3A_52 = arith.constant 0 : i32
    %dma_start3A_53 = tpu.memref_slice %arg2[%dma_start3A_51, %dma_start3A_52] : memref<32768x128xf32, #tpu.memory_space<hbm>> -> memref<32768x128xf32, #tpu.memory_space<hbm>>
    tpu.enqueue_indirect_dma source(%dma_start3A_53 : memref<32768x128xf32, #tpu.memory_space<hbm>>) target(%arg6 : memref<512x128xf32, #tpu.memory_space<vmem>>) offsets(%arg5 : memref<512xi32, #tpu.memory_space<vmem>>) semaphore(%arg7 : memref<!tpu.dma_semaphore, #tpu.memory_space<semaphore_mem>>)
    %dma_wait3A_54 = arith.constant 0 : i32
    %dma_wait3A_55 = arith.constant 0 : i32
    %dma_wait3A_56 = tpu.memref_slice %arg2[%dma_wait3A_54, %dma_wait3A_55] : memref<32768x128xf32, #tpu.memory_space<hbm>> -> memref<32768x128xf32, #tpu.memory_space<hbm>>
    tpu.wait_indirect_dma semaphore(%arg7 : memref<!tpu.dma_semaphore, #tpu.memory_space<semaphore_mem>>) src(%dma_wait3A_56 : memref<32768x128xf32, #tpu.memory_space<hbm>>) dst(%arg6 : memref<512x128xf32, #tpu.memory_space<vmem>>)
    "tpu.region"() ({
      %run_scoped3A = tpu.sem_alloc : memref<!tpu.dma_semaphore, #tpu.memory_space<semaphore_mem>>
      %dma_start3A_129 = arith.constant 0 : i32
      %dma_start3A_130 = tpu.memref_slice %arg4[%add3A_50, %dma_start3A_129] : memref<262144x128xf32, #tpu.memory_space<hbm>> -> memref<512x128xf32, #tpu.memory_space<hbm>>
      %dma_start3A_131 = arith.constant 0 : i32
      %dma_start3A_132 = tpu.memref_slice %arg4[%add3A_50, %dma_start3A_131] : memref<262144x128xf32, #tpu.memory_space<hbm>> -> memref<512x128xf32, #tpu.memory_space<hbm>>
      tpu.enqueue_dma source(%arg6 : memref<512x128xf32, #tpu.memory_space<vmem>>) target(%dma_start3A_132 : memref<512x128xf32, #tpu.memory_space<hbm>>) target_semaphore(%run_scoped3A : memref<!tpu.dma_semaphore, #tpu.memory_space<semaphore_mem>>)
      %dma_wait3A_133 = arith.constant 0 : i32
      %dma_wait3A_134 = tpu.memref_slice %arg4[%add3A_50, %dma_wait3A_133] : memref<262144x128xf32, #tpu.memory_space<hbm>> -> memref<512x128xf32, #tpu.memory_space<hbm>>
      %dma_wait3A_135 = arith.constant 0 : i32
      %dma_wait3A_136 = tpu.memref_slice %arg4[%add3A_50, %dma_wait3A_135] : memref<262144x128xf32, #tpu.memory_space<hbm>> -> memref<512x128xf32, #tpu.memory_space<hbm>>
      tpu.wait_dma2 semaphore(%run_scoped3A : memref<!tpu.dma_semaphore, #tpu.memory_space<semaphore_mem>>) src(%arg6 : memref<512x128xf32, #tpu.memory_space<vmem>>) dst(%dma_wait3A_136 : memref<512x128xf32, #tpu.memory_space<hbm>>)
      tpu.yield
    }) : () -> ()
    %add3A_57 = arith.constant 3584 : i32
    %add3A_58 = arith.addi %mul3A_2, %add3A_57 : i32
    "tpu.region"() ({
      %run_scoped3A = tpu.sem_alloc : memref<!tpu.dma_semaphore, #tpu.memory_space<semaphore_mem>>
      %dma_start3A_129 = tpu.memref_slice %arg3[%add3A_58] : memref<262144xi32, #tpu.memory_space<hbm>> -> memref<512xi32, #tpu.memory_space<hbm>>
      %dma_start3A_130 = tpu.memref_slice %arg3[%add3A_58] : memref<262144xi32, #tpu.memory_space<hbm>> -> memref<512xi32, #tpu.memory_space<hbm>>
      tpu.enqueue_dma source(%dma_start3A_130 : memref<512xi32, #tpu.memory_space<hbm>>) target(%arg5 : memref<512xi32, #tpu.memory_space<vmem>>) target_semaphore(%run_scoped3A : memref<!tpu.dma_semaphore, #tpu.memory_space<semaphore_mem>>)
      %dma_wait3A_131 = tpu.memref_slice %arg3[%add3A_58] : memref<262144xi32, #tpu.memory_space<hbm>> -> memref<512xi32, #tpu.memory_space<hbm>>
      %dma_wait3A_132 = tpu.memref_slice %arg3[%add3A_58] : memref<262144xi32, #tpu.memory_space<hbm>> -> memref<512xi32, #tpu.memory_space<hbm>>
      tpu.wait_dma2 semaphore(%run_scoped3A : memref<!tpu.dma_semaphore, #tpu.memory_space<semaphore_mem>>) src(%dma_wait3A_132 : memref<512xi32, #tpu.memory_space<hbm>>) dst(%arg5 : memref<512xi32, #tpu.memory_space<vmem>>)
      tpu.yield
    }) : () -> ()
    %dma_start3A_59 = arith.constant 0 : i32
    %dma_start3A_60 = arith.constant 0 : i32
    %dma_start3A_61 = tpu.memref_slice %arg2[%dma_start3A_59, %dma_start3A_60] : memref<32768x128xf32, #tpu.memory_space<hbm>> -> memref<32768x128xf32, #tpu.memory_space<hbm>>
    tpu.enqueue_indirect_dma source(%dma_start3A_61 : memref<32768x128xf32, #tpu.memory_space<hbm>>) target(%arg6 : memref<512x128xf32, #tpu.memory_space<vmem>>) offsets(%arg5 : memref<512xi32, #tpu.memory_space<vmem>>) semaphore(%arg7 : memref<!tpu.dma_semaphore, #tpu.memory_space<semaphore_mem>>)
    %dma_wait3A_62 = arith.constant 0 : i32
    %dma_wait3A_63 = arith.constant 0 : i32
    %dma_wait3A_64 = tpu.memref_slice %arg2[%dma_wait3A_62, %dma_wait3A_63] : memref<32768x128xf32, #tpu.memory_space<hbm>> -> memref<32768x128xf32, #tpu.memory_space<hbm>>
    tpu.wait_indirect_dma semaphore(%arg7 : memref<!tpu.dma_semaphore, #tpu.memory_space<semaphore_mem>>) src(%dma_wait3A_64 : memref<32768x128xf32, #tpu.memory_space<hbm>>) dst(%arg6 : memref<512x128xf32, #tpu.memory_space<vmem>>)
    "tpu.region"() ({
      %run_scoped3A = tpu.sem_alloc : memref<!tpu.dma_semaphore, #tpu.memory_space<semaphore_mem>>
      %dma_start3A_129 = arith.constant 0 : i32
      %dma_start3A_130 = tpu.memref_slice %arg4[%add3A_58, %dma_start3A_129] : memref<262144x128xf32, #tpu.memory_space<hbm>> -> memref<512x128xf32, #tpu.memory_space<hbm>>
      %dma_start3A_131 = arith.constant 0 : i32
      %dma_start3A_132 = tpu.memref_slice %arg4[%add3A_58, %dma_start3A_131] : memref<262144x128xf32, #tpu.memory_space<hbm>> -> memref<512x128xf32, #tpu.memory_space<hbm>>
      tpu.enqueue_dma source(%arg6 : memref<512x128xf32, #tpu.memory_space<vmem>>) target(%dma_start3A_132 : memref<512x128xf32, #tpu.memory_space<hbm>>) target_semaphore(%run_scoped3A : memref<!tpu.dma_semaphore, #tpu.memory_space<semaphore_mem>>)
      %dma_wait3A_133 = arith.constant 0 : i32
      %dma_wait3A_134 = tpu.memref_slice %arg4[%add3A_58, %dma_wait3A_133] : memref<262144x128xf32, #tpu.memory_space<hbm>> -> memref<512x128xf32, #tpu.memory_space<hbm>>
      %dma_wait3A_135 = arith.constant 0 : i32
      %dma_wait3A_136 = tpu.memref_slice %arg4[%add3A_58, %dma_wait3A_135] : memref<262144x128xf32, #tpu.memory_space<hbm>> -> memref<512x128xf32, #tpu.memory_space<hbm>>
      tpu.wait_dma2 semaphore(%run_scoped3A : memref<!tpu.dma_semaphore, #tpu.memory_space<semaphore_mem>>) src(%arg6 : memref<512x128xf32, #tpu.memory_space<vmem>>) dst(%dma_wait3A_136 : memref<512x128xf32, #tpu.memory_space<hbm>>)
      tpu.yield
    }) : () -> ()
    %add3A_65 = arith.constant 4096 : i32
    %add3A_66 = arith.addi %mul3A_2, %add3A_65 : i32
    "tpu.region"() ({
      %run_scoped3A = tpu.sem_alloc : memref<!tpu.dma_semaphore, #tpu.memory_space<semaphore_mem>>
      %dma_start3A_129 = tpu.memref_slice %arg3[%add3A_66] : memref<262144xi32, #tpu.memory_space<hbm>> -> memref<512xi32, #tpu.memory_space<hbm>>
      %dma_start3A_130 = tpu.memref_slice %arg3[%add3A_66] : memref<262144xi32, #tpu.memory_space<hbm>> -> memref<512xi32, #tpu.memory_space<hbm>>
      tpu.enqueue_dma source(%dma_start3A_130 : memref<512xi32, #tpu.memory_space<hbm>>) target(%arg5 : memref<512xi32, #tpu.memory_space<vmem>>) target_semaphore(%run_scoped3A : memref<!tpu.dma_semaphore, #tpu.memory_space<semaphore_mem>>)
      %dma_wait3A_131 = tpu.memref_slice %arg3[%add3A_66] : memref<262144xi32, #tpu.memory_space<hbm>> -> memref<512xi32, #tpu.memory_space<hbm>>
      %dma_wait3A_132 = tpu.memref_slice %arg3[%add3A_66] : memref<262144xi32, #tpu.memory_space<hbm>> -> memref<512xi32, #tpu.memory_space<hbm>>
      tpu.wait_dma2 semaphore(%run_scoped3A : memref<!tpu.dma_semaphore, #tpu.memory_space<semaphore_mem>>) src(%dma_wait3A_132 : memref<512xi32, #tpu.memory_space<hbm>>) dst(%arg5 : memref<512xi32, #tpu.memory_space<vmem>>)
      tpu.yield
    }) : () -> ()
    %dma_start3A_67 = arith.constant 0 : i32
    %dma_start3A_68 = arith.constant 0 : i32
    %dma_start3A_69 = tpu.memref_slice %arg2[%dma_start3A_67, %dma_start3A_68] : memref<32768x128xf32, #tpu.memory_space<hbm>> -> memref<32768x128xf32, #tpu.memory_space<hbm>>
    tpu.enqueue_indirect_dma source(%dma_start3A_69 : memref<32768x128xf32, #tpu.memory_space<hbm>>) target(%arg6 : memref<512x128xf32, #tpu.memory_space<vmem>>) offsets(%arg5 : memref<512xi32, #tpu.memory_space<vmem>>) semaphore(%arg7 : memref<!tpu.dma_semaphore, #tpu.memory_space<semaphore_mem>>)
    %dma_wait3A_70 = arith.constant 0 : i32
    %dma_wait3A_71 = arith.constant 0 : i32
    %dma_wait3A_72 = tpu.memref_slice %arg2[%dma_wait3A_70, %dma_wait3A_71] : memref<32768x128xf32, #tpu.memory_space<hbm>> -> memref<32768x128xf32, #tpu.memory_space<hbm>>
    tpu.wait_indirect_dma semaphore(%arg7 : memref<!tpu.dma_semaphore, #tpu.memory_space<semaphore_mem>>) src(%dma_wait3A_72 : memref<32768x128xf32, #tpu.memory_space<hbm>>) dst(%arg6 : memref<512x128xf32, #tpu.memory_space<vmem>>)
    "tpu.region"() ({
      %run_scoped3A = tpu.sem_alloc : memref<!tpu.dma_semaphore, #tpu.memory_space<semaphore_mem>>
      %dma_start3A_129 = arith.constant 0 : i32
      %dma_start3A_130 = tpu.memref_slice %arg4[%add3A_66, %dma_start3A_129] : memref<262144x128xf32, #tpu.memory_space<hbm>> -> memref<512x128xf32, #tpu.memory_space<hbm>>
      %dma_start3A_131 = arith.constant 0 : i32
      %dma_start3A_132 = tpu.memref_slice %arg4[%add3A_66, %dma_start3A_131] : memref<262144x128xf32, #tpu.memory_space<hbm>> -> memref<512x128xf32, #tpu.memory_space<hbm>>
      tpu.enqueue_dma source(%arg6 : memref<512x128xf32, #tpu.memory_space<vmem>>) target(%dma_start3A_132 : memref<512x128xf32, #tpu.memory_space<hbm>>) target_semaphore(%run_scoped3A : memref<!tpu.dma_semaphore, #tpu.memory_space<semaphore_mem>>)
      %dma_wait3A_133 = arith.constant 0 : i32
      %dma_wait3A_134 = tpu.memref_slice %arg4[%add3A_66, %dma_wait3A_133] : memref<262144x128xf32, #tpu.memory_space<hbm>> -> memref<512x128xf32, #tpu.memory_space<hbm>>
      %dma_wait3A_135 = arith.constant 0 : i32
      %dma_wait3A_136 = tpu.memref_slice %arg4[%add3A_66, %dma_wait3A_135] : memref<262144x128xf32, #tpu.memory_space<hbm>> -> memref<512x128xf32, #tpu.memory_space<hbm>>
      tpu.wait_dma2 semaphore(%run_scoped3A : memref<!tpu.dma_semaphore, #tpu.memory_space<semaphore_mem>>) src(%arg6 : memref<512x128xf32, #tpu.memory_space<vmem>>) dst(%dma_wait3A_136 : memref<512x128xf32, #tpu.memory_space<hbm>>)
      tpu.yield
    }) : () -> ()
    %add3A_73 = arith.constant 4608 : i32
    %add3A_74 = arith.addi %mul3A_2, %add3A_73 : i32
    "tpu.region"() ({
      %run_scoped3A = tpu.sem_alloc : memref<!tpu.dma_semaphore, #tpu.memory_space<semaphore_mem>>
      %dma_start3A_129 = tpu.memref_slice %arg3[%add3A_74] : memref<262144xi32, #tpu.memory_space<hbm>> -> memref<512xi32, #tpu.memory_space<hbm>>
      %dma_start3A_130 = tpu.memref_slice %arg3[%add3A_74] : memref<262144xi32, #tpu.memory_space<hbm>> -> memref<512xi32, #tpu.memory_space<hbm>>
      tpu.enqueue_dma source(%dma_start3A_130 : memref<512xi32, #tpu.memory_space<hbm>>) target(%arg5 : memref<512xi32, #tpu.memory_space<vmem>>) target_semaphore(%run_scoped3A : memref<!tpu.dma_semaphore, #tpu.memory_space<semaphore_mem>>)
      %dma_wait3A_131 = tpu.memref_slice %arg3[%add3A_74] : memref<262144xi32, #tpu.memory_space<hbm>> -> memref<512xi32, #tpu.memory_space<hbm>>
      %dma_wait3A_132 = tpu.memref_slice %arg3[%add3A_74] : memref<262144xi32, #tpu.memory_space<hbm>> -> memref<512xi32, #tpu.memory_space<hbm>>
      tpu.wait_dma2 semaphore(%run_scoped3A : memref<!tpu.dma_semaphore, #tpu.memory_space<semaphore_mem>>) src(%dma_wait3A_132 : memref<512xi32, #tpu.memory_space<hbm>>) dst(%arg5 : memref<512xi32, #tpu.memory_space<vmem>>)
      tpu.yield
    }) : () -> ()
    %dma_start3A_75 = arith.constant 0 : i32
    %dma_start3A_76 = arith.constant 0 : i32
    %dma_start3A_77 = tpu.memref_slice %arg2[%dma_start3A_75, %dma_start3A_76] : memref<32768x128xf32, #tpu.memory_space<hbm>> -> memref<32768x128xf32, #tpu.memory_space<hbm>>
    tpu.enqueue_indirect_dma source(%dma_start3A_77 : memref<32768x128xf32, #tpu.memory_space<hbm>>) target(%arg6 : memref<512x128xf32, #tpu.memory_space<vmem>>) offsets(%arg5 : memref<512xi32, #tpu.memory_space<vmem>>) semaphore(%arg7 : memref<!tpu.dma_semaphore, #tpu.memory_space<semaphore_mem>>)
    %dma_wait3A_78 = arith.constant 0 : i32
    %dma_wait3A_79 = arith.constant 0 : i32
    %dma_wait3A_80 = tpu.memref_slice %arg2[%dma_wait3A_78, %dma_wait3A_79] : memref<32768x128xf32, #tpu.memory_space<hbm>> -> memref<32768x128xf32, #tpu.memory_space<hbm>>
    tpu.wait_indirect_dma semaphore(%arg7 : memref<!tpu.dma_semaphore, #tpu.memory_space<semaphore_mem>>) src(%dma_wait3A_80 : memref<32768x128xf32, #tpu.memory_space<hbm>>) dst(%arg6 : memref<512x128xf32, #tpu.memory_space<vmem>>)
    "tpu.region"() ({
      %run_scoped3A = tpu.sem_alloc : memref<!tpu.dma_semaphore, #tpu.memory_space<semaphore_mem>>
      %dma_start3A_129 = arith.constant 0 : i32
      %dma_start3A_130 = tpu.memref_slice %arg4[%add3A_74, %dma_start3A_129] : memref<262144x128xf32, #tpu.memory_space<hbm>> -> memref<512x128xf32, #tpu.memory_space<hbm>>
      %dma_start3A_131 = arith.constant 0 : i32
      %dma_start3A_132 = tpu.memref_slice %arg4[%add3A_74, %dma_start3A_131] : memref<262144x128xf32, #tpu.memory_space<hbm>> -> memref<512x128xf32, #tpu.memory_space<hbm>>
      tpu.enqueue_dma source(%arg6 : memref<512x128xf32, #tpu.memory_space<vmem>>) target(%dma_start3A_132 : memref<512x128xf32, #tpu.memory_space<hbm>>) target_semaphore(%run_scoped3A : memref<!tpu.dma_semaphore, #tpu.memory_space<semaphore_mem>>)
      %dma_wait3A_133 = arith.constant 0 : i32
      %dma_wait3A_134 = tpu.memref_slice %arg4[%add3A_74, %dma_wait3A_133] : memref<262144x128xf32, #tpu.memory_space<hbm>> -> memref<512x128xf32, #tpu.memory_space<hbm>>
      %dma_wait3A_135 = arith.constant 0 : i32
      %dma_wait3A_136 = tpu.memref_slice %arg4[%add3A_74, %dma_wait3A_135] : memref<262144x128xf32, #tpu.memory_space<hbm>> -> memref<512x128xf32, #tpu.memory_space<hbm>>
      tpu.wait_dma2 semaphore(%run_scoped3A : memref<!tpu.dma_semaphore, #tpu.memory_space<semaphore_mem>>) src(%arg6 : memref<512x128xf32, #tpu.memory_space<vmem>>) dst(%dma_wait3A_136 : memref<512x128xf32, #tpu.memory_space<hbm>>)
      tpu.yield
    }) : () -> ()
    %add3A_81 = arith.constant 5120 : i32
    %add3A_82 = arith.addi %mul3A_2, %add3A_81 : i32
    "tpu.region"() ({
      %run_scoped3A = tpu.sem_alloc : memref<!tpu.dma_semaphore, #tpu.memory_space<semaphore_mem>>
      %dma_start3A_129 = tpu.memref_slice %arg3[%add3A_82] : memref<262144xi32, #tpu.memory_space<hbm>> -> memref<512xi32, #tpu.memory_space<hbm>>
      %dma_start3A_130 = tpu.memref_slice %arg3[%add3A_82] : memref<262144xi32, #tpu.memory_space<hbm>> -> memref<512xi32, #tpu.memory_space<hbm>>
      tpu.enqueue_dma source(%dma_start3A_130 : memref<512xi32, #tpu.memory_space<hbm>>) target(%arg5 : memref<512xi32, #tpu.memory_space<vmem>>) target_semaphore(%run_scoped3A : memref<!tpu.dma_semaphore, #tpu.memory_space<semaphore_mem>>)
      %dma_wait3A_131 = tpu.memref_slice %arg3[%add3A_82] : memref<262144xi32, #tpu.memory_space<hbm>> -> memref<512xi32, #tpu.memory_space<hbm>>
      %dma_wait3A_132 = tpu.memref_slice %arg3[%add3A_82] : memref<262144xi32, #tpu.memory_space<hbm>> -> memref<512xi32, #tpu.memory_space<hbm>>
      tpu.wait_dma2 semaphore(%run_scoped3A : memref<!tpu.dma_semaphore, #tpu.memory_space<semaphore_mem>>) src(%dma_wait3A_132 : memref<512xi32, #tpu.memory_space<hbm>>) dst(%arg5 : memref<512xi32, #tpu.memory_space<vmem>>)
      tpu.yield
    }) : () -> ()
    %dma_start3A_83 = arith.constant 0 : i32
    %dma_start3A_84 = arith.constant 0 : i32
    %dma_start3A_85 = tpu.memref_slice %arg2[%dma_start3A_83, %dma_start3A_84] : memref<32768x128xf32, #tpu.memory_space<hbm>> -> memref<32768x128xf32, #tpu.memory_space<hbm>>
    tpu.enqueue_indirect_dma source(%dma_start3A_85 : memref<32768x128xf32, #tpu.memory_space<hbm>>) target(%arg6 : memref<512x128xf32, #tpu.memory_space<vmem>>) offsets(%arg5 : memref<512xi32, #tpu.memory_space<vmem>>) semaphore(%arg7 : memref<!tpu.dma_semaphore, #tpu.memory_space<semaphore_mem>>)
    %dma_wait3A_86 = arith.constant 0 : i32
    %dma_wait3A_87 = arith.constant 0 : i32
    %dma_wait3A_88 = tpu.memref_slice %arg2[%dma_wait3A_86, %dma_wait3A_87] : memref<32768x128xf32, #tpu.memory_space<hbm>> -> memref<32768x128xf32, #tpu.memory_space<hbm>>
    tpu.wait_indirect_dma semaphore(%arg7 : memref<!tpu.dma_semaphore, #tpu.memory_space<semaphore_mem>>) src(%dma_wait3A_88 : memref<32768x128xf32, #tpu.memory_space<hbm>>) dst(%arg6 : memref<512x128xf32, #tpu.memory_space<vmem>>)
    "tpu.region"() ({
      %run_scoped3A = tpu.sem_alloc : memref<!tpu.dma_semaphore, #tpu.memory_space<semaphore_mem>>
      %dma_start3A_129 = arith.constant 0 : i32
      %dma_start3A_130 = tpu.memref_slice %arg4[%add3A_82, %dma_start3A_129] : memref<262144x128xf32, #tpu.memory_space<hbm>> -> memref<512x128xf32, #tpu.memory_space<hbm>>
      %dma_start3A_131 = arith.constant 0 : i32
      %dma_start3A_132 = tpu.memref_slice %arg4[%add3A_82, %dma_start3A_131] : memref<262144x128xf32, #tpu.memory_space<hbm>> -> memref<512x128xf32, #tpu.memory_space<hbm>>
      tpu.enqueue_dma source(%arg6 : memref<512x128xf32, #tpu.memory_space<vmem>>) target(%dma_start3A_132 : memref<512x128xf32, #tpu.memory_space<hbm>>) target_semaphore(%run_scoped3A : memref<!tpu.dma_semaphore, #tpu.memory_space<semaphore_mem>>)
      %dma_wait3A_133 = arith.constant 0 : i32
      %dma_wait3A_134 = tpu.memref_slice %arg4[%add3A_82, %dma_wait3A_133] : memref<262144x128xf32, #tpu.memory_space<hbm>> -> memref<512x128xf32, #tpu.memory_space<hbm>>
      %dma_wait3A_135 = arith.constant 0 : i32
      %dma_wait3A_136 = tpu.memref_slice %arg4[%add3A_82, %dma_wait3A_135] : memref<262144x128xf32, #tpu.memory_space<hbm>> -> memref<512x128xf32, #tpu.memory_space<hbm>>
      tpu.wait_dma2 semaphore(%run_scoped3A : memref<!tpu.dma_semaphore, #tpu.memory_space<semaphore_mem>>) src(%arg6 : memref<512x128xf32, #tpu.memory_space<vmem>>) dst(%dma_wait3A_136 : memref<512x128xf32, #tpu.memory_space<hbm>>)
      tpu.yield
    }) : () -> ()
    %add3A_89 = arith.constant 5632 : i32
    %add3A_90 = arith.addi %mul3A_2, %add3A_89 : i32
    "tpu.region"() ({
      %run_scoped3A = tpu.sem_alloc : memref<!tpu.dma_semaphore, #tpu.memory_space<semaphore_mem>>
      %dma_start3A_129 = tpu.memref_slice %arg3[%add3A_90] : memref<262144xi32, #tpu.memory_space<hbm>> -> memref<512xi32, #tpu.memory_space<hbm>>
      %dma_start3A_130 = tpu.memref_slice %arg3[%add3A_90] : memref<262144xi32, #tpu.memory_space<hbm>> -> memref<512xi32, #tpu.memory_space<hbm>>
      tpu.enqueue_dma source(%dma_start3A_130 : memref<512xi32, #tpu.memory_space<hbm>>) target(%arg5 : memref<512xi32, #tpu.memory_space<vmem>>) target_semaphore(%run_scoped3A : memref<!tpu.dma_semaphore, #tpu.memory_space<semaphore_mem>>)
      %dma_wait3A_131 = tpu.memref_slice %arg3[%add3A_90] : memref<262144xi32, #tpu.memory_space<hbm>> -> memref<512xi32, #tpu.memory_space<hbm>>
      %dma_wait3A_132 = tpu.memref_slice %arg3[%add3A_90] : memref<262144xi32, #tpu.memory_space<hbm>> -> memref<512xi32, #tpu.memory_space<hbm>>
      tpu.wait_dma2 semaphore(%run_scoped3A : memref<!tpu.dma_semaphore, #tpu.memory_space<semaphore_mem>>) src(%dma_wait3A_132 : memref<512xi32, #tpu.memory_space<hbm>>) dst(%arg5 : memref<512xi32, #tpu.memory_space<vmem>>)
      tpu.yield
    }) : () -> ()
    %dma_start3A_91 = arith.constant 0 : i32
    %dma_start3A_92 = arith.constant 0 : i32
    %dma_start3A_93 = tpu.memref_slice %arg2[%dma_start3A_91, %dma_start3A_92] : memref<32768x128xf32, #tpu.memory_space<hbm>> -> memref<32768x128xf32, #tpu.memory_space<hbm>>
    tpu.enqueue_indirect_dma source(%dma_start3A_93 : memref<32768x128xf32, #tpu.memory_space<hbm>>) target(%arg6 : memref<512x128xf32, #tpu.memory_space<vmem>>) offsets(%arg5 : memref<512xi32, #tpu.memory_space<vmem>>) semaphore(%arg7 : memref<!tpu.dma_semaphore, #tpu.memory_space<semaphore_mem>>)
    %dma_wait3A_94 = arith.constant 0 : i32
    %dma_wait3A_95 = arith.constant 0 : i32
    %dma_wait3A_96 = tpu.memref_slice %arg2[%dma_wait3A_94, %dma_wait3A_95] : memref<32768x128xf32, #tpu.memory_space<hbm>> -> memref<32768x128xf32, #tpu.memory_space<hbm>>
    tpu.wait_indirect_dma semaphore(%arg7 : memref<!tpu.dma_semaphore, #tpu.memory_space<semaphore_mem>>) src(%dma_wait3A_96 : memref<32768x128xf32, #tpu.memory_space<hbm>>) dst(%arg6 : memref<512x128xf32, #tpu.memory_space<vmem>>)
    "tpu.region"() ({
      %run_scoped3A = tpu.sem_alloc : memref<!tpu.dma_semaphore, #tpu.memory_space<semaphore_mem>>
      %dma_start3A_129 = arith.constant 0 : i32
      %dma_start3A_130 = tpu.memref_slice %arg4[%add3A_90, %dma_start3A_129] : memref<262144x128xf32, #tpu.memory_space<hbm>> -> memref<512x128xf32, #tpu.memory_space<hbm>>
      %dma_start3A_131 = arith.constant 0 : i32
      %dma_start3A_132 = tpu.memref_slice %arg4[%add3A_90, %dma_start3A_131] : memref<262144x128xf32, #tpu.memory_space<hbm>> -> memref<512x128xf32, #tpu.memory_space<hbm>>
      tpu.enqueue_dma source(%arg6 : memref<512x128xf32, #tpu.memory_space<vmem>>) target(%dma_start3A_132 : memref<512x128xf32, #tpu.memory_space<hbm>>) target_semaphore(%run_scoped3A : memref<!tpu.dma_semaphore, #tpu.memory_space<semaphore_mem>>)
      %dma_wait3A_133 = arith.constant 0 : i32
      %dma_wait3A_134 = tpu.memref_slice %arg4[%add3A_90, %dma_wait3A_133] : memref<262144x128xf32, #tpu.memory_space<hbm>> -> memref<512x128xf32, #tpu.memory_space<hbm>>
      %dma_wait3A_135 = arith.constant 0 : i32
      %dma_wait3A_136 = tpu.memref_slice %arg4[%add3A_90, %dma_wait3A_135] : memref<262144x128xf32, #tpu.memory_space<hbm>> -> memref<512x128xf32, #tpu.memory_space<hbm>>
      tpu.wait_dma2 semaphore(%run_scoped3A : memref<!tpu.dma_semaphore, #tpu.memory_space<semaphore_mem>>) src(%arg6 : memref<512x128xf32, #tpu.memory_space<vmem>>) dst(%dma_wait3A_136 : memref<512x128xf32, #tpu.memory_space<hbm>>)
      tpu.yield
    }) : () -> ()
    %add3A_97 = arith.constant 6144 : i32
    %add3A_98 = arith.addi %mul3A_2, %add3A_97 : i32
    "tpu.region"() ({
      %run_scoped3A = tpu.sem_alloc : memref<!tpu.dma_semaphore, #tpu.memory_space<semaphore_mem>>
      %dma_start3A_129 = tpu.memref_slice %arg3[%add3A_98] : memref<262144xi32, #tpu.memory_space<hbm>> -> memref<512xi32, #tpu.memory_space<hbm>>
      %dma_start3A_130 = tpu.memref_slice %arg3[%add3A_98] : memref<262144xi32, #tpu.memory_space<hbm>> -> memref<512xi32, #tpu.memory_space<hbm>>
      tpu.enqueue_dma source(%dma_start3A_130 : memref<512xi32, #tpu.memory_space<hbm>>) target(%arg5 : memref<512xi32, #tpu.memory_space<vmem>>) target_semaphore(%run_scoped3A : memref<!tpu.dma_semaphore, #tpu.memory_space<semaphore_mem>>)
      %dma_wait3A_131 = tpu.memref_slice %arg3[%add3A_98] : memref<262144xi32, #tpu.memory_space<hbm>> -> memref<512xi32, #tpu.memory_space<hbm>>
      %dma_wait3A_132 = tpu.memref_slice %arg3[%add3A_98] : memref<262144xi32, #tpu.memory_space<hbm>> -> memref<512xi32, #tpu.memory_space<hbm>>
      tpu.wait_dma2 semaphore(%run_scoped3A : memref<!tpu.dma_semaphore, #tpu.memory_space<semaphore_mem>>) src(%dma_wait3A_132 : memref<512xi32, #tpu.memory_space<hbm>>) dst(%arg5 : memref<512xi32, #tpu.memory_space<vmem>>)
      tpu.yield
    }) : () -> ()
    %dma_start3A_99 = arith.constant 0 : i32
    %dma_start3A_100 = arith.constant 0 : i32
    %dma_start3A_101 = tpu.memref_slice %arg2[%dma_start3A_99, %dma_start3A_100] : memref<32768x128xf32, #tpu.memory_space<hbm>> -> memref<32768x128xf32, #tpu.memory_space<hbm>>
    tpu.enqueue_indirect_dma source(%dma_start3A_101 : memref<32768x128xf32, #tpu.memory_space<hbm>>) target(%arg6 : memref<512x128xf32, #tpu.memory_space<vmem>>) offsets(%arg5 : memref<512xi32, #tpu.memory_space<vmem>>) semaphore(%arg7 : memref<!tpu.dma_semaphore, #tpu.memory_space<semaphore_mem>>)
    %dma_wait3A_102 = arith.constant 0 : i32
    %dma_wait3A_103 = arith.constant 0 : i32
    %dma_wait3A_104 = tpu.memref_slice %arg2[%dma_wait3A_102, %dma_wait3A_103] : memref<32768x128xf32, #tpu.memory_space<hbm>> -> memref<32768x128xf32, #tpu.memory_space<hbm>>
    tpu.wait_indirect_dma semaphore(%arg7 : memref<!tpu.dma_semaphore, #tpu.memory_space<semaphore_mem>>) src(%dma_wait3A_104 : memref<32768x128xf32, #tpu.memory_space<hbm>>) dst(%arg6 : memref<512x128xf32, #tpu.memory_space<vmem>>)
    "tpu.region"() ({
      %run_scoped3A = tpu.sem_alloc : memref<!tpu.dma_semaphore, #tpu.memory_space<semaphore_mem>>
      %dma_start3A_129 = arith.constant 0 : i32
      %dma_start3A_130 = tpu.memref_slice %arg4[%add3A_98, %dma_start3A_129] : memref<262144x128xf32, #tpu.memory_space<hbm>> -> memref<512x128xf32, #tpu.memory_space<hbm>>
      %dma_start3A_131 = arith.constant 0 : i32
      %dma_start3A_132 = tpu.memref_slice %arg4[%add3A_98, %dma_start3A_131] : memref<262144x128xf32, #tpu.memory_space<hbm>> -> memref<512x128xf32, #tpu.memory_space<hbm>>
      tpu.enqueue_dma source(%arg6 : memref<512x128xf32, #tpu.memory_space<vmem>>) target(%dma_start3A_132 : memref<512x128xf32, #tpu.memory_space<hbm>>) target_semaphore(%run_scoped3A : memref<!tpu.dma_semaphore, #tpu.memory_space<semaphore_mem>>)
      %dma_wait3A_133 = arith.constant 0 : i32
      %dma_wait3A_134 = tpu.memref_slice %arg4[%add3A_98, %dma_wait3A_133] : memref<262144x128xf32, #tpu.memory_space<hbm>> -> memref<512x128xf32, #tpu.memory_space<hbm>>
      %dma_wait3A_135 = arith.constant 0 : i32
      %dma_wait3A_136 = tpu.memref_slice %arg4[%add3A_98, %dma_wait3A_135] : memref<262144x128xf32, #tpu.memory_space<hbm>> -> memref<512x128xf32, #tpu.memory_space<hbm>>
      tpu.wait_dma2 semaphore(%run_scoped3A : memref<!tpu.dma_semaphore, #tpu.memory_space<semaphore_mem>>) src(%arg6 : memref<512x128xf32, #tpu.memory_space<vmem>>) dst(%dma_wait3A_136 : memref<512x128xf32, #tpu.memory_space<hbm>>)
      tpu.yield
    }) : () -> ()
    %add3A_105 = arith.constant 6656 : i32
    %add3A_106 = arith.addi %mul3A_2, %add3A_105 : i32
    "tpu.region"() ({
      %run_scoped3A = tpu.sem_alloc : memref<!tpu.dma_semaphore, #tpu.memory_space<semaphore_mem>>
      %dma_start3A_129 = tpu.memref_slice %arg3[%add3A_106] : memref<262144xi32, #tpu.memory_space<hbm>> -> memref<512xi32, #tpu.memory_space<hbm>>
      %dma_start3A_130 = tpu.memref_slice %arg3[%add3A_106] : memref<262144xi32, #tpu.memory_space<hbm>> -> memref<512xi32, #tpu.memory_space<hbm>>
      tpu.enqueue_dma source(%dma_start3A_130 : memref<512xi32, #tpu.memory_space<hbm>>) target(%arg5 : memref<512xi32, #tpu.memory_space<vmem>>) target_semaphore(%run_scoped3A : memref<!tpu.dma_semaphore, #tpu.memory_space<semaphore_mem>>)
      %dma_wait3A_131 = tpu.memref_slice %arg3[%add3A_106] : memref<262144xi32, #tpu.memory_space<hbm>> -> memref<512xi32, #tpu.memory_space<hbm>>
      %dma_wait3A_132 = tpu.memref_slice %arg3[%add3A_106] : memref<262144xi32, #tpu.memory_space<hbm>> -> memref<512xi32, #tpu.memory_space<hbm>>
      tpu.wait_dma2 semaphore(%run_scoped3A : memref<!tpu.dma_semaphore, #tpu.memory_space<semaphore_mem>>) src(%dma_wait3A_132 : memref<512xi32, #tpu.memory_space<hbm>>) dst(%arg5 : memref<512xi32, #tpu.memory_space<vmem>>)
      tpu.yield
    }) : () -> ()
    %dma_start3A_107 = arith.constant 0 : i32
    %dma_start3A_108 = arith.constant 0 : i32
    %dma_start3A_109 = tpu.memref_slice %arg2[%dma_start3A_107, %dma_start3A_108] : memref<32768x128xf32, #tpu.memory_space<hbm>> -> memref<32768x128xf32, #tpu.memory_space<hbm>>
    tpu.enqueue_indirect_dma source(%dma_start3A_109 : memref<32768x128xf32, #tpu.memory_space<hbm>>) target(%arg6 : memref<512x128xf32, #tpu.memory_space<vmem>>) offsets(%arg5 : memref<512xi32, #tpu.memory_space<vmem>>) semaphore(%arg7 : memref<!tpu.dma_semaphore, #tpu.memory_space<semaphore_mem>>)
    %dma_wait3A_110 = arith.constant 0 : i32
    %dma_wait3A_111 = arith.constant 0 : i32
    %dma_wait3A_112 = tpu.memref_slice %arg2[%dma_wait3A_110, %dma_wait3A_111] : memref<32768x128xf32, #tpu.memory_space<hbm>> -> memref<32768x128xf32, #tpu.memory_space<hbm>>
    tpu.wait_indirect_dma semaphore(%arg7 : memref<!tpu.dma_semaphore, #tpu.memory_space<semaphore_mem>>) src(%dma_wait3A_112 : memref<32768x128xf32, #tpu.memory_space<hbm>>) dst(%arg6 : memref<512x128xf32, #tpu.memory_space<vmem>>)
    "tpu.region"() ({
      %run_scoped3A = tpu.sem_alloc : memref<!tpu.dma_semaphore, #tpu.memory_space<semaphore_mem>>
      %dma_start3A_129 = arith.constant 0 : i32
      %dma_start3A_130 = tpu.memref_slice %arg4[%add3A_106, %dma_start3A_129] : memref<262144x128xf32, #tpu.memory_space<hbm>> -> memref<512x128xf32, #tpu.memory_space<hbm>>
      %dma_start3A_131 = arith.constant 0 : i32
      %dma_start3A_132 = tpu.memref_slice %arg4[%add3A_106, %dma_start3A_131] : memref<262144x128xf32, #tpu.memory_space<hbm>> -> memref<512x128xf32, #tpu.memory_space<hbm>>
      tpu.enqueue_dma source(%arg6 : memref<512x128xf32, #tpu.memory_space<vmem>>) target(%dma_start3A_132 : memref<512x128xf32, #tpu.memory_space<hbm>>) target_semaphore(%run_scoped3A : memref<!tpu.dma_semaphore, #tpu.memory_space<semaphore_mem>>)
      %dma_wait3A_133 = arith.constant 0 : i32
      %dma_wait3A_134 = tpu.memref_slice %arg4[%add3A_106, %dma_wait3A_133] : memref<262144x128xf32, #tpu.memory_space<hbm>> -> memref<512x128xf32, #tpu.memory_space<hbm>>
      %dma_wait3A_135 = arith.constant 0 : i32
      %dma_wait3A_136 = tpu.memref_slice %arg4[%add3A_106, %dma_wait3A_135] : memref<262144x128xf32, #tpu.memory_space<hbm>> -> memref<512x128xf32, #tpu.memory_space<hbm>>
      tpu.wait_dma2 semaphore(%run_scoped3A : memref<!tpu.dma_semaphore, #tpu.memory_space<semaphore_mem>>) src(%arg6 : memref<512x128xf32, #tpu.memory_space<vmem>>) dst(%dma_wait3A_136 : memref<512x128xf32, #tpu.memory_space<hbm>>)
      tpu.yield
    }) : () -> ()
    %add3A_113 = arith.constant 7168 : i32
    %add3A_114 = arith.addi %mul3A_2, %add3A_113 : i32
    "tpu.region"() ({
      %run_scoped3A = tpu.sem_alloc : memref<!tpu.dma_semaphore, #tpu.memory_space<semaphore_mem>>
      %dma_start3A_129 = tpu.memref_slice %arg3[%add3A_114] : memref<262144xi32, #tpu.memory_space<hbm>> -> memref<512xi32, #tpu.memory_space<hbm>>
      %dma_start3A_130 = tpu.memref_slice %arg3[%add3A_114] : memref<262144xi32, #tpu.memory_space<hbm>> -> memref<512xi32, #tpu.memory_space<hbm>>
      tpu.enqueue_dma source(%dma_start3A_130 : memref<512xi32, #tpu.memory_space<hbm>>) target(%arg5 : memref<512xi32, #tpu.memory_space<vmem>>) target_semaphore(%run_scoped3A : memref<!tpu.dma_semaphore, #tpu.memory_space<semaphore_mem>>)
      %dma_wait3A_131 = tpu.memref_slice %arg3[%add3A_114] : memref<262144xi32, #tpu.memory_space<hbm>> -> memref<512xi32, #tpu.memory_space<hbm>>
      %dma_wait3A_132 = tpu.memref_slice %arg3[%add3A_114] : memref<262144xi32, #tpu.memory_space<hbm>> -> memref<512xi32, #tpu.memory_space<hbm>>
      tpu.wait_dma2 semaphore(%run_scoped3A : memref<!tpu.dma_semaphore, #tpu.memory_space<semaphore_mem>>) src(%dma_wait3A_132 : memref<512xi32, #tpu.memory_space<hbm>>) dst(%arg5 : memref<512xi32, #tpu.memory_space<vmem>>)
      tpu.yield
    }) : () -> ()
    %dma_start3A_115 = arith.constant 0 : i32
    %dma_start3A_116 = arith.constant 0 : i32
    %dma_start3A_117 = tpu.memref_slice %arg2[%dma_start3A_115, %dma_start3A_116] : memref<32768x128xf32, #tpu.memory_space<hbm>> -> memref<32768x128xf32, #tpu.memory_space<hbm>>
    tpu.enqueue_indirect_dma source(%dma_start3A_117 : memref<32768x128xf32, #tpu.memory_space<hbm>>) target(%arg6 : memref<512x128xf32, #tpu.memory_space<vmem>>) offsets(%arg5 : memref<512xi32, #tpu.memory_space<vmem>>) semaphore(%arg7 : memref<!tpu.dma_semaphore, #tpu.memory_space<semaphore_mem>>)
    %dma_wait3A_118 = arith.constant 0 : i32
    %dma_wait3A_119 = arith.constant 0 : i32
    %dma_wait3A_120 = tpu.memref_slice %arg2[%dma_wait3A_118, %dma_wait3A_119] : memref<32768x128xf32, #tpu.memory_space<hbm>> -> memref<32768x128xf32, #tpu.memory_space<hbm>>
    tpu.wait_indirect_dma semaphore(%arg7 : memref<!tpu.dma_semaphore, #tpu.memory_space<semaphore_mem>>) src(%dma_wait3A_120 : memref<32768x128xf32, #tpu.memory_space<hbm>>) dst(%arg6 : memref<512x128xf32, #tpu.memory_space<vmem>>)
    "tpu.region"() ({
      %run_scoped3A = tpu.sem_alloc : memref<!tpu.dma_semaphore, #tpu.memory_space<semaphore_mem>>
      %dma_start3A_129 = arith.constant 0 : i32
      %dma_start3A_130 = tpu.memref_slice %arg4[%add3A_114, %dma_start3A_129] : memref<262144x128xf32, #tpu.memory_space<hbm>> -> memref<512x128xf32, #tpu.memory_space<hbm>>
      %dma_start3A_131 = arith.constant 0 : i32
      %dma_start3A_132 = tpu.memref_slice %arg4[%add3A_114, %dma_start3A_131] : memref<262144x128xf32, #tpu.memory_space<hbm>> -> memref<512x128xf32, #tpu.memory_space<hbm>>
      tpu.enqueue_dma source(%arg6 : memref<512x128xf32, #tpu.memory_space<vmem>>) target(%dma_start3A_132 : memref<512x128xf32, #tpu.memory_space<hbm>>) target_semaphore(%run_scoped3A : memref<!tpu.dma_semaphore, #tpu.memory_space<semaphore_mem>>)
      %dma_wait3A_133 = arith.constant 0 : i32
      %dma_wait3A_134 = tpu.memref_slice %arg4[%add3A_114, %dma_wait3A_133] : memref<262144x128xf32, #tpu.memory_space<hbm>> -> memref<512x128xf32, #tpu.memory_space<hbm>>
      %dma_wait3A_135 = arith.constant 0 : i32
      %dma_wait3A_136 = tpu.memref_slice %arg4[%add3A_114, %dma_wait3A_135] : memref<262144x128xf32, #tpu.memory_space<hbm>> -> memref<512x128xf32, #tpu.memory_space<hbm>>
      tpu.wait_dma2 semaphore(%run_scoped3A : memref<!tpu.dma_semaphore, #tpu.memory_space<semaphore_mem>>) src(%arg6 : memref<512x128xf32, #tpu.memory_space<vmem>>) dst(%dma_wait3A_136 : memref<512x128xf32, #tpu.memory_space<hbm>>)
      tpu.yield
    }) : () -> ()
    %add3A_121 = arith.constant 7680 : i32
    %add3A_122 = arith.addi %mul3A_2, %add3A_121 : i32
    "tpu.region"() ({
      %run_scoped3A = tpu.sem_alloc : memref<!tpu.dma_semaphore, #tpu.memory_space<semaphore_mem>>
      %dma_start3A_129 = tpu.memref_slice %arg3[%add3A_122] : memref<262144xi32, #tpu.memory_space<hbm>> -> memref<512xi32, #tpu.memory_space<hbm>>
      %dma_start3A_130 = tpu.memref_slice %arg3[%add3A_122] : memref<262144xi32, #tpu.memory_space<hbm>> -> memref<512xi32, #tpu.memory_space<hbm>>
      tpu.enqueue_dma source(%dma_start3A_130 : memref<512xi32, #tpu.memory_space<hbm>>) target(%arg5 : memref<512xi32, #tpu.memory_space<vmem>>) target_semaphore(%run_scoped3A : memref<!tpu.dma_semaphore, #tpu.memory_space<semaphore_mem>>)
      %dma_wait3A_131 = tpu.memref_slice %arg3[%add3A_122] : memref<262144xi32, #tpu.memory_space<hbm>> -> memref<512xi32, #tpu.memory_space<hbm>>
      %dma_wait3A_132 = tpu.memref_slice %arg3[%add3A_122] : memref<262144xi32, #tpu.memory_space<hbm>> -> memref<512xi32, #tpu.memory_space<hbm>>
      tpu.wait_dma2 semaphore(%run_scoped3A : memref<!tpu.dma_semaphore, #tpu.memory_space<semaphore_mem>>) src(%dma_wait3A_132 : memref<512xi32, #tpu.memory_space<hbm>>) dst(%arg5 : memref<512xi32, #tpu.memory_space<vmem>>)
      tpu.yield
    }) : () -> ()
    %dma_start3A_123 = arith.constant 0 : i32
    %dma_start3A_124 = arith.constant 0 : i32
    %dma_start3A_125 = tpu.memref_slice %arg2[%dma_start3A_123, %dma_start3A_124] : memref<32768x128xf32, #tpu.memory_space<hbm>> -> memref<32768x128xf32, #tpu.memory_space<hbm>>
    tpu.enqueue_indirect_dma source(%dma_start3A_125 : memref<32768x128xf32, #tpu.memory_space<hbm>>) target(%arg6 : memref<512x128xf32, #tpu.memory_space<vmem>>) offsets(%arg5 : memref<512xi32, #tpu.memory_space<vmem>>) semaphore(%arg7 : memref<!tpu.dma_semaphore, #tpu.memory_space<semaphore_mem>>)
    %dma_wait3A_126 = arith.constant 0 : i32
    %dma_wait3A_127 = arith.constant 0 : i32
    %dma_wait3A_128 = tpu.memref_slice %arg2[%dma_wait3A_126, %dma_wait3A_127] : memref<32768x128xf32, #tpu.memory_space<hbm>> -> memref<32768x128xf32, #tpu.memory_space<hbm>>
    tpu.wait_indirect_dma semaphore(%arg7 : memref<!tpu.dma_semaphore, #tpu.memory_space<semaphore_mem>>) src(%dma_wait3A_128 : memref<32768x128xf32, #tpu.memory_space<hbm>>) dst(%arg6 : memref<512x128xf32, #tpu.memory_space<vmem>>)
    "tpu.region"() ({
      %run_scoped3A = tpu.sem_alloc : memref<!tpu.dma_semaphore, #tpu.memory_space<semaphore_mem>>
      %dma_start3A_129 = arith.constant 0 : i32
      %dma_start3A_130 = tpu.memref_slice %arg4[%add3A_122, %dma_start3A_129] : memref<262144x128xf32, #tpu.memory_space<hbm>> -> memref<512x128xf32, #tpu.memory_space<hbm>>
      %dma_start3A_131 = arith.constant 0 : i32
      %dma_start3A_132 = tpu.memref_slice %arg4[%add3A_122, %dma_start3A_131] : memref<262144x128xf32, #tpu.memory_space<hbm>> -> memref<512x128xf32, #tpu.memory_space<hbm>>
      tpu.enqueue_dma source(%arg6 : memref<512x128xf32, #tpu.memory_space<vmem>>) target(%dma_start3A_132 : memref<512x128xf32, #tpu.memory_space<hbm>>) target_semaphore(%run_scoped3A : memref<!tpu.dma_semaphore, #tpu.memory_space<semaphore_mem>>)
      %dma_wait3A_133 = arith.constant 0 : i32
      %dma_wait3A_134 = tpu.memref_slice %arg4[%add3A_122, %dma_wait3A_133] : memref<262144x128xf32, #tpu.memory_space<hbm>> -> memref<512x128xf32, #tpu.memory_space<hbm>>
      %dma_wait3A_135 = arith.constant 0 : i32
      %dma_wait3A_136 = tpu.memref_slice %arg4[%add3A_122, %dma_wait3A_135] : memref<262144x128xf32, #tpu.memory_space<hbm>> -> memref<512x128xf32, #tpu.memory_space<hbm>>
      tpu.wait_dma2 semaphore(%run_scoped3A : memref<!tpu.dma_semaphore, #tpu.memory_space<semaphore_mem>>) src(%arg6 : memref<512x128xf32, #tpu.memory_space<vmem>>) dst(%dma_wait3A_136 : memref<512x128xf32, #tpu.memory_space<hbm>>)
      tpu.yield
    }) : () -> ()
    return
  }
}

module attributes {stable_mosaic.version = 14 : i64} {
  func.func @_fps_body(%arg0: memref<8x3x4096xf32, #tpu.memory_space<vmem>>, %arg1: memref<1024x8x3xf32, #tpu.memory_space<vmem>>) attributes {dimension_semantics = [], scalar_prefetch = 0 : i64, scratch_operands = 0 : i64, tpu.core_type = #tpu.core_type<tc>} {
    %get3A = arith.constant 0 : index
    %get3A_0 = arith.constant 0 : index
    %get3A_1 = arith.constant 0 : index
    %get3A_2 = vector.load %arg0[%get3A, %get3A_0, %get3A_1] : memref<8x3x4096xf32, #tpu.memory_space<vmem>>, vector<8x1x4096xf32>
    %get3A_3 = vector.shape_cast %get3A_2 : vector<8x1x4096xf32> to vector<8x4096xf32>
    %get3A_4 = arith.constant 0 : index
    %get3A_5 = arith.constant 1 : index
    %get3A_6 = arith.constant 0 : index
    %get3A_7 = vector.load %arg0[%get3A_4, %get3A_5, %get3A_6] : memref<8x3x4096xf32, #tpu.memory_space<vmem>>, vector<8x1x4096xf32>
    %get3A_8 = vector.shape_cast %get3A_7 : vector<8x1x4096xf32> to vector<8x4096xf32>
    %get3A_9 = arith.constant 0 : index
    %get3A_10 = arith.constant 2 : index
    %get3A_11 = arith.constant 0 : index
    %get3A_12 = vector.load %arg0[%get3A_9, %get3A_10, %get3A_11] : memref<8x3x4096xf32, #tpu.memory_space<vmem>>, vector<8x1x4096xf32>
    %get3A_13 = vector.shape_cast %get3A_12 : vector<8x1x4096xf32> to vector<8x4096xf32>
    %iota3A = tpu.iota {dimensions = array<i32: 1>} : vector<8x4096xi32>
    %broadcast_in_dim3A = arith.constant 1.000000e+10 : f32
    %broadcast_in_dim3A_14 = vector.broadcast %broadcast_in_dim3A : f32 to vector<8x4096xf32>
    %broadcast_in_dim3A_15 = arith.constant 0 : i32
    %broadcast_in_dim3A_16 = vector.broadcast %broadcast_in_dim3A_15 : i32 to vector<8x1xi32>
    %scan3A = arith.constant 0 : i32
    %scan3A_17 = arith.constant 1024 : i32
    %scan3A_18 = arith.addi %scan3A, %scan3A_17 : i32
    %scan3A_19 = arith.constant 1 : i32
    %scan3A_20:2 = scf.for %scan3A_22 = %scan3A to %scan3A_18 step %scan3A_19 iter_args(%scan3A_23 = %broadcast_in_dim3A_14, %scan3A_24 = %broadcast_in_dim3A_16) -> (vector<8x4096xf32>, vector<8x1xi32>)  : i32 {
      %eq3A = vector.broadcast %scan3A_24 : vector<8x1xi32> to vector<8x4096xi32>
      %eq3A_25 = arith.cmpi eq, %iota3A, %eq3A : vector<8x4096xi32>
      %convert_element_type3A = arith.extui %eq3A_25 : vector<8x4096xi1> to vector<8x4096xi32>
      %convert_element_type3A_26 = arith.sitofp %convert_element_type3A : vector<8x4096xi32> to vector<8x4096xf32>
      %mul3A = arith.mulf %get3A_3, %convert_element_type3A_26 : vector<8x4096xf32>
      %reduce_sum3A = arith.constant dense<0.000000e+00> : vector<8xf32>
      %reduce_sum3A_27 = vector.multi_reduction <add>, %mul3A, %reduce_sum3A [1] : vector<8x4096xf32> to vector<8xf32>
      %broadcast_in_dim3A_28 = vector.shape_cast %reduce_sum3A_27 : vector<8xf32> to vector<8x1xf32>
      %mul3A_29 = arith.mulf %get3A_8, %convert_element_type3A_26 : vector<8x4096xf32>
      %reduce_sum3A_30 = arith.constant dense<0.000000e+00> : vector<8xf32>
      %reduce_sum3A_31 = vector.multi_reduction <add>, %mul3A_29, %reduce_sum3A_30 [1] : vector<8x4096xf32> to vector<8xf32>
      %broadcast_in_dim3A_32 = vector.shape_cast %reduce_sum3A_31 : vector<8xf32> to vector<8x1xf32>
      %mul3A_33 = arith.mulf %get3A_13, %convert_element_type3A_26 : vector<8x4096xf32>
      %reduce_sum3A_34 = arith.constant dense<0.000000e+00> : vector<8xf32>
      %reduce_sum3A_35 = vector.multi_reduction <add>, %mul3A_33, %reduce_sum3A_34 [1] : vector<8x4096xf32> to vector<8xf32>
      %broadcast_in_dim3A_36 = vector.shape_cast %reduce_sum3A_35 : vector<8xf32> to vector<8x1xf32>
      %concatenate3A = tpu.concatenate %broadcast_in_dim3A_28, %broadcast_in_dim3A_32, %broadcast_in_dim3A_36 in 1 : vector<8x1xf32>, vector<8x1xf32>, vector<8x1xf32> -> vector<8x3xf32>
      %reshape3A = vector.shape_cast %concatenate3A : vector<8x3xf32> to vector<1x8x3xf32>
      %swap3A = arith.index_cast %scan3A_22 : i32 to index
      %swap3A_37 = arith.constant 0 : index
      %swap3A_38 = arith.constant 0 : index
      %swap3A_39 = vector.load %arg1[%swap3A, %swap3A_37, %swap3A_38] : memref<1024x8x3xf32, #tpu.memory_space<vmem>>, vector<1x8x3xf32>
      tpu.vector_store %arg1[%swap3A, %swap3A_37, %swap3A_38], %reshape3A {strides = array<i32>} : memref<1024x8x3xf32, #tpu.memory_space<vmem>>, vector<1x8x3xf32>,
      %sub3A = vector.broadcast %broadcast_in_dim3A_28 : vector<8x1xf32> to vector<8x4096xf32>
      %sub3A_40 = arith.subf %get3A_3, %sub3A : vector<8x4096xf32>
      %sub3A_41 = vector.broadcast %broadcast_in_dim3A_32 : vector<8x1xf32> to vector<8x4096xf32>
      %sub3A_42 = arith.subf %get3A_8, %sub3A_41 : vector<8x4096xf32>
      %sub3A_43 = vector.broadcast %broadcast_in_dim3A_36 : vector<8x1xf32> to vector<8x4096xf32>
      %sub3A_44 = arith.subf %get3A_13, %sub3A_43 : vector<8x4096xf32>
      %mul3A_45 = arith.mulf %sub3A_40, %sub3A_40 : vector<8x4096xf32>
      %mul3A_46 = arith.mulf %sub3A_42, %sub3A_42 : vector<8x4096xf32>
      %add3A = arith.addf %mul3A_45, %mul3A_46 : vector<8x4096xf32>
      %mul3A_47 = arith.mulf %sub3A_44, %sub3A_44 : vector<8x4096xf32>
      %add3A_48 = arith.addf %add3A, %mul3A_47 : vector<8x4096xf32>
      %min3A = arith.minimumf %scan3A_23, %add3A_48 : vector<8x4096xf32>
      %reduce_max3A = arith.constant dense<0xFF800000> : vector<8xf32>
      %reduce_max3A_49 = vector.multi_reduction <maximumf>, %min3A, %reduce_max3A [1] : vector<8x4096xf32> to vector<8xf32>
      %broadcast_in_dim3A_50 = vector.shape_cast %reduce_max3A_49 : vector<8xf32> to vector<8x1xf32>
      %eq3A_51 = vector.broadcast %broadcast_in_dim3A_50 : vector<8x1xf32> to vector<8x4096xf32>
      %eq3A_52 = arith.cmpf oeq, %min3A, %eq3A_51 : vector<8x4096xf32>
      %jit3A = arith.constant 4096 : i32
      %broadcast_in_dim3A_53 = vector.broadcast %jit3A : i32 to vector<8x4096xi32>
      %select_n3A = arith.select %eq3A_52, %iota3A, %broadcast_in_dim3A_53 : vector<8x4096xi1>, vector<8x4096xi32>
      %reduce_min3A = arith.constant dense<2147483647> : vector<8xi32>
      %reduce_min3A_54 = vector.multi_reduction <minsi>, %select_n3A, %reduce_min3A [1] : vector<8x4096xi32> to vector<8xi32>
      %broadcast_in_dim3A_55 = vector.shape_cast %reduce_min3A_54 : vector<8xi32> to vector<8x1xi32>
      scf.yield %min3A, %broadcast_in_dim3A_55 : vector<8x4096xf32>, vector<8x1xi32>
    }
    %scan3A_21 = arith.constant 1024 : i32
    return
  }
}

module attributes {stable_mosaic.version = 14 : i64} {
  func.func @_ballq_body(%arg0: i32, %arg1: i32, %arg2: memref<1x3x4096xf32, #tpu.memory_space<vmem>>, %arg3: memref<1x128x3xf32, #tpu.memory_space<vmem>>, %arg4: memref<1x128x1xf32, #tpu.memory_space<vmem>>, %arg5: memref<1x1x4096xf32, #tpu.memory_space<vmem>>, %arg6: memref<1x32x128xi32, #tpu.memory_space<vmem>>) attributes {dimension_semantics = [#tpu.dimension_semantics<arbitrary>, #tpu.dimension_semantics<arbitrary>], iteration_bounds = array<i64: 8, 8>, scalar_prefetch = 0 : i64, scratch_operands = 0 : i64, tpu.core_type = #tpu.core_type<tc>, window_params = [{transform_indices = @transform_0, window_bounds = array<i64: 1, 3, 4096>}, {transform_indices = @transform_1, window_bounds = array<i64: 1, 128, 3>}, {transform_indices = @transform_2, window_bounds = array<i64: 1, 128, 1>}, {transform_indices = @transform_3, window_bounds = array<i64: 1, 1, 4096>}, {transform_indices = @transform_4, window_bounds = array<i64: 1, 32, 128>}]} {
    %get3A = arith.constant 0 : index
    %get3A_0 = arith.constant 0 : index
    %get3A_1 = arith.constant 0 : index
    %get3A_2 = vector.load %arg3[%get3A, %get3A_0, %get3A_1] : memref<1x128x3xf32, #tpu.memory_space<vmem>>, vector<1x128x3xf32>
    %get3A_3 = vector.shape_cast %get3A_2 : vector<1x128x3xf32> to vector<128x3xf32>
    %get3A_4 = arith.constant 0 : index
    %get3A_5 = arith.constant 0 : index
    %get3A_6 = arith.constant 0 : index
    %get3A_7 = vector.load %arg2[%get3A_4, %get3A_5, %get3A_6] : memref<1x3x4096xf32, #tpu.memory_space<vmem>>, vector<1x3x4096xf32>
    %get3A_8 = vector.shape_cast %get3A_7 : vector<1x3x4096xf32> to vector<3x4096xf32>
    %convert_element_type3A = arith.truncf %get3A_3 : vector<128x3xf32> to vector<128x3xbf16>
    %convert_element_type3A_9 = arith.truncf %get3A_8 : vector<3x4096xf32> to vector<3x4096xbf16>
    %dot_general3A = arith.constant dense<0.000000e+00> : vector<128x4096xf32>
    %dot_general3A_10 = tpu.matmul %convert_element_type3A, %convert_element_type3A_9, %dot_general3A {dimension_numbers = #tpu.dot_dimension_numbers<[1], [0], [0], [1], [0, 0, 1, 1], [], []>, transpose_lhs_hint = false} : vector<128x3xbf16>, vector<3x4096xbf16>, vector<128x4096xf32> -> vector<128x4096xf32>
    %get3A_11 = arith.constant 0 : index
    %get3A_12 = arith.constant 0 : index
    %get3A_13 = arith.constant 0 : index
    %get3A_14 = vector.load %arg4[%get3A_11, %get3A_12, %get3A_13] : memref<1x128x1xf32, #tpu.memory_space<vmem>>, vector<1x128x1xf32>
    %get3A_15 = vector.shape_cast %get3A_14 : vector<1x128x1xf32> to vector<128x1xf32>
    %get3A_16 = arith.constant 0 : index
    %get3A_17 = arith.constant 0 : index
    %get3A_18 = arith.constant 0 : index
    %get3A_19 = vector.load %arg5[%get3A_16, %get3A_17, %get3A_18] : memref<1x1x4096xf32, #tpu.memory_space<vmem>>, vector<1x1x4096xf32>
    %get3A_20 = vector.shape_cast %get3A_19 : vector<1x1x4096xf32> to vector<1x4096xf32>
    %mul3A = arith.constant -2.000000e+00 : f32
    %mul3A_21 = vector.broadcast %mul3A : f32 to vector<128x4096xf32>
    %mul3A_22 = arith.mulf %mul3A_21, %dot_general3A_10 : vector<128x4096xf32>
    %add3A = vector.broadcast %get3A_15 : vector<128x1xf32> to vector<128x4096xf32>
    %add3A_23 = arith.addf %mul3A_22, %add3A : vector<128x4096xf32>
    %add3A_24 = vector.broadcast %get3A_20 : vector<1x4096xf32> to vector<128x4096xf32>
    %add3A_25 = arith.addf %add3A_23, %add3A_24 : vector<128x4096xf32>
    %le3A = arith.constant 1.600000e-01 : f32
    %le3A_26 = vector.broadcast %le3A : f32 to vector<128x4096xf32>
    %le3A_27 = arith.cmpf ole, %add3A_25, %le3A_26 : vector<128x4096xf32>
    %convert_element_type3A_28 = arith.extui %le3A_27 : vector<128x4096xi1> to vector<128x4096xi32>
    %convert_element_type3A_29 = arith.sitofp %convert_element_type3A_28 : vector<128x4096xi32> to vector<128x4096xf32>
    %iota3A = tpu.iota {dimensions = array<i32: 0>} : vector<128x128xi32>
    %iota3A_30 = tpu.iota {dimensions = array<i32: 1>} : vector<128x128xi32>
    %le3A_31 = arith.cmpi sle, %iota3A, %iota3A_30 : vector<128x128xi32>
    %convert_element_type3A_32 = arith.extui %le3A_31 : vector<128x128xi1> to vector<128x128xi32>
    %convert_element_type3A_33 = arith.sitofp %convert_element_type3A_32 : vector<128x128xi32> to vector<128x128xf32>
    %broadcast_in_dim3A = arith.constant 0.000000e+00 : f32
    %broadcast_in_dim3A_34 = vector.broadcast %broadcast_in_dim3A : f32 to vector<128x1xf32>
    %slice3A = vector.extract_strided_slice %convert_element_type3A_29 {offsets = [0, 0], sizes = [128, 128], strides = [1, 1]} : vector<128x4096xf32> to vector<128x128xf32>
    %dot_general3A_35 = arith.constant dense<0.000000e+00> : vector<128x128xf32>
    %dot_general3A_36 = tpu.matmul %slice3A, %convert_element_type3A_33, %dot_general3A_35 {dimension_numbers = #tpu.dot_dimension_numbers<[1], [0], [0], [1], [0, 0, 1, 1], [], []>, transpose_lhs_hint = false} : vector<128x128xf32>, vector<128x128xf32>, vector<128x128xf32> -> vector<128x128xf32>
    %add3A_37 = vector.broadcast %broadcast_in_dim3A_34 : vector<128x1xf32> to vector<128x128xf32>
    %add3A_38 = arith.addf %dot_general3A_36, %add3A_37 : vector<128x128xf32>
    %slice3A_39 = vector.extract_strided_slice %add3A_38 {offsets = [0, 127], sizes = [128, 1], strides = [1, 1]} : vector<128x128xf32> to vector<128x1xf32>
    %slice3A_40 = vector.extract_strided_slice %convert_element_type3A_29 {offsets = [0, 128], sizes = [128, 128], strides = [1, 1]} : vector<128x4096xf32> to vector<128x128xf32>
    %dot_general3A_41 = arith.constant dense<0.000000e+00> : vector<128x128xf32>
    %dot_general3A_42 = tpu.matmul %slice3A_40, %convert_element_type3A_33, %dot_general3A_41 {dimension_numbers = #tpu.dot_dimension_numbers<[1], [0], [0], [1], [0, 0, 1, 1], [], []>, transpose_lhs_hint = false} : vector<128x128xf32>, vector<128x128xf32>, vector<128x128xf32> -> vector<128x128xf32>
    %add3A_43 = vector.broadcast %slice3A_39 : vector<128x1xf32> to vector<128x128xf32>
    %add3A_44 = arith.addf %dot_general3A_42, %add3A_43 : vector<128x128xf32>
    %slice3A_45 = vector.extract_strided_slice %add3A_44 {offsets = [0, 127], sizes = [128, 1], strides = [1, 1]} : vector<128x128xf32> to vector<128x1xf32>
    %slice3A_46 = vector.extract_strided_slice %convert_element_type3A_29 {offsets = [0, 256], sizes = [128, 128], strides = [1, 1]} : vector<128x4096xf32> to vector<128x128xf32>
    %dot_general3A_47 = arith.constant dense<0.000000e+00> : vector<128x128xf32>
    %dot_general3A_48 = tpu.matmul %slice3A_46, %convert_element_type3A_33, %dot_general3A_47 {dimension_numbers = #tpu.dot_dimension_numbers<[1], [0], [0], [1], [0, 0, 1, 1], [], []>, transpose_lhs_hint = false} : vector<128x128xf32>, vector<128x128xf32>, vector<128x128xf32> -> vector<128x128xf32>
    %add3A_49 = vector.broadcast %slice3A_45 : vector<128x1xf32> to vector<128x128xf32>
    %add3A_50 = arith.addf %dot_general3A_48, %add3A_49 : vector<128x128xf32>
    %slice3A_51 = vector.extract_strided_slice %add3A_50 {offsets = [0, 127], sizes = [128, 1], strides = [1, 1]} : vector<128x128xf32> to vector<128x1xf32>
    %slice3A_52 = vector.extract_strided_slice %convert_element_type3A_29 {offsets = [0, 384], sizes = [128, 128], strides = [1, 1]} : vector<128x4096xf32> to vector<128x128xf32>
    %dot_general3A_53 = arith.constant dense<0.000000e+00> : vector<128x128xf32>
    %dot_general3A_54 = tpu.matmul %slice3A_52, %convert_element_type3A_33, %dot_general3A_53 {dimension_numbers = #tpu.dot_dimension_numbers<[1], [0], [0], [1], [0, 0, 1, 1], [], []>, transpose_lhs_hint = false} : vector<128x128xf32>, vector<128x128xf32>, vector<128x128xf32> -> vector<128x128xf32>
    %add3A_55 = vector.broadcast %slice3A_51 : vector<128x1xf32> to vector<128x128xf32>
    %add3A_56 = arith.addf %dot_general3A_54, %add3A_55 : vector<128x128xf32>
    %slice3A_57 = vector.extract_strided_slice %add3A_56 {offsets = [0, 127], sizes = [128, 1], strides = [1, 1]} : vector<128x128xf32> to vector<128x1xf32>
    %slice3A_58 = vector.extract_strided_slice %convert_element_type3A_29 {offsets = [0, 512], sizes = [128, 128], strides = [1, 1]} : vector<128x4096xf32> to vector<128x128xf32>
    %dot_general3A_59 = arith.constant dense<0.000000e+00> : vector<128x128xf32>
    %dot_general3A_60 = tpu.matmul %slice3A_58, %convert_element_type3A_33, %dot_general3A_59 {dimension_numbers = #tpu.dot_dimension_numbers<[1], [0], [0], [1], [0, 0, 1, 1], [], []>, transpose_lhs_hint = false} : vector<128x128xf32>, vector<128x128xf32>, vector<128x128xf32> -> vector<128x128xf32>
    %add3A_61 = vector.broadcast %slice3A_57 : vector<128x1xf32> to vector<128x128xf32>
    %add3A_62 = arith.addf %dot_general3A_60, %add3A_61 : vector<128x128xf32>
    %slice3A_63 = vector.extract_strided_slice %add3A_62 {offsets = [0, 127], sizes = [128, 1], strides = [1, 1]} : vector<128x128xf32> to vector<128x1xf32>
    %slice3A_64 = vector.extract_strided_slice %convert_element_type3A_29 {offsets = [0, 640], sizes = [128, 128], strides = [1, 1]} : vector<128x4096xf32> to vector<128x128xf32>
    %dot_general3A_65 = arith.constant dense<0.000000e+00> : vector<128x128xf32>
    %dot_general3A_66 = tpu.matmul %slice3A_64, %convert_element_type3A_33, %dot_general3A_65 {dimension_numbers = #tpu.dot_dimension_numbers<[1], [0], [0], [1], [0, 0, 1, 1], [], []>, transpose_lhs_hint = false} : vector<128x128xf32>, vector<128x128xf32>, vector<128x128xf32> -> vector<128x128xf32>
    %add3A_67 = vector.broadcast %slice3A_63 : vector<128x1xf32> to vector<128x128xf32>
    %add3A_68 = arith.addf %dot_general3A_66, %add3A_67 : vector<128x128xf32>
    %slice3A_69 = vector.extract_strided_slice %add3A_68 {offsets = [0, 127], sizes = [128, 1], strides = [1, 1]} : vector<128x128xf32> to vector<128x1xf32>
    %slice3A_70 = vector.extract_strided_slice %convert_element_type3A_29 {offsets = [0, 768], sizes = [128, 128], strides = [1, 1]} : vector<128x4096xf32> to vector<128x128xf32>
    %dot_general3A_71 = arith.constant dense<0.000000e+00> : vector<128x128xf32>
    %dot_general3A_72 = tpu.matmul %slice3A_70, %convert_element_type3A_33, %dot_general3A_71 {dimension_numbers = #tpu.dot_dimension_numbers<[1], [0], [0], [1], [0, 0, 1, 1], [], []>, transpose_lhs_hint = false} : vector<128x128xf32>, vector<128x128xf32>, vector<128x128xf32> -> vector<128x128xf32>
    %add3A_73 = vector.broadcast %slice3A_69 : vector<128x1xf32> to vector<128x128xf32>
    %add3A_74 = arith.addf %dot_general3A_72, %add3A_73 : vector<128x128xf32>
    %slice3A_75 = vector.extract_strided_slice %add3A_74 {offsets = [0, 127], sizes = [128, 1], strides = [1, 1]} : vector<128x128xf32> to vector<128x1xf32>
    %slice3A_76 = vector.extract_strided_slice %convert_element_type3A_29 {offsets = [0, 896], sizes = [128, 128], strides = [1, 1]} : vector<128x4096xf32> to vector<128x128xf32>
    %dot_general3A_77 = arith.constant dense<0.000000e+00> : vector<128x128xf32>
    %dot_general3A_78 = tpu.matmul %slice3A_76, %convert_element_type3A_33, %dot_general3A_77 {dimension_numbers = #tpu.dot_dimension_numbers<[1], [0], [0], [1], [0, 0, 1, 1], [], []>, transpose_lhs_hint = false} : vector<128x128xf32>, vector<128x128xf32>, vector<128x128xf32> -> vector<128x128xf32>
    %add3A_79 = vector.broadcast %slice3A_75 : vector<128x1xf32> to vector<128x128xf32>
    %add3A_80 = arith.addf %dot_general3A_78, %add3A_79 : vector<128x128xf32>
    %slice3A_81 = vector.extract_strided_slice %add3A_80 {offsets = [0, 127], sizes = [128, 1], strides = [1, 1]} : vector<128x128xf32> to vector<128x1xf32>
    %slice3A_82 = vector.extract_strided_slice %convert_element_type3A_29 {offsets = [0, 1024], sizes = [128, 128], strides = [1, 1]} : vector<128x4096xf32> to vector<128x128xf32>
    %dot_general3A_83 = arith.constant dense<0.000000e+00> : vector<128x128xf32>
    %dot_general3A_84 = tpu.matmul %slice3A_82, %convert_element_type3A_33, %dot_general3A_83 {dimension_numbers = #tpu.dot_dimension_numbers<[1], [0], [0], [1], [0, 0, 1, 1], [], []>, transpose_lhs_hint = false} : vector<128x128xf32>, vector<128x128xf32>, vector<128x128xf32> -> vector<128x128xf32>
    %add3A_85 = vector.broadcast %slice3A_81 : vector<128x1xf32> to vector<128x128xf32>
    %add3A_86 = arith.addf %dot_general3A_84, %add3A_85 : vector<128x128xf32>
    %slice3A_87 = vector.extract_strided_slice %add3A_86 {offsets = [0, 127], sizes = [128, 1], strides = [1, 1]} : vector<128x128xf32> to vector<128x1xf32>
    %slice3A_88 = vector.extract_strided_slice %convert_element_type3A_29 {offsets = [0, 1152], sizes = [128, 128], strides = [1, 1]} : vector<128x4096xf32> to vector<128x128xf32>
    %dot_general3A_89 = arith.constant dense<0.000000e+00> : vector<128x128xf32>
    %dot_general3A_90 = tpu.matmul %slice3A_88, %convert_element_type3A_33, %dot_general3A_89 {dimension_numbers = #tpu.dot_dimension_numbers<[1], [0], [0], [1], [0, 0, 1, 1], [], []>, transpose_lhs_hint = false} : vector<128x128xf32>, vector<128x128xf32>, vector<128x128xf32> -> vector<128x128xf32>
    %add3A_91 = vector.broadcast %slice3A_87 : vector<128x1xf32> to vector<128x128xf32>
    %add3A_92 = arith.addf %dot_general3A_90, %add3A_91 : vector<128x128xf32>
    %slice3A_93 = vector.extract_strided_slice %add3A_92 {offsets = [0, 127], sizes = [128, 1], strides = [1, 1]} : vector<128x128xf32> to vector<128x1xf32>
    %slice3A_94 = vector.extract_strided_slice %convert_element_type3A_29 {offsets = [0, 1280], sizes = [128, 128], strides = [1, 1]} : vector<128x4096xf32> to vector<128x128xf32>
    %dot_general3A_95 = arith.constant dense<0.000000e+00> : vector<128x128xf32>
    %dot_general3A_96 = tpu.matmul %slice3A_94, %convert_element_type3A_33, %dot_general3A_95 {dimension_numbers = #tpu.dot_dimension_numbers<[1], [0], [0], [1], [0, 0, 1, 1], [], []>, transpose_lhs_hint = false} : vector<128x128xf32>, vector<128x128xf32>, vector<128x128xf32> -> vector<128x128xf32>
    %add3A_97 = vector.broadcast %slice3A_93 : vector<128x1xf32> to vector<128x128xf32>
    %add3A_98 = arith.addf %dot_general3A_96, %add3A_97 : vector<128x128xf32>
    %slice3A_99 = vector.extract_strided_slice %add3A_98 {offsets = [0, 127], sizes = [128, 1], strides = [1, 1]} : vector<128x128xf32> to vector<128x1xf32>
    %slice3A_100 = vector.extract_strided_slice %convert_element_type3A_29 {offsets = [0, 1408], sizes = [128, 128], strides = [1, 1]} : vector<128x4096xf32> to vector<128x128xf32>
    %dot_general3A_101 = arith.constant dense<0.000000e+00> : vector<128x128xf32>
    %dot_general3A_102 = tpu.matmul %slice3A_100, %convert_element_type3A_33, %dot_general3A_101 {dimension_numbers = #tpu.dot_dimension_numbers<[1], [0], [0], [1], [0, 0, 1, 1], [], []>, transpose_lhs_hint = false} : vector<128x128xf32>, vector<128x128xf32>, vector<128x128xf32> -> vector<128x128xf32>
    %add3A_103 = vector.broadcast %slice3A_99 : vector<128x1xf32> to vector<128x128xf32>
    %add3A_104 = arith.addf %dot_general3A_102, %add3A_103 : vector<128x128xf32>
    %slice3A_105 = vector.extract_strided_slice %add3A_104 {offsets = [0, 127], sizes = [128, 1], strides = [1, 1]} : vector<128x128xf32> to vector<128x1xf32>
    %slice3A_106 = vector.extract_strided_slice %convert_element_type3A_29 {offsets = [0, 1536], sizes = [128, 128], strides = [1, 1]} : vector<128x4096xf32> to vector<128x128xf32>
    %dot_general3A_107 = arith.constant dense<0.000000e+00> : vector<128x128xf32>
    %dot_general3A_108 = tpu.matmul %slice3A_106, %convert_element_type3A_33, %dot_general3A_107 {dimension_numbers = #tpu.dot_dimension_numbers<[1], [0], [0], [1], [0, 0, 1, 1], [], []>, transpose_lhs_hint = false} : vector<128x128xf32>, vector<128x128xf32>, vector<128x128xf32> -> vector<128x128xf32>
    %add3A_109 = vector.broadcast %slice3A_105 : vector<128x1xf32> to vector<128x128xf32>
    %add3A_110 = arith.addf %dot_general3A_108, %add3A_109 : vector<128x128xf32>
    %slice3A_111 = vector.extract_strided_slice %add3A_110 {offsets = [0, 127], sizes = [128, 1], strides = [1, 1]} : vector<128x128xf32> to vector<128x1xf32>
    %slice3A_112 = vector.extract_strided_slice %convert_element_type3A_29 {offsets = [0, 1664], sizes = [128, 128], strides = [1, 1]} : vector<128x4096xf32> to vector<128x128xf32>
    %dot_general3A_113 = arith.constant dense<0.000000e+00> : vector<128x128xf32>
    %dot_general3A_114 = tpu.matmul %slice3A_112, %convert_element_type3A_33, %dot_general3A_113 {dimension_numbers = #tpu.dot_dimension_numbers<[1], [0], [0], [1], [0, 0, 1, 1], [], []>, transpose_lhs_hint = false} : vector<128x128xf32>, vector<128x128xf32>, vector<128x128xf32> -> vector<128x128xf32>
    %add3A_115 = vector.broadcast %slice3A_111 : vector<128x1xf32> to vector<128x128xf32>
    %add3A_116 = arith.addf %dot_general3A_114, %add3A_115 : vector<128x128xf32>
    %slice3A_117 = vector.extract_strided_slice %add3A_116 {offsets = [0, 127], sizes = [128, 1], strides = [1, 1]} : vector<128x128xf32> to vector<128x1xf32>
    %slice3A_118 = vector.extract_strided_slice %convert_element_type3A_29 {offsets = [0, 1792], sizes = [128, 128], strides = [1, 1]} : vector<128x4096xf32> to vector<128x128xf32>
    %dot_general3A_119 = arith.constant dense<0.000000e+00> : vector<128x128xf32>
    %dot_general3A_120 = tpu.matmul %slice3A_118, %convert_element_type3A_33, %dot_general3A_119 {dimension_numbers = #tpu.dot_dimension_numbers<[1], [0], [0], [1], [0, 0, 1, 1], [], []>, transpose_lhs_hint = false} : vector<128x128xf32>, vector<128x128xf32>, vector<128x128xf32> -> vector<128x128xf32>
    %add3A_121 = vector.broadcast %slice3A_117 : vector<128x1xf32> to vector<128x128xf32>
    %add3A_122 = arith.addf %dot_general3A_120, %add3A_121 : vector<128x128xf32>
    %slice3A_123 = vector.extract_strided_slice %add3A_122 {offsets = [0, 127], sizes = [128, 1], strides = [1, 1]} : vector<128x128xf32> to vector<128x1xf32>
    %slice3A_124 = vector.extract_strided_slice %convert_element_type3A_29 {offsets = [0, 1920], sizes = [128, 128], strides = [1, 1]} : vector<128x4096xf32> to vector<128x128xf32>
    %dot_general3A_125 = arith.constant dense<0.000000e+00> : vector<128x128xf32>
    %dot_general3A_126 = tpu.matmul %slice3A_124, %convert_element_type3A_33, %dot_general3A_125 {dimension_numbers = #tpu.dot_dimension_numbers<[1], [0], [0], [1], [0, 0, 1, 1], [], []>, transpose_lhs_hint = false} : vector<128x128xf32>, vector<128x128xf32>, vector<128x128xf32> -> vector<128x128xf32>
    %add3A_127 = vector.broadcast %slice3A_123 : vector<128x1xf32> to vector<128x128xf32>
    %add3A_128 = arith.addf %dot_general3A_126, %add3A_127 : vector<128x128xf32>
    %slice3A_129 = vector.extract_strided_slice %add3A_128 {offsets = [0, 127], sizes = [128, 1], strides = [1, 1]} : vector<128x128xf32> to vector<128x1xf32>
    %slice3A_130 = vector.extract_strided_slice %convert_element_type3A_29 {offsets = [0, 2048], sizes = [128, 128], strides = [1, 1]} : vector<128x4096xf32> to vector<128x128xf32>
    %dot_general3A_131 = arith.constant dense<0.000000e+00> : vector<128x128xf32>
    %dot_general3A_132 = tpu.matmul %slice3A_130, %convert_element_type3A_33, %dot_general3A_131 {dimension_numbers = #tpu.dot_dimension_numbers<[1], [0], [0], [1], [0, 0, 1, 1], [], []>, transpose_lhs_hint = false} : vector<128x128xf32>, vector<128x128xf32>, vector<128x128xf32> -> vector<128x128xf32>
    %add3A_133 = vector.broadcast %slice3A_129 : vector<128x1xf32> to vector<128x128xf32>
    %add3A_134 = arith.addf %dot_general3A_132, %add3A_133 : vector<128x128xf32>
    %slice3A_135 = vector.extract_strided_slice %add3A_134 {offsets = [0, 127], sizes = [128, 1], strides = [1, 1]} : vector<128x128xf32> to vector<128x1xf32>
    %slice3A_136 = vector.extract_strided_slice %convert_element_type3A_29 {offsets = [0, 2176], sizes = [128, 128], strides = [1, 1]} : vector<128x4096xf32> to vector<128x128xf32>
    %dot_general3A_137 = arith.constant dense<0.000000e+00> : vector<128x128xf32>
    %dot_general3A_138 = tpu.matmul %slice3A_136, %convert_element_type3A_33, %dot_general3A_137 {dimension_numbers = #tpu.dot_dimension_numbers<[1], [0], [0], [1], [0, 0, 1, 1], [], []>, transpose_lhs_hint = false} : vector<128x128xf32>, vector<128x128xf32>, vector<128x128xf32> -> vector<128x128xf32>
    %add3A_139 = vector.broadcast %slice3A_135 : vector<128x1xf32> to vector<128x128xf32>
    %add3A_140 = arith.addf %dot_general3A_138, %add3A_139 : vector<128x128xf32>
    %slice3A_141 = vector.extract_strided_slice %add3A_140 {offsets = [0, 127], sizes = [128, 1], strides = [1, 1]} : vector<128x128xf32> to vector<128x1xf32>
    %slice3A_142 = vector.extract_strided_slice %convert_element_type3A_29 {offsets = [0, 2304], sizes = [128, 128], strides = [1, 1]} : vector<128x4096xf32> to vector<128x128xf32>
    %dot_general3A_143 = arith.constant dense<0.000000e+00> : vector<128x128xf32>
    %dot_general3A_144 = tpu.matmul %slice3A_142, %convert_element_type3A_33, %dot_general3A_143 {dimension_numbers = #tpu.dot_dimension_numbers<[1], [0], [0], [1], [0, 0, 1, 1], [], []>, transpose_lhs_hint = false} : vector<128x128xf32>, vector<128x128xf32>, vector<128x128xf32> -> vector<128x128xf32>
    %add3A_145 = vector.broadcast %slice3A_141 : vector<128x1xf32> to vector<128x128xf32>
    %add3A_146 = arith.addf %dot_general3A_144, %add3A_145 : vector<128x128xf32>
    %slice3A_147 = vector.extract_strided_slice %add3A_146 {offsets = [0, 127], sizes = [128, 1], strides = [1, 1]} : vector<128x128xf32> to vector<128x1xf32>
    %slice3A_148 = vector.extract_strided_slice %convert_element_type3A_29 {offsets = [0, 2432], sizes = [128, 128], strides = [1, 1]} : vector<128x4096xf32> to vector<128x128xf32>
    %dot_general3A_149 = arith.constant dense<0.000000e+00> : vector<128x128xf32>
    %dot_general3A_150 = tpu.matmul %slice3A_148, %convert_element_type3A_33, %dot_general3A_149 {dimension_numbers = #tpu.dot_dimension_numbers<[1], [0], [0], [1], [0, 0, 1, 1], [], []>, transpose_lhs_hint = false} : vector<128x128xf32>, vector<128x128xf32>, vector<128x128xf32> -> vector<128x128xf32>
    %add3A_151 = vector.broadcast %slice3A_147 : vector<128x1xf32> to vector<128x128xf32>
    %add3A_152 = arith.addf %dot_general3A_150, %add3A_151 : vector<128x128xf32>
    %slice3A_153 = vector.extract_strided_slice %add3A_152 {offsets = [0, 127], sizes = [128, 1], strides = [1, 1]} : vector<128x128xf32> to vector<128x1xf32>
    %slice3A_154 = vector.extract_strided_slice %convert_element_type3A_29 {offsets = [0, 2560], sizes = [128, 128], strides = [1, 1]} : vector<128x4096xf32> to vector<128x128xf32>
    %dot_general3A_155 = arith.constant dense<0.000000e+00> : vector<128x128xf32>
    %dot_general3A_156 = tpu.matmul %slice3A_154, %convert_element_type3A_33, %dot_general3A_155 {dimension_numbers = #tpu.dot_dimension_numbers<[1], [0], [0], [1], [0, 0, 1, 1], [], []>, transpose_lhs_hint = false} : vector<128x128xf32>, vector<128x128xf32>, vector<128x128xf32> -> vector<128x128xf32>
    %add3A_157 = vector.broadcast %slice3A_153 : vector<128x1xf32> to vector<128x128xf32>
    %add3A_158 = arith.addf %dot_general3A_156, %add3A_157 : vector<128x128xf32>
    %slice3A_159 = vector.extract_strided_slice %add3A_158 {offsets = [0, 127], sizes = [128, 1], strides = [1, 1]} : vector<128x128xf32> to vector<128x1xf32>
    %slice3A_160 = vector.extract_strided_slice %convert_element_type3A_29 {offsets = [0, 2688], sizes = [128, 128], strides = [1, 1]} : vector<128x4096xf32> to vector<128x128xf32>
    %dot_general3A_161 = arith.constant dense<0.000000e+00> : vector<128x128xf32>
    %dot_general3A_162 = tpu.matmul %slice3A_160, %convert_element_type3A_33, %dot_general3A_161 {dimension_numbers = #tpu.dot_dimension_numbers<[1], [0], [0], [1], [0, 0, 1, 1], [], []>, transpose_lhs_hint = false} : vector<128x128xf32>, vector<128x128xf32>, vector<128x128xf32> -> vector<128x128xf32>
    %add3A_163 = vector.broadcast %slice3A_159 : vector<128x1xf32> to vector<128x128xf32>
    %add3A_164 = arith.addf %dot_general3A_162, %add3A_163 : vector<128x128xf32>
    %slice3A_165 = vector.extract_strided_slice %add3A_164 {offsets = [0, 127], sizes = [128, 1], strides = [1, 1]} : vector<128x128xf32> to vector<128x1xf32>
    %slice3A_166 = vector.extract_strided_slice %convert_element_type3A_29 {offsets = [0, 2816], sizes = [128, 128], strides = [1, 1]} : vector<128x4096xf32> to vector<128x128xf32>
    %dot_general3A_167 = arith.constant dense<0.000000e+00> : vector<128x128xf32>
    %dot_general3A_168 = tpu.matmul %slice3A_166, %convert_element_type3A_33, %dot_general3A_167 {dimension_numbers = #tpu.dot_dimension_numbers<[1], [0], [0], [1], [0, 0, 1, 1], [], []>, transpose_lhs_hint = false} : vector<128x128xf32>, vector<128x128xf32>, vector<128x128xf32> -> vector<128x128xf32>
    %add3A_169 = vector.broadcast %slice3A_165 : vector<128x1xf32> to vector<128x128xf32>
    %add3A_170 = arith.addf %dot_general3A_168, %add3A_169 : vector<128x128xf32>
    %slice3A_171 = vector.extract_strided_slice %add3A_170 {offsets = [0, 127], sizes = [128, 1], strides = [1, 1]} : vector<128x128xf32> to vector<128x1xf32>
    %slice3A_172 = vector.extract_strided_slice %convert_element_type3A_29 {offsets = [0, 2944], sizes = [128, 128], strides = [1, 1]} : vector<128x4096xf32> to vector<128x128xf32>
    %dot_general3A_173 = arith.constant dense<0.000000e+00> : vector<128x128xf32>
    %dot_general3A_174 = tpu.matmul %slice3A_172, %convert_element_type3A_33, %dot_general3A_173 {dimension_numbers = #tpu.dot_dimension_numbers<[1], [0], [0], [1], [0, 0, 1, 1], [], []>, transpose_lhs_hint = false} : vector<128x128xf32>, vector<128x128xf32>, vector<128x128xf32> -> vector<128x128xf32>
    %add3A_175 = vector.broadcast %slice3A_171 : vector<128x1xf32> to vector<128x128xf32>
    %add3A_176 = arith.addf %dot_general3A_174, %add3A_175 : vector<128x128xf32>
    %slice3A_177 = vector.extract_strided_slice %add3A_176 {offsets = [0, 127], sizes = [128, 1], strides = [1, 1]} : vector<128x128xf32> to vector<128x1xf32>
    %slice3A_178 = vector.extract_strided_slice %convert_element_type3A_29 {offsets = [0, 3072], sizes = [128, 128], strides = [1, 1]} : vector<128x4096xf32> to vector<128x128xf32>
    %dot_general3A_179 = arith.constant dense<0.000000e+00> : vector<128x128xf32>
    %dot_general3A_180 = tpu.matmul %slice3A_178, %convert_element_type3A_33, %dot_general3A_179 {dimension_numbers = #tpu.dot_dimension_numbers<[1], [0], [0], [1], [0, 0, 1, 1], [], []>, transpose_lhs_hint = false} : vector<128x128xf32>, vector<128x128xf32>, vector<128x128xf32> -> vector<128x128xf32>
    %add3A_181 = vector.broadcast %slice3A_177 : vector<128x1xf32> to vector<128x128xf32>
    %add3A_182 = arith.addf %dot_general3A_180, %add3A_181 : vector<128x128xf32>
    %slice3A_183 = vector.extract_strided_slice %add3A_182 {offsets = [0, 127], sizes = [128, 1], strides = [1, 1]} : vector<128x128xf32> to vector<128x1xf32>
    %slice3A_184 = vector.extract_strided_slice %convert_element_type3A_29 {offsets = [0, 3200], sizes = [128, 128], strides = [1, 1]} : vector<128x4096xf32> to vector<128x128xf32>
    %dot_general3A_185 = arith.constant dense<0.000000e+00> : vector<128x128xf32>
    %dot_general3A_186 = tpu.matmul %slice3A_184, %convert_element_type3A_33, %dot_general3A_185 {dimension_numbers = #tpu.dot_dimension_numbers<[1], [0], [0], [1], [0, 0, 1, 1], [], []>, transpose_lhs_hint = false} : vector<128x128xf32>, vector<128x128xf32>, vector<128x128xf32> -> vector<128x128xf32>
    %add3A_187 = vector.broadcast %slice3A_183 : vector<128x1xf32> to vector<128x128xf32>
    %add3A_188 = arith.addf %dot_general3A_186, %add3A_187 : vector<128x128xf32>
    %slice3A_189 = vector.extract_strided_slice %add3A_188 {offsets = [0, 127], sizes = [128, 1], strides = [1, 1]} : vector<128x128xf32> to vector<128x1xf32>
    %slice3A_190 = vector.extract_strided_slice %convert_element_type3A_29 {offsets = [0, 3328], sizes = [128, 128], strides = [1, 1]} : vector<128x4096xf32> to vector<128x128xf32>
    %dot_general3A_191 = arith.constant dense<0.000000e+00> : vector<128x128xf32>
    %dot_general3A_192 = tpu.matmul %slice3A_190, %convert_element_type3A_33, %dot_general3A_191 {dimension_numbers = #tpu.dot_dimension_numbers<[1], [0], [0], [1], [0, 0, 1, 1], [], []>, transpose_lhs_hint = false} : vector<128x128xf32>, vector<128x128xf32>, vector<128x128xf32> -> vector<128x128xf32>
    %add3A_193 = vector.broadcast %slice3A_189 : vector<128x1xf32> to vector<128x128xf32>
    %add3A_194 = arith.addf %dot_general3A_192, %add3A_193 : vector<128x128xf32>
    %slice3A_195 = vector.extract_strided_slice %add3A_194 {offsets = [0, 127], sizes = [128, 1], strides = [1, 1]} : vector<128x128xf32> to vector<128x1xf32>
    %slice3A_196 = vector.extract_strided_slice %convert_element_type3A_29 {offsets = [0, 3456], sizes = [128, 128], strides = [1, 1]} : vector<128x4096xf32> to vector<128x128xf32>
    %dot_general3A_197 = arith.constant dense<0.000000e+00> : vector<128x128xf32>
    %dot_general3A_198 = tpu.matmul %slice3A_196, %convert_element_type3A_33, %dot_general3A_197 {dimension_numbers = #tpu.dot_dimension_numbers<[1], [0], [0], [1], [0, 0, 1, 1], [], []>, transpose_lhs_hint = false} : vector<128x128xf32>, vector<128x128xf32>, vector<128x128xf32> -> vector<128x128xf32>
    %add3A_199 = vector.broadcast %slice3A_195 : vector<128x1xf32> to vector<128x128xf32>
    %add3A_200 = arith.addf %dot_general3A_198, %add3A_199 : vector<128x128xf32>
    %slice3A_201 = vector.extract_strided_slice %add3A_200 {offsets = [0, 127], sizes = [128, 1], strides = [1, 1]} : vector<128x128xf32> to vector<128x1xf32>
    %slice3A_202 = vector.extract_strided_slice %convert_element_type3A_29 {offsets = [0, 3584], sizes = [128, 128], strides = [1, 1]} : vector<128x4096xf32> to vector<128x128xf32>
    %dot_general3A_203 = arith.constant dense<0.000000e+00> : vector<128x128xf32>
    %dot_general3A_204 = tpu.matmul %slice3A_202, %convert_element_type3A_33, %dot_general3A_203 {dimension_numbers = #tpu.dot_dimension_numbers<[1], [0], [0], [1], [0, 0, 1, 1], [], []>, transpose_lhs_hint = false} : vector<128x128xf32>, vector<128x128xf32>, vector<128x128xf32> -> vector<128x128xf32>
    %add3A_205 = vector.broadcast %slice3A_201 : vector<128x1xf32> to vector<128x128xf32>
    %add3A_206 = arith.addf %dot_general3A_204, %add3A_205 : vector<128x128xf32>
    %slice3A_207 = vector.extract_strided_slice %add3A_206 {offsets = [0, 127], sizes = [128, 1], strides = [1, 1]} : vector<128x128xf32> to vector<128x1xf32>
    %slice3A_208 = vector.extract_strided_slice %convert_element_type3A_29 {offsets = [0, 3712], sizes = [128, 128], strides = [1, 1]} : vector<128x4096xf32> to vector<128x128xf32>
    %dot_general3A_209 = arith.constant dense<0.000000e+00> : vector<128x128xf32>
    %dot_general3A_210 = tpu.matmul %slice3A_208, %convert_element_type3A_33, %dot_general3A_209 {dimension_numbers = #tpu.dot_dimension_numbers<[1], [0], [0], [1], [0, 0, 1, 1], [], []>, transpose_lhs_hint = false} : vector<128x128xf32>, vector<128x128xf32>, vector<128x128xf32> -> vector<128x128xf32>
    %add3A_211 = vector.broadcast %slice3A_207 : vector<128x1xf32> to vector<128x128xf32>
    %add3A_212 = arith.addf %dot_general3A_210, %add3A_211 : vector<128x128xf32>
    %slice3A_213 = vector.extract_strided_slice %add3A_212 {offsets = [0, 127], sizes = [128, 1], strides = [1, 1]} : vector<128x128xf32> to vector<128x1xf32>
    %slice3A_214 = vector.extract_strided_slice %convert_element_type3A_29 {offsets = [0, 3840], sizes = [128, 128], strides = [1, 1]} : vector<128x4096xf32> to vector<128x128xf32>
    %dot_general3A_215 = arith.constant dense<0.000000e+00> : vector<128x128xf32>
    %dot_general3A_216 = tpu.matmul %slice3A_214, %convert_element_type3A_33, %dot_general3A_215 {dimension_numbers = #tpu.dot_dimension_numbers<[1], [0], [0], [1], [0, 0, 1, 1], [], []>, transpose_lhs_hint = false} : vector<128x128xf32>, vector<128x128xf32>, vector<128x128xf32> -> vector<128x128xf32>
    %add3A_217 = vector.broadcast %slice3A_213 : vector<128x1xf32> to vector<128x128xf32>
    %add3A_218 = arith.addf %dot_general3A_216, %add3A_217 : vector<128x128xf32>
    %slice3A_219 = vector.extract_strided_slice %add3A_218 {offsets = [0, 127], sizes = [128, 1], strides = [1, 1]} : vector<128x128xf32> to vector<128x1xf32>
    %slice3A_220 = vector.extract_strided_slice %convert_element_type3A_29 {offsets = [0, 3968], sizes = [128, 128], strides = [1, 1]} : vector<128x4096xf32> to vector<128x128xf32>
    %dot_general3A_221 = arith.constant dense<0.000000e+00> : vector<128x128xf32>
    %dot_general3A_222 = tpu.matmul %slice3A_220, %convert_element_type3A_33, %dot_general3A_221 {dimension_numbers = #tpu.dot_dimension_numbers<[1], [0], [0], [1], [0, 0, 1, 1], [], []>, transpose_lhs_hint = false} : vector<128x128xf32>, vector<128x128xf32>, vector<128x128xf32> -> vector<128x128xf32>
    %add3A_223 = vector.broadcast %slice3A_219 : vector<128x1xf32> to vector<128x128xf32>
    %add3A_224 = arith.addf %dot_general3A_222, %add3A_223 : vector<128x128xf32>
    %concatenate3A = tpu.concatenate %add3A_38, %add3A_44, %add3A_50, %add3A_56, %add3A_62, %add3A_68, %add3A_74, %add3A_80, %add3A_86, %add3A_92, %add3A_98, %add3A_104, %add3A_110, %add3A_116, %add3A_122, %add3A_128, %add3A_134, %add3A_140, %add3A_146, %add3A_152, %add3A_158, %add3A_164, %add3A_170, %add3A_176, %add3A_182, %add3A_188, %add3A_194, %add3A_200, %add3A_206, %add3A_212, %add3A_218, %add3A_224 in 1 : vector<128x128xf32>, vector<128x128xf32>, vector<128x128xf32>, vector<128x128xf32>, vector<128x128xf32>, vector<128x128xf32>, vector<128x128xf32>, vector<128x128xf32>, vector<128x128xf32>, vector<128x128xf32>, vector<128x128xf32>, vector<128x128xf32>, vector<128x128xf32>, vector<128x128xf32>, vector<128x128xf32>, vector<128x128xf32>, vector<128x128xf32>, vector<128x128xf32>, vector<128x128xf32>, vector<128x128xf32>, vector<128x128xf32>, vector<128x128xf32>, vector<128x128xf32>, vector<128x128xf32>, vector<128x128xf32>, vector<128x128xf32>, vector<128x128xf32>, vector<128x128xf32>, vector<128x128xf32>, vector<128x128xf32>, vector<128x128xf32>, vector<128x128xf32> -> vector<128x4096xf32>
    %slice3A_225 = vector.extract_strided_slice %concatenate3A {offsets = [0, 4095], sizes = [128, 1], strides = [1, 1]} : vector<128x4096xf32> to vector<128x1xf32>
    %iota3A_226 = tpu.iota {dimensions = array<i32: 1>} : vector<128x4096xi32>
    %convert_element_type3A_227 = arith.sitofp %iota3A_226 : vector<128x4096xi32> to vector<128x4096xf32>
    %eq3A = arith.constant 1.000000e+00 : f32
    %eq3A_228 = vector.broadcast %eq3A : f32 to vector<128x4096xf32>
    %eq3A_229 = arith.cmpf oeq, %concatenate3A, %eq3A_228 : vector<128x4096xf32>
    %convert_element_type3A_230 = arith.extui %eq3A_229 : vector<128x4096xi1> to vector<128x4096xi32>
    %convert_element_type3A_231 = arith.sitofp %convert_element_type3A_230 : vector<128x4096xi32> to vector<128x4096xf32>
    %mul3A_232 = arith.mulf %convert_element_type3A_29, %convert_element_type3A_231 : vector<128x4096xf32>
    %mul3A_233 = arith.mulf %convert_element_type3A_227, %mul3A_232 : vector<128x4096xf32>
    %reduce_sum3A = arith.constant dense<0.000000e+00> : vector<128xf32>
    %reduce_sum3A_234 = vector.multi_reduction <add>, %mul3A_233, %reduce_sum3A [1] : vector<128x4096xf32> to vector<128xf32>
    %broadcast_in_dim3A_235 = vector.shape_cast %reduce_sum3A_234 : vector<128xf32> to vector<128x1xf32>
    %eq3A_236 = arith.constant 2.000000e+00 : f32
    %eq3A_237 = vector.broadcast %eq3A_236 : f32 to vector<128x4096xf32>
    %eq3A_238 = arith.cmpf oeq, %concatenate3A, %eq3A_237 : vector<128x4096xf32>
    %convert_element_type3A_239 = arith.extui %eq3A_238 : vector<128x4096xi1> to vector<128x4096xi32>
    %convert_element_type3A_240 = arith.sitofp %convert_element_type3A_239 : vector<128x4096xi32> to vector<128x4096xf32>
    %mul3A_241 = arith.mulf %convert_element_type3A_29, %convert_element_type3A_240 : vector<128x4096xf32>
    %mul3A_242 = arith.mulf %convert_element_type3A_227, %mul3A_241 : vector<128x4096xf32>
    %reduce_sum3A_243 = arith.constant dense<0.000000e+00> : vector<128xf32>
    %reduce_sum3A_244 = vector.multi_reduction <add>, %mul3A_242, %reduce_sum3A_243 [1] : vector<128x4096xf32> to vector<128xf32>
    %broadcast_in_dim3A_245 = vector.shape_cast %reduce_sum3A_244 : vector<128xf32> to vector<128x1xf32>
    %ge3A = arith.constant 2.000000e+00 : f32
    %ge3A_246 = vector.broadcast %ge3A : f32 to vector<128x1xf32>
    %ge3A_247 = arith.cmpf oge, %slice3A_225, %ge3A_246 : vector<128x1xf32>
    %select_n3A = arith.select %ge3A_247, %broadcast_in_dim3A_245, %broadcast_in_dim3A_235 : vector<128x1xi1>, vector<128x1xf32>
    %eq3A_248 = arith.constant 3.000000e+00 : f32
    %eq3A_249 = vector.broadcast %eq3A_248 : f32 to vector<128x4096xf32>
    %eq3A_250 = arith.cmpf oeq, %concatenate3A, %eq3A_249 : vector<128x4096xf32>
    %convert_element_type3A_251 = arith.extui %eq3A_250 : vector<128x4096xi1> to vector<128x4096xi32>
    %convert_element_type3A_252 = arith.sitofp %convert_element_type3A_251 : vector<128x4096xi32> to vector<128x4096xf32>
    %mul3A_253 = arith.mulf %convert_element_type3A_29, %convert_element_type3A_252 : vector<128x4096xf32>
    %mul3A_254 = arith.mulf %convert_element_type3A_227, %mul3A_253 : vector<128x4096xf32>
    %reduce_sum3A_255 = arith.constant dense<0.000000e+00> : vector<128xf32>
    %reduce_sum3A_256 = vector.multi_reduction <add>, %mul3A_254, %reduce_sum3A_255 [1] : vector<128x4096xf32> to vector<128xf32>
    %broadcast_in_dim3A_257 = vector.shape_cast %reduce_sum3A_256 : vector<128xf32> to vector<128x1xf32>
    %ge3A_258 = arith.constant 3.000000e+00 : f32
    %ge3A_259 = vector.broadcast %ge3A_258 : f32 to vector<128x1xf32>
    %ge3A_260 = arith.cmpf oge, %slice3A_225, %ge3A_259 : vector<128x1xf32>
    %select_n3A_261 = arith.select %ge3A_260, %broadcast_in_dim3A_257, %broadcast_in_dim3A_235 : vector<128x1xi1>, vector<128x1xf32>
    %eq3A_262 = arith.constant 4.000000e+00 : f32
    %eq3A_263 = vector.broadcast %eq3A_262 : f32 to vector<128x4096xf32>
    %eq3A_264 = arith.cmpf oeq, %concatenate3A, %eq3A_263 : vector<128x4096xf32>
    %convert_element_type3A_265 = arith.extui %eq3A_264 : vector<128x4096xi1> to vector<128x4096xi32>
    %convert_element_type3A_266 = arith.sitofp %convert_element_type3A_265 : vector<128x4096xi32> to vector<128x4096xf32>
    %mul3A_267 = arith.mulf %convert_element_type3A_29, %convert_element_type3A_266 : vector<128x4096xf32>
    %mul3A_268 = arith.mulf %convert_element_type3A_227, %mul3A_267 : vector<128x4096xf32>
    %reduce_sum3A_269 = arith.constant dense<0.000000e+00> : vector<128xf32>
    %reduce_sum3A_270 = vector.multi_reduction <add>, %mul3A_268, %reduce_sum3A_269 [1] : vector<128x4096xf32> to vector<128xf32>
    %broadcast_in_dim3A_271 = vector.shape_cast %reduce_sum3A_270 : vector<128xf32> to vector<128x1xf32>
    %ge3A_272 = arith.constant 4.000000e+00 : f32
    %ge3A_273 = vector.broadcast %ge3A_272 : f32 to vector<128x1xf32>
    %ge3A_274 = arith.cmpf oge, %slice3A_225, %ge3A_273 : vector<128x1xf32>
    %select_n3A_275 = arith.select %ge3A_274, %broadcast_in_dim3A_271, %broadcast_in_dim3A_235 : vector<128x1xi1>, vector<128x1xf32>
    %eq3A_276 = arith.constant 5.000000e+00 : f32
    %eq3A_277 = vector.broadcast %eq3A_276 : f32 to vector<128x4096xf32>
    %eq3A_278 = arith.cmpf oeq, %concatenate3A, %eq3A_277 : vector<128x4096xf32>
    %convert_element_type3A_279 = arith.extui %eq3A_278 : vector<128x4096xi1> to vector<128x4096xi32>
    %convert_element_type3A_280 = arith.sitofp %convert_element_type3A_279 : vector<128x4096xi32> to vector<128x4096xf32>
    %mul3A_281 = arith.mulf %convert_element_type3A_29, %convert_element_type3A_280 : vector<128x4096xf32>
    %mul3A_282 = arith.mulf %convert_element_type3A_227, %mul3A_281 : vector<128x4096xf32>
    %reduce_sum3A_283 = arith.constant dense<0.000000e+00> : vector<128xf32>
    %reduce_sum3A_284 = vector.multi_reduction <add>, %mul3A_282, %reduce_sum3A_283 [1] : vector<128x4096xf32> to vector<128xf32>
    %broadcast_in_dim3A_285 = vector.shape_cast %reduce_sum3A_284 : vector<128xf32> to vector<128x1xf32>
    %ge3A_286 = arith.constant 5.000000e+00 : f32
    %ge3A_287 = vector.broadcast %ge3A_286 : f32 to vector<128x1xf32>
    %ge3A_288 = arith.cmpf oge, %slice3A_225, %ge3A_287 : vector<128x1xf32>
    %select_n3A_289 = arith.select %ge3A_288, %broadcast_in_dim3A_285, %broadcast_in_dim3A_235 : vector<128x1xi1>, vector<128x1xf32>
    %eq3A_290 = arith.constant 6.000000e+00 : f32
    %eq3A_291 = vector.broadcast %eq3A_290 : f32 to vector<128x4096xf32>
    %eq3A_292 = arith.cmpf oeq, %concatenate3A, %eq3A_291 : vector<128x4096xf32>
    %convert_element_type3A_293 = arith.extui %eq3A_292 : vector<128x4096xi1> to vector<128x4096xi32>
    %convert_element_type3A_294 = arith.sitofp %convert_element_type3A_293 : vector<128x4096xi32> to vector<128x4096xf32>
    %mul3A_295 = arith.mulf %convert_element_type3A_29, %convert_element_type3A_294 : vector<128x4096xf32>
    %mul3A_296 = arith.mulf %convert_element_type3A_227, %mul3A_295 : vector<128x4096xf32>
    %reduce_sum3A_297 = arith.constant dense<0.000000e+00> : vector<128xf32>
    %reduce_sum3A_298 = vector.multi_reduction <add>, %mul3A_296, %reduce_sum3A_297 [1] : vector<128x4096xf32> to vector<128xf32>
    %broadcast_in_dim3A_299 = vector.shape_cast %reduce_sum3A_298 : vector<128xf32> to vector<128x1xf32>
    %ge3A_300 = arith.constant 6.000000e+00 : f32
    %ge3A_301 = vector.broadcast %ge3A_300 : f32 to vector<128x1xf32>
    %ge3A_302 = arith.cmpf oge, %slice3A_225, %ge3A_301 : vector<128x1xf32>
    %select_n3A_303 = arith.select %ge3A_302, %broadcast_in_dim3A_299, %broadcast_in_dim3A_235 : vector<128x1xi1>, vector<128x1xf32>
    %eq3A_304 = arith.constant 7.000000e+00 : f32
    %eq3A_305 = vector.broadcast %eq3A_304 : f32 to vector<128x4096xf32>
    %eq3A_306 = arith.cmpf oeq, %concatenate3A, %eq3A_305 : vector<128x4096xf32>
    %convert_element_type3A_307 = arith.extui %eq3A_306 : vector<128x4096xi1> to vector<128x4096xi32>
    %convert_element_type3A_308 = arith.sitofp %convert_element_type3A_307 : vector<128x4096xi32> to vector<128x4096xf32>
    %mul3A_309 = arith.mulf %convert_element_type3A_29, %convert_element_type3A_308 : vector<128x4096xf32>
    %mul3A_310 = arith.mulf %convert_element_type3A_227, %mul3A_309 : vector<128x4096xf32>
    %reduce_sum3A_311 = arith.constant dense<0.000000e+00> : vector<128xf32>
    %reduce_sum3A_312 = vector.multi_reduction <add>, %mul3A_310, %reduce_sum3A_311 [1] : vector<128x4096xf32> to vector<128xf32>
    %broadcast_in_dim3A_313 = vector.shape_cast %reduce_sum3A_312 : vector<128xf32> to vector<128x1xf32>
    %ge3A_314 = arith.constant 7.000000e+00 : f32
    %ge3A_315 = vector.broadcast %ge3A_314 : f32 to vector<128x1xf32>
    %ge3A_316 = arith.cmpf oge, %slice3A_225, %ge3A_315 : vector<128x1xf32>
    %select_n3A_317 = arith.select %ge3A_316, %broadcast_in_dim3A_313, %broadcast_in_dim3A_235 : vector<128x1xi1>, vector<128x1xf32>
    %eq3A_318 = arith.constant 8.000000e+00 : f32
    %eq3A_319 = vector.broadcast %eq3A_318 : f32 to vector<128x4096xf32>
    %eq3A_320 = arith.cmpf oeq, %concatenate3A, %eq3A_319 : vector<128x4096xf32>
    %convert_element_type3A_321 = arith.extui %eq3A_320 : vector<128x4096xi1> to vector<128x4096xi32>
    %convert_element_type3A_322 = arith.sitofp %convert_element_type3A_321 : vector<128x4096xi32> to vector<128x4096xf32>
    %mul3A_323 = arith.mulf %convert_element_type3A_29, %convert_element_type3A_322 : vector<128x4096xf32>
    %mul3A_324 = arith.mulf %convert_element_type3A_227, %mul3A_323 : vector<128x4096xf32>
    %reduce_sum3A_325 = arith.constant dense<0.000000e+00> : vector<128xf32>
    %reduce_sum3A_326 = vector.multi_reduction <add>, %mul3A_324, %reduce_sum3A_325 [1] : vector<128x4096xf32> to vector<128xf32>
    %broadcast_in_dim3A_327 = vector.shape_cast %reduce_sum3A_326 : vector<128xf32> to vector<128x1xf32>
    %ge3A_328 = arith.constant 8.000000e+00 : f32
    %ge3A_329 = vector.broadcast %ge3A_328 : f32 to vector<128x1xf32>
    %ge3A_330 = arith.cmpf oge, %slice3A_225, %ge3A_329 : vector<128x1xf32>
    %select_n3A_331 = arith.select %ge3A_330, %broadcast_in_dim3A_327, %broadcast_in_dim3A_235 : vector<128x1xi1>, vector<128x1xf32>
    %eq3A_332 = arith.constant 9.000000e+00 : f32
    %eq3A_333 = vector.broadcast %eq3A_332 : f32 to vector<128x4096xf32>
    %eq3A_334 = arith.cmpf oeq, %concatenate3A, %eq3A_333 : vector<128x4096xf32>
    %convert_element_type3A_335 = arith.extui %eq3A_334 : vector<128x4096xi1> to vector<128x4096xi32>
    %convert_element_type3A_336 = arith.sitofp %convert_element_type3A_335 : vector<128x4096xi32> to vector<128x4096xf32>
    %mul3A_337 = arith.mulf %convert_element_type3A_29, %convert_element_type3A_336 : vector<128x4096xf32>
    %mul3A_338 = arith.mulf %convert_element_type3A_227, %mul3A_337 : vector<128x4096xf32>
    %reduce_sum3A_339 = arith.constant dense<0.000000e+00> : vector<128xf32>
    %reduce_sum3A_340 = vector.multi_reduction <add>, %mul3A_338, %reduce_sum3A_339 [1] : vector<128x4096xf32> to vector<128xf32>
    %broadcast_in_dim3A_341 = vector.shape_cast %reduce_sum3A_340 : vector<128xf32> to vector<128x1xf32>
    %ge3A_342 = arith.constant 9.000000e+00 : f32
    %ge3A_343 = vector.broadcast %ge3A_342 : f32 to vector<128x1xf32>
    %ge3A_344 = arith.cmpf oge, %slice3A_225, %ge3A_343 : vector<128x1xf32>
    %select_n3A_345 = arith.select %ge3A_344, %broadcast_in_dim3A_341, %broadcast_in_dim3A_235 : vector<128x1xi1>, vector<128x1xf32>
    %eq3A_346 = arith.constant 1.000000e+01 : f32
    %eq3A_347 = vector.broadcast %eq3A_346 : f32 to vector<128x4096xf32>
    %eq3A_348 = arith.cmpf oeq, %concatenate3A, %eq3A_347 : vector<128x4096xf32>
    %convert_element_type3A_349 = arith.extui %eq3A_348 : vector<128x4096xi1> to vector<128x4096xi32>
    %convert_element_type3A_350 = arith.sitofp %convert_element_type3A_349 : vector<128x4096xi32> to vector<128x4096xf32>
    %mul3A_351 = arith.mulf %convert_element_type3A_29, %convert_element_type3A_350 : vector<128x4096xf32>
    %mul3A_352 = arith.mulf %convert_element_type3A_227, %mul3A_351 : vector<128x4096xf32>
    %reduce_sum3A_353 = arith.constant dense<0.000000e+00> : vector<128xf32>
    %reduce_sum3A_354 = vector.multi_reduction <add>, %mul3A_352, %reduce_sum3A_353 [1] : vector<128x4096xf32> to vector<128xf32>
    %broadcast_in_dim3A_355 = vector.shape_cast %reduce_sum3A_354 : vector<128xf32> to vector<128x1xf32>
    %ge3A_356 = arith.constant 1.000000e+01 : f32
    %ge3A_357 = vector.broadcast %ge3A_356 : f32 to vector<128x1xf32>
    %ge3A_358 = arith.cmpf oge, %slice3A_225, %ge3A_357 : vector<128x1xf32>
    %select_n3A_359 = arith.select %ge3A_358, %broadcast_in_dim3A_355, %broadcast_in_dim3A_235 : vector<128x1xi1>, vector<128x1xf32>
    %eq3A_360 = arith.constant 1.100000e+01 : f32
    %eq3A_361 = vector.broadcast %eq3A_360 : f32 to vector<128x4096xf32>
    %eq3A_362 = arith.cmpf oeq, %concatenate3A, %eq3A_361 : vector<128x4096xf32>
    %convert_element_type3A_363 = arith.extui %eq3A_362 : vector<128x4096xi1> to vector<128x4096xi32>
    %convert_element_type3A_364 = arith.sitofp %convert_element_type3A_363 : vector<128x4096xi32> to vector<128x4096xf32>
    %mul3A_365 = arith.mulf %convert_element_type3A_29, %convert_element_type3A_364 : vector<128x4096xf32>
    %mul3A_366 = arith.mulf %convert_element_type3A_227, %mul3A_365 : vector<128x4096xf32>
    %reduce_sum3A_367 = arith.constant dense<0.000000e+00> : vector<128xf32>
    %reduce_sum3A_368 = vector.multi_reduction <add>, %mul3A_366, %reduce_sum3A_367 [1] : vector<128x4096xf32> to vector<128xf32>
    %broadcast_in_dim3A_369 = vector.shape_cast %reduce_sum3A_368 : vector<128xf32> to vector<128x1xf32>
    %ge3A_370 = arith.constant 1.100000e+01 : f32
    %ge3A_371 = vector.broadcast %ge3A_370 : f32 to vector<128x1xf32>
    %ge3A_372 = arith.cmpf oge, %slice3A_225, %ge3A_371 : vector<128x1xf32>
    %select_n3A_373 = arith.select %ge3A_372, %broadcast_in_dim3A_369, %broadcast_in_dim3A_235 : vector<128x1xi1>, vector<128x1xf32>
    %eq3A_374 = arith.constant 1.200000e+01 : f32
    %eq3A_375 = vector.broadcast %eq3A_374 : f32 to vector<128x4096xf32>
    %eq3A_376 = arith.cmpf oeq, %concatenate3A, %eq3A_375 : vector<128x4096xf32>
    %convert_element_type3A_377 = arith.extui %eq3A_376 : vector<128x4096xi1> to vector<128x4096xi32>
    %convert_element_type3A_378 = arith.sitofp %convert_element_type3A_377 : vector<128x4096xi32> to vector<128x4096xf32>
    %mul3A_379 = arith.mulf %convert_element_type3A_29, %convert_element_type3A_378 : vector<128x4096xf32>
    %mul3A_380 = arith.mulf %convert_element_type3A_227, %mul3A_379 : vector<128x4096xf32>
    %reduce_sum3A_381 = arith.constant dense<0.000000e+00> : vector<128xf32>
    %reduce_sum3A_382 = vector.multi_reduction <add>, %mul3A_380, %reduce_sum3A_381 [1] : vector<128x4096xf32> to vector<128xf32>
    %broadcast_in_dim3A_383 = vector.shape_cast %reduce_sum3A_382 : vector<128xf32> to vector<128x1xf32>
    %ge3A_384 = arith.constant 1.200000e+01 : f32
    %ge3A_385 = vector.broadcast %ge3A_384 : f32 to vector<128x1xf32>
    %ge3A_386 = arith.cmpf oge, %slice3A_225, %ge3A_385 : vector<128x1xf32>
    %select_n3A_387 = arith.select %ge3A_386, %broadcast_in_dim3A_383, %broadcast_in_dim3A_235 : vector<128x1xi1>, vector<128x1xf32>
    %eq3A_388 = arith.constant 1.300000e+01 : f32
    %eq3A_389 = vector.broadcast %eq3A_388 : f32 to vector<128x4096xf32>
    %eq3A_390 = arith.cmpf oeq, %concatenate3A, %eq3A_389 : vector<128x4096xf32>
    %convert_element_type3A_391 = arith.extui %eq3A_390 : vector<128x4096xi1> to vector<128x4096xi32>
    %convert_element_type3A_392 = arith.sitofp %convert_element_type3A_391 : vector<128x4096xi32> to vector<128x4096xf32>
    %mul3A_393 = arith.mulf %convert_element_type3A_29, %convert_element_type3A_392 : vector<128x4096xf32>
    %mul3A_394 = arith.mulf %convert_element_type3A_227, %mul3A_393 : vector<128x4096xf32>
    %reduce_sum3A_395 = arith.constant dense<0.000000e+00> : vector<128xf32>
    %reduce_sum3A_396 = vector.multi_reduction <add>, %mul3A_394, %reduce_sum3A_395 [1] : vector<128x4096xf32> to vector<128xf32>
    %broadcast_in_dim3A_397 = vector.shape_cast %reduce_sum3A_396 : vector<128xf32> to vector<128x1xf32>
    %ge3A_398 = arith.constant 1.300000e+01 : f32
    %ge3A_399 = vector.broadcast %ge3A_398 : f32 to vector<128x1xf32>
    %ge3A_400 = arith.cmpf oge, %slice3A_225, %ge3A_399 : vector<128x1xf32>
    %select_n3A_401 = arith.select %ge3A_400, %broadcast_in_dim3A_397, %broadcast_in_dim3A_235 : vector<128x1xi1>, vector<128x1xf32>
    %eq3A_402 = arith.constant 1.400000e+01 : f32
    %eq3A_403 = vector.broadcast %eq3A_402 : f32 to vector<128x4096xf32>
    %eq3A_404 = arith.cmpf oeq, %concatenate3A, %eq3A_403 : vector<128x4096xf32>
    %convert_element_type3A_405 = arith.extui %eq3A_404 : vector<128x4096xi1> to vector<128x4096xi32>
    %convert_element_type3A_406 = arith.sitofp %convert_element_type3A_405 : vector<128x4096xi32> to vector<128x4096xf32>
    %mul3A_407 = arith.mulf %convert_element_type3A_29, %convert_element_type3A_406 : vector<128x4096xf32>
    %mul3A_408 = arith.mulf %convert_element_type3A_227, %mul3A_407 : vector<128x4096xf32>
    %reduce_sum3A_409 = arith.constant dense<0.000000e+00> : vector<128xf32>
    %reduce_sum3A_410 = vector.multi_reduction <add>, %mul3A_408, %reduce_sum3A_409 [1] : vector<128x4096xf32> to vector<128xf32>
    %broadcast_in_dim3A_411 = vector.shape_cast %reduce_sum3A_410 : vector<128xf32> to vector<128x1xf32>
    %ge3A_412 = arith.constant 1.400000e+01 : f32
    %ge3A_413 = vector.broadcast %ge3A_412 : f32 to vector<128x1xf32>
    %ge3A_414 = arith.cmpf oge, %slice3A_225, %ge3A_413 : vector<128x1xf32>
    %select_n3A_415 = arith.select %ge3A_414, %broadcast_in_dim3A_411, %broadcast_in_dim3A_235 : vector<128x1xi1>, vector<128x1xf32>
    %eq3A_416 = arith.constant 1.500000e+01 : f32
    %eq3A_417 = vector.broadcast %eq3A_416 : f32 to vector<128x4096xf32>
    %eq3A_418 = arith.cmpf oeq, %concatenate3A, %eq3A_417 : vector<128x4096xf32>
    %convert_element_type3A_419 = arith.extui %eq3A_418 : vector<128x4096xi1> to vector<128x4096xi32>
    %convert_element_type3A_420 = arith.sitofp %convert_element_type3A_419 : vector<128x4096xi32> to vector<128x4096xf32>
    %mul3A_421 = arith.mulf %convert_element_type3A_29, %convert_element_type3A_420 : vector<128x4096xf32>
    %mul3A_422 = arith.mulf %convert_element_type3A_227, %mul3A_421 : vector<128x4096xf32>
    %reduce_sum3A_423 = arith.constant dense<0.000000e+00> : vector<128xf32>
    %reduce_sum3A_424 = vector.multi_reduction <add>, %mul3A_422, %reduce_sum3A_423 [1] : vector<128x4096xf32> to vector<128xf32>
    %broadcast_in_dim3A_425 = vector.shape_cast %reduce_sum3A_424 : vector<128xf32> to vector<128x1xf32>
    %ge3A_426 = arith.constant 1.500000e+01 : f32
    %ge3A_427 = vector.broadcast %ge3A_426 : f32 to vector<128x1xf32>
    %ge3A_428 = arith.cmpf oge, %slice3A_225, %ge3A_427 : vector<128x1xf32>
    %select_n3A_429 = arith.select %ge3A_428, %broadcast_in_dim3A_425, %broadcast_in_dim3A_235 : vector<128x1xi1>, vector<128x1xf32>
    %eq3A_430 = arith.constant 1.600000e+01 : f32
    %eq3A_431 = vector.broadcast %eq3A_430 : f32 to vector<128x4096xf32>
    %eq3A_432 = arith.cmpf oeq, %concatenate3A, %eq3A_431 : vector<128x4096xf32>
    %convert_element_type3A_433 = arith.extui %eq3A_432 : vector<128x4096xi1> to vector<128x4096xi32>
    %convert_element_type3A_434 = arith.sitofp %convert_element_type3A_433 : vector<128x4096xi32> to vector<128x4096xf32>
    %mul3A_435 = arith.mulf %convert_element_type3A_29, %convert_element_type3A_434 : vector<128x4096xf32>
    %mul3A_436 = arith.mulf %convert_element_type3A_227, %mul3A_435 : vector<128x4096xf32>
    %reduce_sum3A_437 = arith.constant dense<0.000000e+00> : vector<128xf32>
    %reduce_sum3A_438 = vector.multi_reduction <add>, %mul3A_436, %reduce_sum3A_437 [1] : vector<128x4096xf32> to vector<128xf32>
    %broadcast_in_dim3A_439 = vector.shape_cast %reduce_sum3A_438 : vector<128xf32> to vector<128x1xf32>
    %ge3A_440 = arith.constant 1.600000e+01 : f32
    %ge3A_441 = vector.broadcast %ge3A_440 : f32 to vector<128x1xf32>
    %ge3A_442 = arith.cmpf oge, %slice3A_225, %ge3A_441 : vector<128x1xf32>
    %select_n3A_443 = arith.select %ge3A_442, %broadcast_in_dim3A_439, %broadcast_in_dim3A_235 : vector<128x1xi1>, vector<128x1xf32>
    %eq3A_444 = arith.constant 1.700000e+01 : f32
    %eq3A_445 = vector.broadcast %eq3A_444 : f32 to vector<128x4096xf32>
    %eq3A_446 = arith.cmpf oeq, %concatenate3A, %eq3A_445 : vector<128x4096xf32>
    %convert_element_type3A_447 = arith.extui %eq3A_446 : vector<128x4096xi1> to vector<128x4096xi32>
    %convert_element_type3A_448 = arith.sitofp %convert_element_type3A_447 : vector<128x4096xi32> to vector<128x4096xf32>
    %mul3A_449 = arith.mulf %convert_element_type3A_29, %convert_element_type3A_448 : vector<128x4096xf32>
    %mul3A_450 = arith.mulf %convert_element_type3A_227, %mul3A_449 : vector<128x4096xf32>
    %reduce_sum3A_451 = arith.constant dense<0.000000e+00> : vector<128xf32>
    %reduce_sum3A_452 = vector.multi_reduction <add>, %mul3A_450, %reduce_sum3A_451 [1] : vector<128x4096xf32> to vector<128xf32>
    %broadcast_in_dim3A_453 = vector.shape_cast %reduce_sum3A_452 : vector<128xf32> to vector<128x1xf32>
    %ge3A_454 = arith.constant 1.700000e+01 : f32
    %ge3A_455 = vector.broadcast %ge3A_454 : f32 to vector<128x1xf32>
    %ge3A_456 = arith.cmpf oge, %slice3A_225, %ge3A_455 : vector<128x1xf32>
    %select_n3A_457 = arith.select %ge3A_456, %broadcast_in_dim3A_453, %broadcast_in_dim3A_235 : vector<128x1xi1>, vector<128x1xf32>
    %eq3A_458 = arith.constant 1.800000e+01 : f32
    %eq3A_459 = vector.broadcast %eq3A_458 : f32 to vector<128x4096xf32>
    %eq3A_460 = arith.cmpf oeq, %concatenate3A, %eq3A_459 : vector<128x4096xf32>
    %convert_element_type3A_461 = arith.extui %eq3A_460 : vector<128x4096xi1> to vector<128x4096xi32>
    %convert_element_type3A_462 = arith.sitofp %convert_element_type3A_461 : vector<128x4096xi32> to vector<128x4096xf32>
    %mul3A_463 = arith.mulf %convert_element_type3A_29, %convert_element_type3A_462 : vector<128x4096xf32>
    %mul3A_464 = arith.mulf %convert_element_type3A_227, %mul3A_463 : vector<128x4096xf32>
    %reduce_sum3A_465 = arith.constant dense<0.000000e+00> : vector<128xf32>
    %reduce_sum3A_466 = vector.multi_reduction <add>, %mul3A_464, %reduce_sum3A_465 [1] : vector<128x4096xf32> to vector<128xf32>
    %broadcast_in_dim3A_467 = vector.shape_cast %reduce_sum3A_466 : vector<128xf32> to vector<128x1xf32>
    %ge3A_468 = arith.constant 1.800000e+01 : f32
    %ge3A_469 = vector.broadcast %ge3A_468 : f32 to vector<128x1xf32>
    %ge3A_470 = arith.cmpf oge, %slice3A_225, %ge3A_469 : vector<128x1xf32>
    %select_n3A_471 = arith.select %ge3A_470, %broadcast_in_dim3A_467, %broadcast_in_dim3A_235 : vector<128x1xi1>, vector<128x1xf32>
    %eq3A_472 = arith.constant 1.900000e+01 : f32
    %eq3A_473 = vector.broadcast %eq3A_472 : f32 to vector<128x4096xf32>
    %eq3A_474 = arith.cmpf oeq, %concatenate3A, %eq3A_473 : vector<128x4096xf32>
    %convert_element_type3A_475 = arith.extui %eq3A_474 : vector<128x4096xi1> to vector<128x4096xi32>
    %convert_element_type3A_476 = arith.sitofp %convert_element_type3A_475 : vector<128x4096xi32> to vector<128x4096xf32>
    %mul3A_477 = arith.mulf %convert_element_type3A_29, %convert_element_type3A_476 : vector<128x4096xf32>
    %mul3A_478 = arith.mulf %convert_element_type3A_227, %mul3A_477 : vector<128x4096xf32>
    %reduce_sum3A_479 = arith.constant dense<0.000000e+00> : vector<128xf32>
    %reduce_sum3A_480 = vector.multi_reduction <add>, %mul3A_478, %reduce_sum3A_479 [1] : vector<128x4096xf32> to vector<128xf32>
    %broadcast_in_dim3A_481 = vector.shape_cast %reduce_sum3A_480 : vector<128xf32> to vector<128x1xf32>
    %ge3A_482 = arith.constant 1.900000e+01 : f32
    %ge3A_483 = vector.broadcast %ge3A_482 : f32 to vector<128x1xf32>
    %ge3A_484 = arith.cmpf oge, %slice3A_225, %ge3A_483 : vector<128x1xf32>
    %select_n3A_485 = arith.select %ge3A_484, %broadcast_in_dim3A_481, %broadcast_in_dim3A_235 : vector<128x1xi1>, vector<128x1xf32>
    %eq3A_486 = arith.constant 2.000000e+01 : f32
    %eq3A_487 = vector.broadcast %eq3A_486 : f32 to vector<128x4096xf32>
    %eq3A_488 = arith.cmpf oeq, %concatenate3A, %eq3A_487 : vector<128x4096xf32>
    %convert_element_type3A_489 = arith.extui %eq3A_488 : vector<128x4096xi1> to vector<128x4096xi32>
    %convert_element_type3A_490 = arith.sitofp %convert_element_type3A_489 : vector<128x4096xi32> to vector<128x4096xf32>
    %mul3A_491 = arith.mulf %convert_element_type3A_29, %convert_element_type3A_490 : vector<128x4096xf32>
    %mul3A_492 = arith.mulf %convert_element_type3A_227, %mul3A_491 : vector<128x4096xf32>
    %reduce_sum3A_493 = arith.constant dense<0.000000e+00> : vector<128xf32>
    %reduce_sum3A_494 = vector.multi_reduction <add>, %mul3A_492, %reduce_sum3A_493 [1] : vector<128x4096xf32> to vector<128xf32>
    %broadcast_in_dim3A_495 = vector.shape_cast %reduce_sum3A_494 : vector<128xf32> to vector<128x1xf32>
    %ge3A_496 = arith.constant 2.000000e+01 : f32
    %ge3A_497 = vector.broadcast %ge3A_496 : f32 to vector<128x1xf32>
    %ge3A_498 = arith.cmpf oge, %slice3A_225, %ge3A_497 : vector<128x1xf32>
    %select_n3A_499 = arith.select %ge3A_498, %broadcast_in_dim3A_495, %broadcast_in_dim3A_235 : vector<128x1xi1>, vector<128x1xf32>
    %eq3A_500 = arith.constant 2.100000e+01 : f32
    %eq3A_501 = vector.broadcast %eq3A_500 : f32 to vector<128x4096xf32>
    %eq3A_502 = arith.cmpf oeq, %concatenate3A, %eq3A_501 : vector<128x4096xf32>
    %convert_element_type3A_503 = arith.extui %eq3A_502 : vector<128x4096xi1> to vector<128x4096xi32>
    %convert_element_type3A_504 = arith.sitofp %convert_element_type3A_503 : vector<128x4096xi32> to vector<128x4096xf32>
    %mul3A_505 = arith.mulf %convert_element_type3A_29, %convert_element_type3A_504 : vector<128x4096xf32>
    %mul3A_506 = arith.mulf %convert_element_type3A_227, %mul3A_505 : vector<128x4096xf32>
    %reduce_sum3A_507 = arith.constant dense<0.000000e+00> : vector<128xf32>
    %reduce_sum3A_508 = vector.multi_reduction <add>, %mul3A_506, %reduce_sum3A_507 [1] : vector<128x4096xf32> to vector<128xf32>
    %broadcast_in_dim3A_509 = vector.shape_cast %reduce_sum3A_508 : vector<128xf32> to vector<128x1xf32>
    %ge3A_510 = arith.constant 2.100000e+01 : f32
    %ge3A_511 = vector.broadcast %ge3A_510 : f32 to vector<128x1xf32>
    %ge3A_512 = arith.cmpf oge, %slice3A_225, %ge3A_511 : vector<128x1xf32>
    %select_n3A_513 = arith.select %ge3A_512, %broadcast_in_dim3A_509, %broadcast_in_dim3A_235 : vector<128x1xi1>, vector<128x1xf32>
    %eq3A_514 = arith.constant 2.200000e+01 : f32
    %eq3A_515 = vector.broadcast %eq3A_514 : f32 to vector<128x4096xf32>
    %eq3A_516 = arith.cmpf oeq, %concatenate3A, %eq3A_515 : vector<128x4096xf32>
    %convert_element_type3A_517 = arith.extui %eq3A_516 : vector<128x4096xi1> to vector<128x4096xi32>
    %convert_element_type3A_518 = arith.sitofp %convert_element_type3A_517 : vector<128x4096xi32> to vector<128x4096xf32>
    %mul3A_519 = arith.mulf %convert_element_type3A_29, %convert_element_type3A_518 : vector<128x4096xf32>
    %mul3A_520 = arith.mulf %convert_element_type3A_227, %mul3A_519 : vector<128x4096xf32>
    %reduce_sum3A_521 = arith.constant dense<0.000000e+00> : vector<128xf32>
    %reduce_sum3A_522 = vector.multi_reduction <add>, %mul3A_520, %reduce_sum3A_521 [1] : vector<128x4096xf32> to vector<128xf32>
    %broadcast_in_dim3A_523 = vector.shape_cast %reduce_sum3A_522 : vector<128xf32> to vector<128x1xf32>
    %ge3A_524 = arith.constant 2.200000e+01 : f32
    %ge3A_525 = vector.broadcast %ge3A_524 : f32 to vector<128x1xf32>
    %ge3A_526 = arith.cmpf oge, %slice3A_225, %ge3A_525 : vector<128x1xf32>
    %select_n3A_527 = arith.select %ge3A_526, %broadcast_in_dim3A_523, %broadcast_in_dim3A_235 : vector<128x1xi1>, vector<128x1xf32>
    %eq3A_528 = arith.constant 2.300000e+01 : f32
    %eq3A_529 = vector.broadcast %eq3A_528 : f32 to vector<128x4096xf32>
    %eq3A_530 = arith.cmpf oeq, %concatenate3A, %eq3A_529 : vector<128x4096xf32>
    %convert_element_type3A_531 = arith.extui %eq3A_530 : vector<128x4096xi1> to vector<128x4096xi32>
    %convert_element_type3A_532 = arith.sitofp %convert_element_type3A_531 : vector<128x4096xi32> to vector<128x4096xf32>
    %mul3A_533 = arith.mulf %convert_element_type3A_29, %convert_element_type3A_532 : vector<128x4096xf32>
    %mul3A_534 = arith.mulf %convert_element_type3A_227, %mul3A_533 : vector<128x4096xf32>
    %reduce_sum3A_535 = arith.constant dense<0.000000e+00> : vector<128xf32>
    %reduce_sum3A_536 = vector.multi_reduction <add>, %mul3A_534, %reduce_sum3A_535 [1] : vector<128x4096xf32> to vector<128xf32>
    %broadcast_in_dim3A_537 = vector.shape_cast %reduce_sum3A_536 : vector<128xf32> to vector<128x1xf32>
    %ge3A_538 = arith.constant 2.300000e+01 : f32
    %ge3A_539 = vector.broadcast %ge3A_538 : f32 to vector<128x1xf32>
    %ge3A_540 = arith.cmpf oge, %slice3A_225, %ge3A_539 : vector<128x1xf32>
    %select_n3A_541 = arith.select %ge3A_540, %broadcast_in_dim3A_537, %broadcast_in_dim3A_235 : vector<128x1xi1>, vector<128x1xf32>
    %eq3A_542 = arith.constant 2.400000e+01 : f32
    %eq3A_543 = vector.broadcast %eq3A_542 : f32 to vector<128x4096xf32>
    %eq3A_544 = arith.cmpf oeq, %concatenate3A, %eq3A_543 : vector<128x4096xf32>
    %convert_element_type3A_545 = arith.extui %eq3A_544 : vector<128x4096xi1> to vector<128x4096xi32>
    %convert_element_type3A_546 = arith.sitofp %convert_element_type3A_545 : vector<128x4096xi32> to vector<128x4096xf32>
    %mul3A_547 = arith.mulf %convert_element_type3A_29, %convert_element_type3A_546 : vector<128x4096xf32>
    %mul3A_548 = arith.mulf %convert_element_type3A_227, %mul3A_547 : vector<128x4096xf32>
    %reduce_sum3A_549 = arith.constant dense<0.000000e+00> : vector<128xf32>
    %reduce_sum3A_550 = vector.multi_reduction <add>, %mul3A_548, %reduce_sum3A_549 [1] : vector<128x4096xf32> to vector<128xf32>
    %broadcast_in_dim3A_551 = vector.shape_cast %reduce_sum3A_550 : vector<128xf32> to vector<128x1xf32>
    %ge3A_552 = arith.constant 2.400000e+01 : f32
    %ge3A_553 = vector.broadcast %ge3A_552 : f32 to vector<128x1xf32>
    %ge3A_554 = arith.cmpf oge, %slice3A_225, %ge3A_553 : vector<128x1xf32>
    %select_n3A_555 = arith.select %ge3A_554, %broadcast_in_dim3A_551, %broadcast_in_dim3A_235 : vector<128x1xi1>, vector<128x1xf32>
    %eq3A_556 = arith.constant 2.500000e+01 : f32
    %eq3A_557 = vector.broadcast %eq3A_556 : f32 to vector<128x4096xf32>
    %eq3A_558 = arith.cmpf oeq, %concatenate3A, %eq3A_557 : vector<128x4096xf32>
    %convert_element_type3A_559 = arith.extui %eq3A_558 : vector<128x4096xi1> to vector<128x4096xi32>
    %convert_element_type3A_560 = arith.sitofp %convert_element_type3A_559 : vector<128x4096xi32> to vector<128x4096xf32>
    %mul3A_561 = arith.mulf %convert_element_type3A_29, %convert_element_type3A_560 : vector<128x4096xf32>
    %mul3A_562 = arith.mulf %convert_element_type3A_227, %mul3A_561 : vector<128x4096xf32>
    %reduce_sum3A_563 = arith.constant dense<0.000000e+00> : vector<128xf32>
    %reduce_sum3A_564 = vector.multi_reduction <add>, %mul3A_562, %reduce_sum3A_563 [1] : vector<128x4096xf32> to vector<128xf32>
    %broadcast_in_dim3A_565 = vector.shape_cast %reduce_sum3A_564 : vector<128xf32> to vector<128x1xf32>
    %ge3A_566 = arith.constant 2.500000e+01 : f32
    %ge3A_567 = vector.broadcast %ge3A_566 : f32 to vector<128x1xf32>
    %ge3A_568 = arith.cmpf oge, %slice3A_225, %ge3A_567 : vector<128x1xf32>
    %select_n3A_569 = arith.select %ge3A_568, %broadcast_in_dim3A_565, %broadcast_in_dim3A_235 : vector<128x1xi1>, vector<128x1xf32>
    %eq3A_570 = arith.constant 2.600000e+01 : f32
    %eq3A_571 = vector.broadcast %eq3A_570 : f32 to vector<128x4096xf32>
    %eq3A_572 = arith.cmpf oeq, %concatenate3A, %eq3A_571 : vector<128x4096xf32>
    %convert_element_type3A_573 = arith.extui %eq3A_572 : vector<128x4096xi1> to vector<128x4096xi32>
    %convert_element_type3A_574 = arith.sitofp %convert_element_type3A_573 : vector<128x4096xi32> to vector<128x4096xf32>
    %mul3A_575 = arith.mulf %convert_element_type3A_29, %convert_element_type3A_574 : vector<128x4096xf32>
    %mul3A_576 = arith.mulf %convert_element_type3A_227, %mul3A_575 : vector<128x4096xf32>
    %reduce_sum3A_577 = arith.constant dense<0.000000e+00> : vector<128xf32>
    %reduce_sum3A_578 = vector.multi_reduction <add>, %mul3A_576, %reduce_sum3A_577 [1] : vector<128x4096xf32> to vector<128xf32>
    %broadcast_in_dim3A_579 = vector.shape_cast %reduce_sum3A_578 : vector<128xf32> to vector<128x1xf32>
    %ge3A_580 = arith.constant 2.600000e+01 : f32
    %ge3A_581 = vector.broadcast %ge3A_580 : f32 to vector<128x1xf32>
    %ge3A_582 = arith.cmpf oge, %slice3A_225, %ge3A_581 : vector<128x1xf32>
    %select_n3A_583 = arith.select %ge3A_582, %broadcast_in_dim3A_579, %broadcast_in_dim3A_235 : vector<128x1xi1>, vector<128x1xf32>
    %eq3A_584 = arith.constant 2.700000e+01 : f32
    %eq3A_585 = vector.broadcast %eq3A_584 : f32 to vector<128x4096xf32>
    %eq3A_586 = arith.cmpf oeq, %concatenate3A, %eq3A_585 : vector<128x4096xf32>
    %convert_element_type3A_587 = arith.extui %eq3A_586 : vector<128x4096xi1> to vector<128x4096xi32>
    %convert_element_type3A_588 = arith.sitofp %convert_element_type3A_587 : vector<128x4096xi32> to vector<128x4096xf32>
    %mul3A_589 = arith.mulf %convert_element_type3A_29, %convert_element_type3A_588 : vector<128x4096xf32>
    %mul3A_590 = arith.mulf %convert_element_type3A_227, %mul3A_589 : vector<128x4096xf32>
    %reduce_sum3A_591 = arith.constant dense<0.000000e+00> : vector<128xf32>
    %reduce_sum3A_592 = vector.multi_reduction <add>, %mul3A_590, %reduce_sum3A_591 [1] : vector<128x4096xf32> to vector<128xf32>
    %broadcast_in_dim3A_593 = vector.shape_cast %reduce_sum3A_592 : vector<128xf32> to vector<128x1xf32>
    %ge3A_594 = arith.constant 2.700000e+01 : f32
    %ge3A_595 = vector.broadcast %ge3A_594 : f32 to vector<128x1xf32>
    %ge3A_596 = arith.cmpf oge, %slice3A_225, %ge3A_595 : vector<128x1xf32>
    %select_n3A_597 = arith.select %ge3A_596, %broadcast_in_dim3A_593, %broadcast_in_dim3A_235 : vector<128x1xi1>, vector<128x1xf32>
    %eq3A_598 = arith.constant 2.800000e+01 : f32
    %eq3A_599 = vector.broadcast %eq3A_598 : f32 to vector<128x4096xf32>
    %eq3A_600 = arith.cmpf oeq, %concatenate3A, %eq3A_599 : vector<128x4096xf32>
    %convert_element_type3A_601 = arith.extui %eq3A_600 : vector<128x4096xi1> to vector<128x4096xi32>
    %convert_element_type3A_602 = arith.sitofp %convert_element_type3A_601 : vector<128x4096xi32> to vector<128x4096xf32>
    %mul3A_603 = arith.mulf %convert_element_type3A_29, %convert_element_type3A_602 : vector<128x4096xf32>
    %mul3A_604 = arith.mulf %convert_element_type3A_227, %mul3A_603 : vector<128x4096xf32>
    %reduce_sum3A_605 = arith.constant dense<0.000000e+00> : vector<128xf32>
    %reduce_sum3A_606 = vector.multi_reduction <add>, %mul3A_604, %reduce_sum3A_605 [1] : vector<128x4096xf32> to vector<128xf32>
    %broadcast_in_dim3A_607 = vector.shape_cast %reduce_sum3A_606 : vector<128xf32> to vector<128x1xf32>
    %ge3A_608 = arith.constant 2.800000e+01 : f32
    %ge3A_609 = vector.broadcast %ge3A_608 : f32 to vector<128x1xf32>
    %ge3A_610 = arith.cmpf oge, %slice3A_225, %ge3A_609 : vector<128x1xf32>
    %select_n3A_611 = arith.select %ge3A_610, %broadcast_in_dim3A_607, %broadcast_in_dim3A_235 : vector<128x1xi1>, vector<128x1xf32>
    %eq3A_612 = arith.constant 2.900000e+01 : f32
    %eq3A_613 = vector.broadcast %eq3A_612 : f32 to vector<128x4096xf32>
    %eq3A_614 = arith.cmpf oeq, %concatenate3A, %eq3A_613 : vector<128x4096xf32>
    %convert_element_type3A_615 = arith.extui %eq3A_614 : vector<128x4096xi1> to vector<128x4096xi32>
    %convert_element_type3A_616 = arith.sitofp %convert_element_type3A_615 : vector<128x4096xi32> to vector<128x4096xf32>
    %mul3A_617 = arith.mulf %convert_element_type3A_29, %convert_element_type3A_616 : vector<128x4096xf32>
    %mul3A_618 = arith.mulf %convert_element_type3A_227, %mul3A_617 : vector<128x4096xf32>
    %reduce_sum3A_619 = arith.constant dense<0.000000e+00> : vector<128xf32>
    %reduce_sum3A_620 = vector.multi_reduction <add>, %mul3A_618, %reduce_sum3A_619 [1] : vector<128x4096xf32> to vector<128xf32>
    %broadcast_in_dim3A_621 = vector.shape_cast %reduce_sum3A_620 : vector<128xf32> to vector<128x1xf32>
    %ge3A_622 = arith.constant 2.900000e+01 : f32
    %ge3A_623 = vector.broadcast %ge3A_622 : f32 to vector<128x1xf32>
    %ge3A_624 = arith.cmpf oge, %slice3A_225, %ge3A_623 : vector<128x1xf32>
    %select_n3A_625 = arith.select %ge3A_624, %broadcast_in_dim3A_621, %broadcast_in_dim3A_235 : vector<128x1xi1>, vector<128x1xf32>
    %eq3A_626 = arith.constant 3.000000e+01 : f32
    %eq3A_627 = vector.broadcast %eq3A_626 : f32 to vector<128x4096xf32>
    %eq3A_628 = arith.cmpf oeq, %concatenate3A, %eq3A_627 : vector<128x4096xf32>
    %convert_element_type3A_629 = arith.extui %eq3A_628 : vector<128x4096xi1> to vector<128x4096xi32>
    %convert_element_type3A_630 = arith.sitofp %convert_element_type3A_629 : vector<128x4096xi32> to vector<128x4096xf32>
    %mul3A_631 = arith.mulf %convert_element_type3A_29, %convert_element_type3A_630 : vector<128x4096xf32>
    %mul3A_632 = arith.mulf %convert_element_type3A_227, %mul3A_631 : vector<128x4096xf32>
    %reduce_sum3A_633 = arith.constant dense<0.000000e+00> : vector<128xf32>
    %reduce_sum3A_634 = vector.multi_reduction <add>, %mul3A_632, %reduce_sum3A_633 [1] : vector<128x4096xf32> to vector<128xf32>
    %broadcast_in_dim3A_635 = vector.shape_cast %reduce_sum3A_634 : vector<128xf32> to vector<128x1xf32>
    %ge3A_636 = arith.constant 3.000000e+01 : f32
    %ge3A_637 = vector.broadcast %ge3A_636 : f32 to vector<128x1xf32>
    %ge3A_638 = arith.cmpf oge, %slice3A_225, %ge3A_637 : vector<128x1xf32>
    %select_n3A_639 = arith.select %ge3A_638, %broadcast_in_dim3A_635, %broadcast_in_dim3A_235 : vector<128x1xi1>, vector<128x1xf32>
    %eq3A_640 = arith.constant 3.100000e+01 : f32
    %eq3A_641 = vector.broadcast %eq3A_640 : f32 to vector<128x4096xf32>
    %eq3A_642 = arith.cmpf oeq, %concatenate3A, %eq3A_641 : vector<128x4096xf32>
    %convert_element_type3A_643 = arith.extui %eq3A_642 : vector<128x4096xi1> to vector<128x4096xi32>
    %convert_element_type3A_644 = arith.sitofp %convert_element_type3A_643 : vector<128x4096xi32> to vector<128x4096xf32>
    %mul3A_645 = arith.mulf %convert_element_type3A_29, %convert_element_type3A_644 : vector<128x4096xf32>
    %mul3A_646 = arith.mulf %convert_element_type3A_227, %mul3A_645 : vector<128x4096xf32>
    %reduce_sum3A_647 = arith.constant dense<0.000000e+00> : vector<128xf32>
    %reduce_sum3A_648 = vector.multi_reduction <add>, %mul3A_646, %reduce_sum3A_647 [1] : vector<128x4096xf32> to vector<128xf32>
    %broadcast_in_dim3A_649 = vector.shape_cast %reduce_sum3A_648 : vector<128xf32> to vector<128x1xf32>
    %ge3A_650 = arith.constant 3.100000e+01 : f32
    %ge3A_651 = vector.broadcast %ge3A_650 : f32 to vector<128x1xf32>
    %ge3A_652 = arith.cmpf oge, %slice3A_225, %ge3A_651 : vector<128x1xf32>
    %select_n3A_653 = arith.select %ge3A_652, %broadcast_in_dim3A_649, %broadcast_in_dim3A_235 : vector<128x1xi1>, vector<128x1xf32>
    %eq3A_654 = arith.constant 3.200000e+01 : f32
    %eq3A_655 = vector.broadcast %eq3A_654 : f32 to vector<128x4096xf32>
    %eq3A_656 = arith.cmpf oeq, %concatenate3A, %eq3A_655 : vector<128x4096xf32>
    %convert_element_type3A_657 = arith.extui %eq3A_656 : vector<128x4096xi1> to vector<128x4096xi32>
    %convert_element_type3A_658 = arith.sitofp %convert_element_type3A_657 : vector<128x4096xi32> to vector<128x4096xf32>
    %mul3A_659 = arith.mulf %convert_element_type3A_29, %convert_element_type3A_658 : vector<128x4096xf32>
    %mul3A_660 = arith.mulf %convert_element_type3A_227, %mul3A_659 : vector<128x4096xf32>
    %reduce_sum3A_661 = arith.constant dense<0.000000e+00> : vector<128xf32>
    %reduce_sum3A_662 = vector.multi_reduction <add>, %mul3A_660, %reduce_sum3A_661 [1] : vector<128x4096xf32> to vector<128xf32>
    %broadcast_in_dim3A_663 = vector.shape_cast %reduce_sum3A_662 : vector<128xf32> to vector<128x1xf32>
    %ge3A_664 = arith.constant 3.200000e+01 : f32
    %ge3A_665 = vector.broadcast %ge3A_664 : f32 to vector<128x1xf32>
    %ge3A_666 = arith.cmpf oge, %slice3A_225, %ge3A_665 : vector<128x1xf32>
    %select_n3A_667 = arith.select %ge3A_666, %broadcast_in_dim3A_663, %broadcast_in_dim3A_235 : vector<128x1xi1>, vector<128x1xf32>
    %concatenate3A_668 = tpu.concatenate %broadcast_in_dim3A_235, %select_n3A, %select_n3A_261, %select_n3A_275, %select_n3A_289, %select_n3A_303, %select_n3A_317, %select_n3A_331, %select_n3A_345, %select_n3A_359, %select_n3A_373, %select_n3A_387, %select_n3A_401, %select_n3A_415, %select_n3A_429, %select_n3A_443, %select_n3A_457, %select_n3A_471, %select_n3A_485, %select_n3A_499, %select_n3A_513, %select_n3A_527, %select_n3A_541, %select_n3A_555, %select_n3A_569, %select_n3A_583, %select_n3A_597, %select_n3A_611, %select_n3A_625, %select_n3A_639, %select_n3A_653, %select_n3A_667 in 1 : vector<128x1xf32>, vector<128x1xf32>, vector<128x1xf32>, vector<128x1xf32>, vector<128x1xf32>, vector<128x1xf32>, vector<128x1xf32>, vector<128x1xf32>, vector<128x1xf32>, vector<128x1xf32>, vector<128x1xf32>, vector<128x1xf32>, vector<128x1xf32>, vector<128x1xf32>, vector<128x1xf32>, vector<128x1xf32>, vector<128x1xf32>, vector<128x1xf32>, vector<128x1xf32>, vector<128x1xf32>, vector<128x1xf32>, vector<128x1xf32>, vector<128x1xf32>, vector<128x1xf32>, vector<128x1xf32>, vector<128x1xf32>, vector<128x1xf32>, vector<128x1xf32>, vector<128x1xf32>, vector<128x1xf32>, vector<128x1xf32>, vector<128x1xf32> -> vector<128x32xf32>
    %ge3A_669 = arith.constant 1.000000e+00 : f32
    %ge3A_670 = vector.broadcast %ge3A_669 : f32 to vector<128x1xf32>
    %ge3A_671 = arith.cmpf oge, %slice3A_225, %ge3A_670 : vector<128x1xf32>
    %jit3A = arith.constant 4.095000e+03 : f32
    %broadcast_in_dim3A_672 = vector.shape_cast %ge3A_671 : vector<128x1xi1> to vector<128x1xi1>
    %broadcast_in_dim3A_673 = vector.broadcast %broadcast_in_dim3A_672 : vector<128x1xi1> to vector<128x32xi1>
    %broadcast_in_dim3A_674 = vector.broadcast %jit3A : f32 to vector<128x32xf32>
    %select_n3A_675 = arith.select %broadcast_in_dim3A_673, %concatenate3A_668, %broadcast_in_dim3A_674 : vector<128x32xi1>, vector<128x32xf32>
    %convert_element_type3A_676 = arith.fptosi %select_n3A_675 : vector<128x32xf32> to vector<128x32xi32>
    %transpose3A = tpu.transpose %convert_element_type3A_676, [1, 0] : vector<128x32xi32> -> vector<32x128xi32>
    %mul3A_677 = arith.constant 4096 : i32
    %mul3A_678 = arith.muli %arg0, %mul3A_677 : i32
    %add3A_679 = vector.broadcast %mul3A_678 : i32 to vector<32x128xi32>
    %add3A_680 = arith.addi %transpose3A, %add3A_679 : vector<32x128xi32>
    %swap3A = arith.constant 0 : index
    %swap3A_681 = arith.constant 0 : index
    %swap3A_682 = arith.constant 0 : index
    %swap3A_683 = vector.load %arg6[%swap3A, %swap3A_681, %swap3A_682] : memref<1x32x128xi32, #tpu.memory_space<vmem>>, vector<1x32x128xi32>
    %swap3A_684 = vector.shape_cast %swap3A_683 : vector<1x32x128xi32> to vector<32x128xi32>
    %swap3A_685 = vector.shape_cast %add3A_680 : vector<32x128xi32> to vector<1x32x128xi32>
    tpu.vector_store %arg6[%swap3A, %swap3A_681, %swap3A_682], %swap3A_685 {strides = array<i32>} : memref<1x32x128xi32, #tpu.memory_space<vmem>>, vector<1x32x128xi32>,
    return
  }
  func.func @transform_0(%arg0: i32, %arg1: i32) -> (i32, i32, i32) {
    %c0_i32 = arith.constant 0 : i32
    %c0_i32_0 = arith.constant 0 : i32
    %c0_i32_1 = arith.constant 0 : i32
    return %arg0, %c0_i32, %c0_i32_0 : i32, i32, i32
  }
  func.func @transform_1(%arg0: i32, %arg1: i32) -> (i32, i32, i32) {
    %c0_i32 = arith.constant 0 : i32
    %c0_i32_0 = arith.constant 0 : i32
    return %arg0, %arg1, %c0_i32 : i32, i32, i32
  }
  func.func @transform_2(%arg0: i32, %arg1: i32) -> (i32, i32, i32) {
    %c0_i32 = arith.constant 0 : i32
    %c0_i32_0 = arith.constant 0 : i32
    return %arg0, %arg1, %c0_i32 : i32, i32, i32
  }
  func.func @transform_3(%arg0: i32, %arg1: i32) -> (i32, i32, i32) {
    %c0_i32 = arith.constant 0 : i32
    %c0_i32_0 = arith.constant 0 : i32
    %c0_i32_1 = arith.constant 0 : i32
    return %arg0, %c0_i32, %c0_i32_0 : i32, i32, i32
  }
  func.func @transform_4(%arg0: i32, %arg1: i32) -> (i32, i32, i32) {
    %c0_i32 = arith.constant 0 : i32
    %c0_i32_0 = arith.constant 0 : i32
    return %arg0, %c0_i32, %arg1 : i32, i32, i32
  }
}

module attributes {stable_mosaic.version = 14 : i64} {
  func.func @_x0_body(%arg0: i32, %arg1: memref<4096x128xf32, #tpu.memory_space<vmem>>, %arg2: memref<4096x3xf32, #tpu.memory_space<vmem>>, %arg3: memref<4096x8xf32, #tpu.memory_space<vmem>>, %arg4: memref<16x8xf32, #tpu.memory_space<vmem>>) attributes {dimension_semantics = [#tpu.dimension_semantics<arbitrary>], iteration_bounds = array<i64: 64>, scalar_prefetch = 0 : i64, scratch_operands = 0 : i64, tpu.core_type = #tpu.core_type<tc>, window_params = [{transform_indices = @transform_0, window_bounds = array<i64: 4096, 128>}, {transform_indices = @transform_1, window_bounds = array<i64: 4096, 3>}, {transform_indices = @transform_2, window_bounds = array<i64: 4096, 8>}, {pipeline_mode = #tpu.pipeline_mode<synchronous>, transform_indices = @transform_3, window_bounds = array<i64: 16, 8>}]} {
    %eq3A = arith.constant 0 : i32
    %eq3A_0 = arith.cmpi eq, %arg0, %eq3A : i32
    %convert_element_type3A = arith.extui %eq3A_0 : i1 to i32
    %cond3A = arith.constant 0 : i32
    %cond3A_1 = arith.cmpi ne, %convert_element_type3A, %cond3A : i32
    scf.if %cond3A_1 {
      %broadcast_in_dim3A_27 = arith.constant 0.000000e+00 : f32
      %broadcast_in_dim3A_28 = vector.broadcast %broadcast_in_dim3A_27 : f32 to vector<16x8xf32>
      %swap3A_29 = arith.constant 0 : index
      %swap3A_30 = arith.constant 0 : index
      %swap3A_31 = vector.load %arg4[%swap3A_29, %swap3A_30] : memref<16x8xf32, #tpu.memory_space<vmem>>, vector<16x8xf32>
      tpu.vector_store %arg4[%swap3A_29, %swap3A_30], %broadcast_in_dim3A_28 {strides = array<i32>} : memref<16x8xf32, #tpu.memory_space<vmem>>, vector<16x8xf32>,
    } else {
    }
    %get3A = arith.constant 0 : index
    %get3A_2 = arith.constant 0 : index
    %get3A_3 = vector.load %arg1[%get3A, %get3A_2] : memref<4096x128xf32, #tpu.memory_space<vmem>>, vector<4096x128xf32>
    %get3A_4 = arith.constant 0 : index
    %get3A_5 = arith.constant 0 : index
    %get3A_6 = vector.load %arg2[%get3A_4, %get3A_5] : memref<4096x3xf32, #tpu.memory_space<vmem>>, vector<4096x3xf32>
    %slice3A = vector.extract_strided_slice %get3A_3 {offsets = [0, 0], sizes = [4096, 3], strides = [1, 1]} : vector<4096x128xf32> to vector<4096x3xf32>
    %sub3A = arith.subf %slice3A, %get3A_6 : vector<4096x3xf32>
    %slice3A_7 = vector.extract_strided_slice %get3A_3 {offsets = [0, 3], sizes = [4096, 3], strides = [1, 1]} : vector<4096x128xf32> to vector<4096x3xf32>
    %broadcast_in_dim3A = arith.constant 0.000000e+00 : f32
    %broadcast_in_dim3A_8 = vector.broadcast %broadcast_in_dim3A : f32 to vector<4096x2xf32>
    %concatenate3A = tpu.concatenate %sub3A, %slice3A_7, %broadcast_in_dim3A_8 in 1 : vector<4096x3xf32>, vector<4096x3xf32>, vector<4096x2xf32> -> vector<4096x8xf32>
    %swap3A = arith.constant 0 : index
    %swap3A_9 = arith.constant 0 : index
    %swap3A_10 = vector.load %arg3[%swap3A, %swap3A_9] : memref<4096x8xf32, #tpu.memory_space<vmem>>, vector<4096x8xf32>
    tpu.vector_store %arg3[%swap3A, %swap3A_9], %concatenate3A {strides = array<i32>} : memref<4096x8xf32, #tpu.memory_space<vmem>>, vector<4096x8xf32>,
    %dot_general3A = arith.constant dense<0.000000e+00> : vector<8x8xf32>
    %dot_general3A_11 = tpu.matmul %concatenate3A, %concatenate3A, %dot_general3A {dimension_numbers = #tpu.dot_dimension_numbers<[0], [0], [1], [1], [0, 1, 1, 1], [], []>, transpose_lhs_hint = false} : vector<4096x8xf32>, vector<4096x8xf32>, vector<8x8xf32> -> vector<8x8xf32>
    %reduce_sum3A = arith.constant dense<0.000000e+00> : vector<8xf32>
    %reduce_sum3A_12 = vector.multi_reduction <add>, %concatenate3A, %reduce_sum3A [0] : vector<4096x8xf32> to vector<8xf32>
    %broadcast_in_dim3A_13 = vector.shape_cast %reduce_sum3A_12 : vector<8xf32> to vector<1x8xf32>
    %get3A_14 = arith.constant 0 : index
    %get3A_15 = arith.constant 0 : index
    %get3A_16 = vector.load %arg4[%get3A_14, %get3A_15] : memref<16x8xf32, #tpu.memory_space<vmem>>, vector<8x8xf32>
    %add3A = arith.addf %get3A_16, %dot_general3A_11 : vector<8x8xf32>
    %swap3A_17 = arith.constant 0 : index
    %swap3A_18 = arith.constant 0 : index
    %swap3A_19 = vector.load %arg4[%swap3A_17, %swap3A_18] : memref<16x8xf32, #tpu.memory_space<vmem>>, vector<8x8xf32>
    tpu.vector_store %arg4[%swap3A_17, %swap3A_18], %add3A {strides = array<i32>} : memref<16x8xf32, #tpu.memory_space<vmem>>, vector<8x8xf32>,
    %get3A_20 = arith.constant 8 : index
    %get3A_21 = arith.constant 0 : index
    %get3A_22 = vector.load %arg4[%get3A_20, %get3A_21] : memref<16x8xf32, #tpu.memory_space<vmem>>, vector<1x8xf32>
    %add3A_23 = arith.addf %get3A_22, %broadcast_in_dim3A_13 : vector<1x8xf32>
    %swap3A_24 = arith.constant 8 : index
    %swap3A_25 = arith.constant 0 : index
    %swap3A_26 = vector.load %arg4[%swap3A_24, %swap3A_25] : memref<16x8xf32, #tpu.memory_space<vmem>>, vector<1x8xf32>
    tpu.vector_store %arg4[%swap3A_24, %swap3A_25], %add3A_23 {strides = array<i32>} : memref<16x8xf32, #tpu.memory_space<vmem>>, vector<1x8xf32>,
    return
  }
  func.func @transform_0(%arg0: i32) -> (i32, i32) {
    %c0_i32 = arith.constant 0 : i32
    %c0_i32_0 = arith.constant 0 : i32
    return %arg0, %c0_i32 : i32, i32
  }
  func.func @transform_1(%arg0: i32) -> (i32, i32) {
    %c0_i32 = arith.constant 0 : i32
    %c0_i32_0 = arith.constant 0 : i32
    return %arg0, %c0_i32 : i32, i32
  }
  func.func @transform_2(%arg0: i32) -> (i32, i32) {
    %c0_i32 = arith.constant 0 : i32
    %c0_i32_0 = arith.constant 0 : i32
    return %arg0, %c0_i32 : i32, i32
  }
  func.func @transform_3(%arg0: i32) -> (i32, i32) {
    %c0_i32 = arith.constant 0 : i32
    %c0_i32_0 = arith.constant 0 : i32
    %c0_i32_1 = arith.constant 0 : i32
    return %c0_i32, %c0_i32_0 : i32, i32
  }
}

module attributes {stable_mosaic.version = 14 : i64} {
  func.func @_layer_body(%arg0: i32, %arg1: memref<8192x8xf32, #tpu.memory_space<vmem>>, %arg2: memref<8x32xf32, #tpu.memory_space<vmem>>, %arg3: memref<1x32xf32, #tpu.memory_space<vmem>>, %arg4: memref<8192x32xf32, #tpu.memory_space<vmem>>, %arg5: memref<40x32xf32, #tpu.memory_space<vmem>>) attributes {dimension_semantics = [#tpu.dimension_semantics<arbitrary>], iteration_bounds = array<i64: 32>, scalar_prefetch = 0 : i64, scratch_operands = 0 : i64, tpu.core_type = #tpu.core_type<tc>, window_params = [{transform_indices = @transform_0, window_bounds = array<i64: 8192, 8>}, {pipeline_mode = #tpu.pipeline_mode<synchronous>, transform_indices = @transform_1, window_bounds = array<i64: 8, 32>}, {pipeline_mode = #tpu.pipeline_mode<synchronous>, transform_indices = @transform_2, window_bounds = array<i64: 1, 32>}, {transform_indices = @transform_3, window_bounds = array<i64: 8192, 32>}, {pipeline_mode = #tpu.pipeline_mode<synchronous>, transform_indices = @transform_4, window_bounds = array<i64: 40, 32>}]} {
    %eq3A = arith.constant 0 : i32
    %eq3A_0 = arith.cmpi eq, %arg0, %eq3A : i32
    %convert_element_type3A = arith.extui %eq3A_0 : i1 to i32
    %cond3A = arith.constant 0 : i32
    %cond3A_1 = arith.cmpi ne, %convert_element_type3A, %cond3A : i32
    scf.if %cond3A_1 {
      %broadcast_in_dim3A_33 = arith.constant 0.000000e+00 : f32
      %broadcast_in_dim3A_34 = vector.broadcast %broadcast_in_dim3A_33 : f32 to vector<40x32xf32>
      %swap3A_35 = arith.constant 0 : index
      %swap3A_36 = arith.constant 0 : index
      %swap3A_37 = vector.load %arg5[%swap3A_35, %swap3A_36] : memref<40x32xf32, #tpu.memory_space<vmem>>, vector<40x32xf32>
      tpu.vector_store %arg5[%swap3A_35, %swap3A_36], %broadcast_in_dim3A_34 {strides = array<i32>} : memref<40x32xf32, #tpu.memory_space<vmem>>, vector<40x32xf32>,
    } else {
    }
    %get3A = arith.constant 0 : index
    %get3A_2 = arith.constant 0 : index
    %get3A_3 = vector.load %arg1[%get3A, %get3A_2] : memref<8192x8xf32, #tpu.memory_space<vmem>>, vector<8192x8xf32>
    %get3A_4 = arith.constant 0 : index
    %get3A_5 = arith.constant 0 : index
    %get3A_6 = vector.load %arg2[%get3A_4, %get3A_5] : memref<8x32xf32, #tpu.memory_space<vmem>>, vector<8x32xf32>
    %dot_general3A = arith.constant dense<0.000000e+00> : vector<8192x32xf32>
    %dot_general3A_7 = tpu.matmul %get3A_3, %get3A_6, %dot_general3A {dimension_numbers = #tpu.dot_dimension_numbers<[1], [0], [0], [1], [0, 0, 1, 1], [], []>, transpose_lhs_hint = false} : vector<8192x8xf32>, vector<8x32xf32>, vector<8192x32xf32> -> vector<8192x32xf32>
    %get3A_8 = arith.constant 0 : index
    %get3A_9 = arith.constant 0 : index
    %get3A_10 = vector.load %arg3[%get3A_8, %get3A_9] : memref<1x32xf32, #tpu.memory_space<vmem>>, vector<1x32xf32>
    %add3A = vector.broadcast %get3A_10 : vector<1x32xf32> to vector<8192x32xf32>
    %add3A_11 = arith.addf %dot_general3A_7, %add3A : vector<8192x32xf32>
    %max3A = arith.constant 0.000000e+00 : f32
    %max3A_12 = vector.broadcast %max3A : f32 to vector<8192x32xf32>
    %max3A_13 = arith.maximumf %add3A_11, %max3A_12 : vector<8192x32xf32>
    %swap3A = arith.constant 0 : index
    %swap3A_14 = arith.constant 0 : index
    %swap3A_15 = vector.load %arg4[%swap3A, %swap3A_14] : memref<8192x32xf32, #tpu.memory_space<vmem>>, vector<8192x32xf32>
    tpu.vector_store %arg4[%swap3A, %swap3A_14], %max3A_13 {strides = array<i32>} : memref<8192x32xf32, #tpu.memory_space<vmem>>, vector<8192x32xf32>,
    %dot_general3A_16 = arith.constant dense<0.000000e+00> : vector<32x32xf32>
    %dot_general3A_17 = tpu.matmul %max3A_13, %max3A_13, %dot_general3A_16 {dimension_numbers = #tpu.dot_dimension_numbers<[0], [0], [1], [1], [0, 1, 1, 1], [], []>, transpose_lhs_hint = false} : vector<8192x32xf32>, vector<8192x32xf32>, vector<32x32xf32> -> vector<32x32xf32>
    %reduce_sum3A = arith.constant dense<0.000000e+00> : vector<32xf32>
    %reduce_sum3A_18 = vector.multi_reduction <add>, %max3A_13, %reduce_sum3A [0] : vector<8192x32xf32> to vector<32xf32>
    %broadcast_in_dim3A = vector.shape_cast %reduce_sum3A_18 : vector<32xf32> to vector<1x32xf32>
    %get3A_19 = arith.constant 0 : index
    %get3A_20 = arith.constant 0 : index
    %get3A_21 = vector.load %arg5[%get3A_19, %get3A_20] : memref<40x32xf32, #tpu.memory_space<vmem>>, vector<32x32xf32>
    %add3A_22 = arith.addf %get3A_21, %dot_general3A_17 : vector<32x32xf32>
    %swap3A_23 = arith.constant 0 : index
    %swap3A_24 = arith.constant 0 : index
    %swap3A_25 = vector.load %arg5[%swap3A_23, %swap3A_24] : memref<40x32xf32, #tpu.memory_space<vmem>>, vector<32x32xf32>
    tpu.vector_store %arg5[%swap3A_23, %swap3A_24], %add3A_22 {strides = array<i32>} : memref<40x32xf32, #tpu.memory_space<vmem>>, vector<32x32xf32>,
    %get3A_26 = arith.constant 32 : index
    %get3A_27 = arith.constant 0 : index
    %get3A_28 = vector.load %arg5[%get3A_26, %get3A_27] : memref<40x32xf32, #tpu.memory_space<vmem>>, vector<1x32xf32>
    %add3A_29 = arith.addf %get3A_28, %broadcast_in_dim3A : vector<1x32xf32>
    %swap3A_30 = arith.constant 32 : index
    %swap3A_31 = arith.constant 0 : index
    %swap3A_32 = vector.load %arg5[%swap3A_30, %swap3A_31] : memref<40x32xf32, #tpu.memory_space<vmem>>, vector<1x32xf32>
    tpu.vector_store %arg5[%swap3A_30, %swap3A_31], %add3A_29 {strides = array<i32>} : memref<40x32xf32, #tpu.memory_space<vmem>>, vector<1x32xf32>,
    return
  }
  func.func @transform_0(%arg0: i32) -> (i32, i32) {
    %c0_i32 = arith.constant 0 : i32
    %c0_i32_0 = arith.constant 0 : i32
    return %arg0, %c0_i32 : i32, i32
  }
  func.func @transform_1(%arg0: i32) -> (i32, i32) {
    %c0_i32 = arith.constant 0 : i32
    %c0_i32_0 = arith.constant 0 : i32
    %c0_i32_1 = arith.constant 0 : i32
    return %c0_i32, %c0_i32_0 : i32, i32
  }
  func.func @transform_2(%arg0: i32) -> (i32, i32) {
    %c0_i32 = arith.constant 0 : i32
    %c0_i32_0 = arith.constant 0 : i32
    %c0_i32_1 = arith.constant 0 : i32
    return %c0_i32, %c0_i32_0 : i32, i32
  }
  func.func @transform_3(%arg0: i32) -> (i32, i32) {
    %c0_i32 = arith.constant 0 : i32
    %c0_i32_0 = arith.constant 0 : i32
    return %arg0, %c0_i32 : i32, i32
  }
  func.func @transform_4(%arg0: i32) -> (i32, i32) {
    %c0_i32 = arith.constant 0 : i32
    %c0_i32_0 = arith.constant 0 : i32
    %c0_i32_1 = arith.constant 0 : i32
    return %c0_i32, %c0_i32_0 : i32, i32
  }
}

module attributes {stable_mosaic.version = 14 : i64} {
  func.func @_layer_body(%arg0: i32, %arg1: memref<8192x32xf32, #tpu.memory_space<vmem>>, %arg2: memref<32x32xf32, #tpu.memory_space<vmem>>, %arg3: memref<1x32xf32, #tpu.memory_space<vmem>>, %arg4: memref<8192x32xf32, #tpu.memory_space<vmem>>, %arg5: memref<40x32xf32, #tpu.memory_space<vmem>>) attributes {dimension_semantics = [#tpu.dimension_semantics<arbitrary>], iteration_bounds = array<i64: 32>, scalar_prefetch = 0 : i64, scratch_operands = 0 : i64, tpu.core_type = #tpu.core_type<tc>, window_params = [{transform_indices = @transform_0, window_bounds = array<i64: 8192, 32>}, {pipeline_mode = #tpu.pipeline_mode<synchronous>, transform_indices = @transform_1, window_bounds = array<i64: 32, 32>}, {pipeline_mode = #tpu.pipeline_mode<synchronous>, transform_indices = @transform_2, window_bounds = array<i64: 1, 32>}, {transform_indices = @transform_3, window_bounds = array<i64: 8192, 32>}, {pipeline_mode = #tpu.pipeline_mode<synchronous>, transform_indices = @transform_4, window_bounds = array<i64: 40, 32>}]} {
    %eq3A = arith.constant 0 : i32
    %eq3A_0 = arith.cmpi eq, %arg0, %eq3A : i32
    %convert_element_type3A = arith.extui %eq3A_0 : i1 to i32
    %cond3A = arith.constant 0 : i32
    %cond3A_1 = arith.cmpi ne, %convert_element_type3A, %cond3A : i32
    scf.if %cond3A_1 {
      %broadcast_in_dim3A_33 = arith.constant 0.000000e+00 : f32
      %broadcast_in_dim3A_34 = vector.broadcast %broadcast_in_dim3A_33 : f32 to vector<40x32xf32>
      %swap3A_35 = arith.constant 0 : index
      %swap3A_36 = arith.constant 0 : index
      %swap3A_37 = vector.load %arg5[%swap3A_35, %swap3A_36] : memref<40x32xf32, #tpu.memory_space<vmem>>, vector<40x32xf32>
      tpu.vector_store %arg5[%swap3A_35, %swap3A_36], %broadcast_in_dim3A_34 {strides = array<i32>} : memref<40x32xf32, #tpu.memory_space<vmem>>, vector<40x32xf32>,
    } else {
    }
    %get3A = arith.constant 0 : index
    %get3A_2 = arith.constant 0 : index
    %get3A_3 = vector.load %arg1[%get3A, %get3A_2] : memref<8192x32xf32, #tpu.memory_space<vmem>>, vector<8192x32xf32>
    %get3A_4 = arith.constant 0 : index
    %get3A_5 = arith.constant 0 : index
    %get3A_6 = vector.load %arg2[%get3A_4, %get3A_5] : memref<32x32xf32, #tpu.memory_space<vmem>>, vector<32x32xf32>
    %dot_general3A = arith.constant dense<0.000000e+00> : vector<8192x32xf32>
    %dot_general3A_7 = tpu.matmul %get3A_3, %get3A_6, %dot_general3A {dimension_numbers = #tpu.dot_dimension_numbers<[1], [0], [0], [1], [0, 0, 1, 1], [], []>, transpose_lhs_hint = false} : vector<8192x32xf32>, vector<32x32xf32>, vector<8192x32xf32> -> vector<8192x32xf32>
    %get3A_8 = arith.constant 0 : index
    %get3A_9 = arith.constant 0 : index
    %get3A_10 = vector.load %arg3[%get3A_8, %get3A_9] : memref<1x32xf32, #tpu.memory_space<vmem>>, vector<1x32xf32>
    %add3A = vector.broadcast %get3A_10 : vector<1x32xf32> to vector<8192x32xf32>
    %add3A_11 = arith.addf %dot_general3A_7, %add3A : vector<8192x32xf32>
    %max3A = arith.constant 0.000000e+00 : f32
    %max3A_12 = vector.broadcast %max3A : f32 to vector<8192x32xf32>
    %max3A_13 = arith.maximumf %add3A_11, %max3A_12 : vector<8192x32xf32>
    %swap3A = arith.constant 0 : index
    %swap3A_14 = arith.constant 0 : index
    %swap3A_15 = vector.load %arg4[%swap3A, %swap3A_14] : memref<8192x32xf32, #tpu.memory_space<vmem>>, vector<8192x32xf32>
    tpu.vector_store %arg4[%swap3A, %swap3A_14], %max3A_13 {strides = array<i32>} : memref<8192x32xf32, #tpu.memory_space<vmem>>, vector<8192x32xf32>,
    %dot_general3A_16 = arith.constant dense<0.000000e+00> : vector<32x32xf32>
    %dot_general3A_17 = tpu.matmul %max3A_13, %max3A_13, %dot_general3A_16 {dimension_numbers = #tpu.dot_dimension_numbers<[0], [0], [1], [1], [0, 1, 1, 1], [], []>, transpose_lhs_hint = false} : vector<8192x32xf32>, vector<8192x32xf32>, vector<32x32xf32> -> vector<32x32xf32>
    %reduce_sum3A = arith.constant dense<0.000000e+00> : vector<32xf32>
    %reduce_sum3A_18 = vector.multi_reduction <add>, %max3A_13, %reduce_sum3A [0] : vector<8192x32xf32> to vector<32xf32>
    %broadcast_in_dim3A = vector.shape_cast %reduce_sum3A_18 : vector<32xf32> to vector<1x32xf32>
    %get3A_19 = arith.constant 0 : index
    %get3A_20 = arith.constant 0 : index
    %get3A_21 = vector.load %arg5[%get3A_19, %get3A_20] : memref<40x32xf32, #tpu.memory_space<vmem>>, vector<32x32xf32>
    %add3A_22 = arith.addf %get3A_21, %dot_general3A_17 : vector<32x32xf32>
    %swap3A_23 = arith.constant 0 : index
    %swap3A_24 = arith.constant 0 : index
    %swap3A_25 = vector.load %arg5[%swap3A_23, %swap3A_24] : memref<40x32xf32, #tpu.memory_space<vmem>>, vector<32x32xf32>
    tpu.vector_store %arg5[%swap3A_23, %swap3A_24], %add3A_22 {strides = array<i32>} : memref<40x32xf32, #tpu.memory_space<vmem>>, vector<32x32xf32>,
    %get3A_26 = arith.constant 32 : index
    %get3A_27 = arith.constant 0 : index
    %get3A_28 = vector.load %arg5[%get3A_26, %get3A_27] : memref<40x32xf32, #tpu.memory_space<vmem>>, vector<1x32xf32>
    %add3A_29 = arith.addf %get3A_28, %broadcast_in_dim3A : vector<1x32xf32>
    %swap3A_30 = arith.constant 32 : index
    %swap3A_31 = arith.constant 0 : index
    %swap3A_32 = vector.load %arg5[%swap3A_30, %swap3A_31] : memref<40x32xf32, #tpu.memory_space<vmem>>, vector<1x32xf32>
    tpu.vector_store %arg5[%swap3A_30, %swap3A_31], %add3A_29 {strides = array<i32>} : memref<40x32xf32, #tpu.memory_space<vmem>>, vector<1x32xf32>,
    return
  }
  func.func @transform_0(%arg0: i32) -> (i32, i32) {
    %c0_i32 = arith.constant 0 : i32
    %c0_i32_0 = arith.constant 0 : i32
    return %arg0, %c0_i32 : i32, i32
  }
  func.func @transform_1(%arg0: i32) -> (i32, i32) {
    %c0_i32 = arith.constant 0 : i32
    %c0_i32_0 = arith.constant 0 : i32
    %c0_i32_1 = arith.constant 0 : i32
    return %c0_i32, %c0_i32_0 : i32, i32
  }
  func.func @transform_2(%arg0: i32) -> (i32, i32) {
    %c0_i32 = arith.constant 0 : i32
    %c0_i32_0 = arith.constant 0 : i32
    %c0_i32_1 = arith.constant 0 : i32
    return %c0_i32, %c0_i32_0 : i32, i32
  }
  func.func @transform_3(%arg0: i32) -> (i32, i32) {
    %c0_i32 = arith.constant 0 : i32
    %c0_i32_0 = arith.constant 0 : i32
    return %arg0, %c0_i32 : i32, i32
  }
  func.func @transform_4(%arg0: i32) -> (i32, i32) {
    %c0_i32 = arith.constant 0 : i32
    %c0_i32_0 = arith.constant 0 : i32
    %c0_i32_1 = arith.constant 0 : i32
    return %c0_i32, %c0_i32_0 : i32, i32
  }
}

module attributes {stable_mosaic.version = 14 : i64} {
  func.func @_final_body(%arg0: i32, %arg1: i32, %arg2: memref<1x32x512x32xf32, #tpu.memory_space<vmem>>, %arg3: memref<32x64xf32, #tpu.memory_space<vmem>>, %arg4: memref<1x64xf32, #tpu.memory_space<vmem>>, %arg5: memref<1x512x64xf32, #tpu.memory_space<vmem>>) attributes {dimension_semantics = [#tpu.dimension_semantics<arbitrary>, #tpu.dimension_semantics<arbitrary>], iteration_bounds = array<i64: 8, 2>, scalar_prefetch = 0 : i64, scratch_operands = 0 : i64, tpu.core_type = #tpu.core_type<tc>, window_params = [{transform_indices = @transform_0, window_bounds = array<i64: 1, 32, 512, 32>}, {pipeline_mode = #tpu.pipeline_mode<synchronous>, transform_indices = @transform_1, window_bounds = array<i64: 32, 64>}, {pipeline_mode = #tpu.pipeline_mode<synchronous>, transform_indices = @transform_2, window_bounds = array<i64: 1, 64>}, {transform_indices = @transform_3, window_bounds = array<i64: 1, 512, 64>}]} {
    %broadcast_in_dim3A = arith.constant 0xFF800000 : f32
    %broadcast_in_dim3A_0 = vector.broadcast %broadcast_in_dim3A : f32 to vector<512x64xf32>
    %get3A = arith.constant 0 : index
    %get3A_1 = arith.constant 0 : index
    %get3A_2 = arith.constant 0 : index
    %get3A_3 = arith.constant 0 : index
    %get3A_4 = vector.load %arg2[%get3A, %get3A_1, %get3A_2, %get3A_3] : memref<1x32x512x32xf32, #tpu.memory_space<vmem>>, vector<1x1x512x32xf32>
    %get3A_5 = vector.shape_cast %get3A_4 : vector<1x1x512x32xf32> to vector<512x32xf32>
    %get3A_6 = arith.constant 0 : index
    %get3A_7 = arith.constant 0 : index
    %get3A_8 = vector.load %arg3[%get3A_6, %get3A_7] : memref<32x64xf32, #tpu.memory_space<vmem>>, vector<32x64xf32>
    %dot_general3A = arith.constant dense<0.000000e+00> : vector<512x64xf32>
    %dot_general3A_9 = tpu.matmul %get3A_5, %get3A_8, %dot_general3A {dimension_numbers = #tpu.dot_dimension_numbers<[1], [0], [0], [1], [0, 0, 1, 1], [], []>, transpose_lhs_hint = false} : vector<512x32xf32>, vector<32x64xf32>, vector<512x64xf32> -> vector<512x64xf32>
    %get3A_10 = arith.constant 0 : index
    %get3A_11 = arith.constant 0 : index
    %get3A_12 = vector.load %arg4[%get3A_10, %get3A_11] : memref<1x64xf32, #tpu.memory_space<vmem>>, vector<1x64xf32>
    %add3A = vector.broadcast %get3A_12 : vector<1x64xf32> to vector<512x64xf32>
    %add3A_13 = arith.addf %dot_general3A_9, %add3A : vector<512x64xf32>
    %max3A = arith.constant 0.000000e+00 : f32
    %max3A_14 = vector.broadcast %max3A : f32 to vector<512x64xf32>
    %max3A_15 = arith.maximumf %add3A_13, %max3A_14 : vector<512x64xf32>
    %max3A_16 = arith.maximumf %broadcast_in_dim3A_0, %max3A_15 : vector<512x64xf32>
    %get3A_17 = arith.constant 0 : index
    %get3A_18 = arith.constant 1 : index
    %get3A_19 = arith.constant 0 : index
    %get3A_20 = arith.constant 0 : index
    %get3A_21 = vector.load %arg2[%get3A_17, %get3A_18, %get3A_19, %get3A_20] : memref<1x32x512x32xf32, #tpu.memory_space<vmem>>, vector<1x1x512x32xf32>
    %get3A_22 = vector.shape_cast %get3A_21 : vector<1x1x512x32xf32> to vector<512x32xf32>
    %get3A_23 = arith.constant 0 : index
    %get3A_24 = arith.constant 0 : index
    %get3A_25 = vector.load %arg3[%get3A_23, %get3A_24] : memref<32x64xf32, #tpu.memory_space<vmem>>, vector<32x64xf32>
    %dot_general3A_26 = arith.constant dense<0.000000e+00> : vector<512x64xf32>
    %dot_general3A_27 = tpu.matmul %get3A_22, %get3A_25, %dot_general3A_26 {dimension_numbers = #tpu.dot_dimension_numbers<[1], [0], [0], [1], [0, 0, 1, 1], [], []>, transpose_lhs_hint = false} : vector<512x32xf32>, vector<32x64xf32>, vector<512x64xf32> -> vector<512x64xf32>
    %get3A_28 = arith.constant 0 : index
    %get3A_29 = arith.constant 0 : index
    %get3A_30 = vector.load %arg4[%get3A_28, %get3A_29] : memref<1x64xf32, #tpu.memory_space<vmem>>, vector<1x64xf32>
    %add3A_31 = vector.broadcast %get3A_30 : vector<1x64xf32> to vector<512x64xf32>
    %add3A_32 = arith.addf %dot_general3A_27, %add3A_31 : vector<512x64xf32>
    %max3A_33 = arith.constant 0.000000e+00 : f32
    %max3A_34 = vector.broadcast %max3A_33 : f32 to vector<512x64xf32>
    %max3A_35 = arith.maximumf %add3A_32, %max3A_34 : vector<512x64xf32>
    %max3A_36 = arith.maximumf %max3A_16, %max3A_35 : vector<512x64xf32>
    %get3A_37 = arith.constant 0 : index
    %get3A_38 = arith.constant 2 : index
    %get3A_39 = arith.constant 0 : index
    %get3A_40 = arith.constant 0 : index
    %get3A_41 = vector.load %arg2[%get3A_37, %get3A_38, %get3A_39, %get3A_40] : memref<1x32x512x32xf32, #tpu.memory_space<vmem>>, vector<1x1x512x32xf32>
    %get3A_42 = vector.shape_cast %get3A_41 : vector<1x1x512x32xf32> to vector<512x32xf32>
    %get3A_43 = arith.constant 0 : index
    %get3A_44 = arith.constant 0 : index
    %get3A_45 = vector.load %arg3[%get3A_43, %get3A_44] : memref<32x64xf32, #tpu.memory_space<vmem>>, vector<32x64xf32>
    %dot_general3A_46 = arith.constant dense<0.000000e+00> : vector<512x64xf32>
    %dot_general3A_47 = tpu.matmul %get3A_42, %get3A_45, %dot_general3A_46 {dimension_numbers = #tpu.dot_dimension_numbers<[1], [0], [0], [1], [0, 0, 1, 1], [], []>, transpose_lhs_hint = false} : vector<512x32xf32>, vector<32x64xf32>, vector<512x64xf32> -> vector<512x64xf32>
    %get3A_48 = arith.constant 0 : index
    %get3A_49 = arith.constant 0 : index
    %get3A_50 = vector.load %arg4[%get3A_48, %get3A_49] : memref<1x64xf32, #tpu.memory_space<vmem>>, vector<1x64xf32>
    %add3A_51 = vector.broadcast %get3A_50 : vector<1x64xf32> to vector<512x64xf32>
    %add3A_52 = arith.addf %dot_general3A_47, %add3A_51 : vector<512x64xf32>
    %max3A_53 = arith.constant 0.000000e+00 : f32
    %max3A_54 = vector.broadcast %max3A_53 : f32 to vector<512x64xf32>
    %max3A_55 = arith.maximumf %add3A_52, %max3A_54 : vector<512x64xf32>
    %max3A_56 = arith.maximumf %max3A_36, %max3A_55 : vector<512x64xf32>
    %get3A_57 = arith.constant 0 : index
    %get3A_58 = arith.constant 3 : index
    %get3A_59 = arith.constant 0 : index
    %get3A_60 = arith.constant 0 : index
    %get3A_61 = vector.load %arg2[%get3A_57, %get3A_58, %get3A_59, %get3A_60] : memref<1x32x512x32xf32, #tpu.memory_space<vmem>>, vector<1x1x512x32xf32>
    %get3A_62 = vector.shape_cast %get3A_61 : vector<1x1x512x32xf32> to vector<512x32xf32>
    %get3A_63 = arith.constant 0 : index
    %get3A_64 = arith.constant 0 : index
    %get3A_65 = vector.load %arg3[%get3A_63, %get3A_64] : memref<32x64xf32, #tpu.memory_space<vmem>>, vector<32x64xf32>
    %dot_general3A_66 = arith.constant dense<0.000000e+00> : vector<512x64xf32>
    %dot_general3A_67 = tpu.matmul %get3A_62, %get3A_65, %dot_general3A_66 {dimension_numbers = #tpu.dot_dimension_numbers<[1], [0], [0], [1], [0, 0, 1, 1], [], []>, transpose_lhs_hint = false} : vector<512x32xf32>, vector<32x64xf32>, vector<512x64xf32> -> vector<512x64xf32>
    %get3A_68 = arith.constant 0 : index
    %get3A_69 = arith.constant 0 : index
    %get3A_70 = vector.load %arg4[%get3A_68, %get3A_69] : memref<1x64xf32, #tpu.memory_space<vmem>>, vector<1x64xf32>
    %add3A_71 = vector.broadcast %get3A_70 : vector<1x64xf32> to vector<512x64xf32>
    %add3A_72 = arith.addf %dot_general3A_67, %add3A_71 : vector<512x64xf32>
    %max3A_73 = arith.constant 0.000000e+00 : f32
    %max3A_74 = vector.broadcast %max3A_73 : f32 to vector<512x64xf32>
    %max3A_75 = arith.maximumf %add3A_72, %max3A_74 : vector<512x64xf32>
    %max3A_76 = arith.maximumf %max3A_56, %max3A_75 : vector<512x64xf32>
    %get3A_77 = arith.constant 0 : index
    %get3A_78 = arith.constant 4 : index
    %get3A_79 = arith.constant 0 : index
    %get3A_80 = arith.constant 0 : index
    %get3A_81 = vector.load %arg2[%get3A_77, %get3A_78, %get3A_79, %get3A_80] : memref<1x32x512x32xf32, #tpu.memory_space<vmem>>, vector<1x1x512x32xf32>
    %get3A_82 = vector.shape_cast %get3A_81 : vector<1x1x512x32xf32> to vector<512x32xf32>
    %get3A_83 = arith.constant 0 : index
    %get3A_84 = arith.constant 0 : index
    %get3A_85 = vector.load %arg3[%get3A_83, %get3A_84] : memref<32x64xf32, #tpu.memory_space<vmem>>, vector<32x64xf32>
    %dot_general3A_86 = arith.constant dense<0.000000e+00> : vector<512x64xf32>
    %dot_general3A_87 = tpu.matmul %get3A_82, %get3A_85, %dot_general3A_86 {dimension_numbers = #tpu.dot_dimension_numbers<[1], [0], [0], [1], [0, 0, 1, 1], [], []>, transpose_lhs_hint = false} : vector<512x32xf32>, vector<32x64xf32>, vector<512x64xf32> -> vector<512x64xf32>
    %get3A_88 = arith.constant 0 : index
    %get3A_89 = arith.constant 0 : index
    %get3A_90 = vector.load %arg4[%get3A_88, %get3A_89] : memref<1x64xf32, #tpu.memory_space<vmem>>, vector<1x64xf32>
    %add3A_91 = vector.broadcast %get3A_90 : vector<1x64xf32> to vector<512x64xf32>
    %add3A_92 = arith.addf %dot_general3A_87, %add3A_91 : vector<512x64xf32>
    %max3A_93 = arith.constant 0.000000e+00 : f32
    %max3A_94 = vector.broadcast %max3A_93 : f32 to vector<512x64xf32>
    %max3A_95 = arith.maximumf %add3A_92, %max3A_94 : vector<512x64xf32>
    %max3A_96 = arith.maximumf %max3A_76, %max3A_95 : vector<512x64xf32>
    %get3A_97 = arith.constant 0 : index
    %get3A_98 = arith.constant 5 : index
    %get3A_99 = arith.constant 0 : index
    %get3A_100 = arith.constant 0 : index
    %get3A_101 = vector.load %arg2[%get3A_97, %get3A_98, %get3A_99, %get3A_100] : memref<1x32x512x32xf32, #tpu.memory_space<vmem>>, vector<1x1x512x32xf32>
    %get3A_102 = vector.shape_cast %get3A_101 : vector<1x1x512x32xf32> to vector<512x32xf32>
    %get3A_103 = arith.constant 0 : index
    %get3A_104 = arith.constant 0 : index
    %get3A_105 = vector.load %arg3[%get3A_103, %get3A_104] : memref<32x64xf32, #tpu.memory_space<vmem>>, vector<32x64xf32>
    %dot_general3A_106 = arith.constant dense<0.000000e+00> : vector<512x64xf32>
    %dot_general3A_107 = tpu.matmul %get3A_102, %get3A_105, %dot_general3A_106 {dimension_numbers = #tpu.dot_dimension_numbers<[1], [0], [0], [1], [0, 0, 1, 1], [], []>, transpose_lhs_hint = false} : vector<512x32xf32>, vector<32x64xf32>, vector<512x64xf32> -> vector<512x64xf32>
    %get3A_108 = arith.constant 0 : index
    %get3A_109 = arith.constant 0 : index
    %get3A_110 = vector.load %arg4[%get3A_108, %get3A_109] : memref<1x64xf32, #tpu.memory_space<vmem>>, vector<1x64xf32>
    %add3A_111 = vector.broadcast %get3A_110 : vector<1x64xf32> to vector<512x64xf32>
    %add3A_112 = arith.addf %dot_general3A_107, %add3A_111 : vector<512x64xf32>
    %max3A_113 = arith.constant 0.000000e+00 : f32
    %max3A_114 = vector.broadcast %max3A_113 : f32 to vector<512x64xf32>
    %max3A_115 = arith.maximumf %add3A_112, %max3A_114 : vector<512x64xf32>
    %max3A_116 = arith.maximumf %max3A_96, %max3A_115 : vector<512x64xf32>
    %get3A_117 = arith.constant 0 : index
    %get3A_118 = arith.constant 6 : index
    %get3A_119 = arith.constant 0 : index
    %get3A_120 = arith.constant 0 : index
    %get3A_121 = vector.load %arg2[%get3A_117, %get3A_118, %get3A_119, %get3A_120] : memref<1x32x512x32xf32, #tpu.memory_space<vmem>>, vector<1x1x512x32xf32>
    %get3A_122 = vector.shape_cast %get3A_121 : vector<1x1x512x32xf32> to vector<512x32xf32>
    %get3A_123 = arith.constant 0 : index
    %get3A_124 = arith.constant 0 : index
    %get3A_125 = vector.load %arg3[%get3A_123, %get3A_124] : memref<32x64xf32, #tpu.memory_space<vmem>>, vector<32x64xf32>
    %dot_general3A_126 = arith.constant dense<0.000000e+00> : vector<512x64xf32>
    %dot_general3A_127 = tpu.matmul %get3A_122, %get3A_125, %dot_general3A_126 {dimension_numbers = #tpu.dot_dimension_numbers<[1], [0], [0], [1], [0, 0, 1, 1], [], []>, transpose_lhs_hint = false} : vector<512x32xf32>, vector<32x64xf32>, vector<512x64xf32> -> vector<512x64xf32>
    %get3A_128 = arith.constant 0 : index
    %get3A_129 = arith.constant 0 : index
    %get3A_130 = vector.load %arg4[%get3A_128, %get3A_129] : memref<1x64xf32, #tpu.memory_space<vmem>>, vector<1x64xf32>
    %add3A_131 = vector.broadcast %get3A_130 : vector<1x64xf32> to vector<512x64xf32>
    %add3A_132 = arith.addf %dot_general3A_127, %add3A_131 : vector<512x64xf32>
    %max3A_133 = arith.constant 0.000000e+00 : f32
    %max3A_134 = vector.broadcast %max3A_133 : f32 to vector<512x64xf32>
    %max3A_135 = arith.maximumf %add3A_132, %max3A_134 : vector<512x64xf32>
    %max3A_136 = arith.maximumf %max3A_116, %max3A_135 : vector<512x64xf32>
    %get3A_137 = arith.constant 0 : index
    %get3A_138 = arith.constant 7 : index
    %get3A_139 = arith.constant 0 : index
    %get3A_140 = arith.constant 0 : index
    %get3A_141 = vector.load %arg2[%get3A_137, %get3A_138, %get3A_139, %get3A_140] : memref<1x32x512x32xf32, #tpu.memory_space<vmem>>, vector<1x1x512x32xf32>
    %get3A_142 = vector.shape_cast %get3A_141 : vector<1x1x512x32xf32> to vector<512x32xf32>
    %get3A_143 = arith.constant 0 : index
    %get3A_144 = arith.constant 0 : index
    %get3A_145 = vector.load %arg3[%get3A_143, %get3A_144] : memref<32x64xf32, #tpu.memory_space<vmem>>, vector<32x64xf32>
    %dot_general3A_146 = arith.constant dense<0.000000e+00> : vector<512x64xf32>
    %dot_general3A_147 = tpu.matmul %get3A_142, %get3A_145, %dot_general3A_146 {dimension_numbers = #tpu.dot_dimension_numbers<[1], [0], [0], [1], [0, 0, 1, 1], [], []>, transpose_lhs_hint = false} : vector<512x32xf32>, vector<32x64xf32>, vector<512x64xf32> -> vector<512x64xf32>
    %get3A_148 = arith.constant 0 : index
    %get3A_149 = arith.constant 0 : index
    %get3A_150 = vector.load %arg4[%get3A_148, %get3A_149] : memref<1x64xf32, #tpu.memory_space<vmem>>, vector<1x64xf32>
    %add3A_151 = vector.broadcast %get3A_150 : vector<1x64xf32> to vector<512x64xf32>
    %add3A_152 = arith.addf %dot_general3A_147, %add3A_151 : vector<512x64xf32>
    %max3A_153 = arith.constant 0.000000e+00 : f32
    %max3A_154 = vector.broadcast %max3A_153 : f32 to vector<512x64xf32>
    %max3A_155 = arith.maximumf %add3A_152, %max3A_154 : vector<512x64xf32>
    %max3A_156 = arith.maximumf %max3A_136, %max3A_155 : vector<512x64xf32>
    %get3A_157 = arith.constant 0 : index
    %get3A_158 = arith.constant 8 : index
    %get3A_159 = arith.constant 0 : index
    %get3A_160 = arith.constant 0 : index
    %get3A_161 = vector.load %arg2[%get3A_157, %get3A_158, %get3A_159, %get3A_160] : memref<1x32x512x32xf32, #tpu.memory_space<vmem>>, vector<1x1x512x32xf32>
    %get3A_162 = vector.shape_cast %get3A_161 : vector<1x1x512x32xf32> to vector<512x32xf32>
    %get3A_163 = arith.constant 0 : index
    %get3A_164 = arith.constant 0 : index
    %get3A_165 = vector.load %arg3[%get3A_163, %get3A_164] : memref<32x64xf32, #tpu.memory_space<vmem>>, vector<32x64xf32>
    %dot_general3A_166 = arith.constant dense<0.000000e+00> : vector<512x64xf32>
    %dot_general3A_167 = tpu.matmul %get3A_162, %get3A_165, %dot_general3A_166 {dimension_numbers = #tpu.dot_dimension_numbers<[1], [0], [0], [1], [0, 0, 1, 1], [], []>, transpose_lhs_hint = false} : vector<512x32xf32>, vector<32x64xf32>, vector<512x64xf32> -> vector<512x64xf32>
    %get3A_168 = arith.constant 0 : index
    %get3A_169 = arith.constant 0 : index
    %get3A_170 = vector.load %arg4[%get3A_168, %get3A_169] : memref<1x64xf32, #tpu.memory_space<vmem>>, vector<1x64xf32>
    %add3A_171 = vector.broadcast %get3A_170 : vector<1x64xf32> to vector<512x64xf32>
    %add3A_172 = arith.addf %dot_general3A_167, %add3A_171 : vector<512x64xf32>
    %max3A_173 = arith.constant 0.000000e+00 : f32
    %max3A_174 = vector.broadcast %max3A_173 : f32 to vector<512x64xf32>
    %max3A_175 = arith.maximumf %add3A_172, %max3A_174 : vector<512x64xf32>
    %max3A_176 = arith.maximumf %max3A_156, %max3A_175 : vector<512x64xf32>
    %get3A_177 = arith.constant 0 : index
    %get3A_178 = arith.constant 9 : index
    %get3A_179 = arith.constant 0 : index
    %get3A_180 = arith.constant 0 : index
    %get3A_181 = vector.load %arg2[%get3A_177, %get3A_178, %get3A_179, %get3A_180] : memref<1x32x512x32xf32, #tpu.memory_space<vmem>>, vector<1x1x512x32xf32>
    %get3A_182 = vector.shape_cast %get3A_181 : vector<1x1x512x32xf32> to vector<512x32xf32>
    %get3A_183 = arith.constant 0 : index
    %get3A_184 = arith.constant 0 : index
    %get3A_185 = vector.load %arg3[%get3A_183, %get3A_184] : memref<32x64xf32, #tpu.memory_space<vmem>>, vector<32x64xf32>
    %dot_general3A_186 = arith.constant dense<0.000000e+00> : vector<512x64xf32>
    %dot_general3A_187 = tpu.matmul %get3A_182, %get3A_185, %dot_general3A_186 {dimension_numbers = #tpu.dot_dimension_numbers<[1], [0], [0], [1], [0, 0, 1, 1], [], []>, transpose_lhs_hint = false} : vector<512x32xf32>, vector<32x64xf32>, vector<512x64xf32> -> vector<512x64xf32>
    %get3A_188 = arith.constant 0 : index
    %get3A_189 = arith.constant 0 : index
    %get3A_190 = vector.load %arg4[%get3A_188, %get3A_189] : memref<1x64xf32, #tpu.memory_space<vmem>>, vector<1x64xf32>
    %add3A_191 = vector.broadcast %get3A_190 : vector<1x64xf32> to vector<512x64xf32>
    %add3A_192 = arith.addf %dot_general3A_187, %add3A_191 : vector<512x64xf32>
    %max3A_193 = arith.constant 0.000000e+00 : f32
    %max3A_194 = vector.broadcast %max3A_193 : f32 to vector<512x64xf32>
    %max3A_195 = arith.maximumf %add3A_192, %max3A_194 : vector<512x64xf32>
    %max3A_196 = arith.maximumf %max3A_176, %max3A_195 : vector<512x64xf32>
    %get3A_197 = arith.constant 0 : index
    %get3A_198 = arith.constant 10 : index
    %get3A_199 = arith.constant 0 : index
    %get3A_200 = arith.constant 0 : index
    %get3A_201 = vector.load %arg2[%get3A_197, %get3A_198, %get3A_199, %get3A_200] : memref<1x32x512x32xf32, #tpu.memory_space<vmem>>, vector<1x1x512x32xf32>
    %get3A_202 = vector.shape_cast %get3A_201 : vector<1x1x512x32xf32> to vector<512x32xf32>
    %get3A_203 = arith.constant 0 : index
    %get3A_204 = arith.constant 0 : index
    %get3A_205 = vector.load %arg3[%get3A_203, %get3A_204] : memref<32x64xf32, #tpu.memory_space<vmem>>, vector<32x64xf32>
    %dot_general3A_206 = arith.constant dense<0.000000e+00> : vector<512x64xf32>
    %dot_general3A_207 = tpu.matmul %get3A_202, %get3A_205, %dot_general3A_206 {dimension_numbers = #tpu.dot_dimension_numbers<[1], [0], [0], [1], [0, 0, 1, 1], [], []>, transpose_lhs_hint = false} : vector<512x32xf32>, vector<32x64xf32>, vector<512x64xf32> -> vector<512x64xf32>
    %get3A_208 = arith.constant 0 : index
    %get3A_209 = arith.constant 0 : index
    %get3A_210 = vector.load %arg4[%get3A_208, %get3A_209] : memref<1x64xf32, #tpu.memory_space<vmem>>, vector<1x64xf32>
    %add3A_211 = vector.broadcast %get3A_210 : vector<1x64xf32> to vector<512x64xf32>
    %add3A_212 = arith.addf %dot_general3A_207, %add3A_211 : vector<512x64xf32>
    %max3A_213 = arith.constant 0.000000e+00 : f32
    %max3A_214 = vector.broadcast %max3A_213 : f32 to vector<512x64xf32>
    %max3A_215 = arith.maximumf %add3A_212, %max3A_214 : vector<512x64xf32>
    %max3A_216 = arith.maximumf %max3A_196, %max3A_215 : vector<512x64xf32>
    %get3A_217 = arith.constant 0 : index
    %get3A_218 = arith.constant 11 : index
    %get3A_219 = arith.constant 0 : index
    %get3A_220 = arith.constant 0 : index
    %get3A_221 = vector.load %arg2[%get3A_217, %get3A_218, %get3A_219, %get3A_220] : memref<1x32x512x32xf32, #tpu.memory_space<vmem>>, vector<1x1x512x32xf32>
    %get3A_222 = vector.shape_cast %get3A_221 : vector<1x1x512x32xf32> to vector<512x32xf32>
    %get3A_223 = arith.constant 0 : index
    %get3A_224 = arith.constant 0 : index
    %get3A_225 = vector.load %arg3[%get3A_223, %get3A_224] : memref<32x64xf32, #tpu.memory_space<vmem>>, vector<32x64xf32>
    %dot_general3A_226 = arith.constant dense<0.000000e+00> : vector<512x64xf32>
    %dot_general3A_227 = tpu.matmul %get3A_222, %get3A_225, %dot_general3A_226 {dimension_numbers = #tpu.dot_dimension_numbers<[1], [0], [0], [1], [0, 0, 1, 1], [], []>, transpose_lhs_hint = false} : vector<512x32xf32>, vector<32x64xf32>, vector<512x64xf32> -> vector<512x64xf32>
    %get3A_228 = arith.constant 0 : index
    %get3A_229 = arith.constant 0 : index
    %get3A_230 = vector.load %arg4[%get3A_228, %get3A_229] : memref<1x64xf32, #tpu.memory_space<vmem>>, vector<1x64xf32>
    %add3A_231 = vector.broadcast %get3A_230 : vector<1x64xf32> to vector<512x64xf32>
    %add3A_232 = arith.addf %dot_general3A_227, %add3A_231 : vector<512x64xf32>
    %max3A_233 = arith.constant 0.000000e+00 : f32
    %max3A_234 = vector.broadcast %max3A_233 : f32 to vector<512x64xf32>
    %max3A_235 = arith.maximumf %add3A_232, %max3A_234 : vector<512x64xf32>
    %max3A_236 = arith.maximumf %max3A_216, %max3A_235 : vector<512x64xf32>
    %get3A_237 = arith.constant 0 : index
    %get3A_238 = arith.constant 12 : index
    %get3A_239 = arith.constant 0 : index
    %get3A_240 = arith.constant 0 : index
    %get3A_241 = vector.load %arg2[%get3A_237, %get3A_238, %get3A_239, %get3A_240] : memref<1x32x512x32xf32, #tpu.memory_space<vmem>>, vector<1x1x512x32xf32>
    %get3A_242 = vector.shape_cast %get3A_241 : vector<1x1x512x32xf32> to vector<512x32xf32>
    %get3A_243 = arith.constant 0 : index
    %get3A_244 = arith.constant 0 : index
    %get3A_245 = vector.load %arg3[%get3A_243, %get3A_244] : memref<32x64xf32, #tpu.memory_space<vmem>>, vector<32x64xf32>
    %dot_general3A_246 = arith.constant dense<0.000000e+00> : vector<512x64xf32>
    %dot_general3A_247 = tpu.matmul %get3A_242, %get3A_245, %dot_general3A_246 {dimension_numbers = #tpu.dot_dimension_numbers<[1], [0], [0], [1], [0, 0, 1, 1], [], []>, transpose_lhs_hint = false} : vector<512x32xf32>, vector<32x64xf32>, vector<512x64xf32> -> vector<512x64xf32>
    %get3A_248 = arith.constant 0 : index
    %get3A_249 = arith.constant 0 : index
    %get3A_250 = vector.load %arg4[%get3A_248, %get3A_249] : memref<1x64xf32, #tpu.memory_space<vmem>>, vector<1x64xf32>
    %add3A_251 = vector.broadcast %get3A_250 : vector<1x64xf32> to vector<512x64xf32>
    %add3A_252 = arith.addf %dot_general3A_247, %add3A_251 : vector<512x64xf32>
    %max3A_253 = arith.constant 0.000000e+00 : f32
    %max3A_254 = vector.broadcast %max3A_253 : f32 to vector<512x64xf32>
    %max3A_255 = arith.maximumf %add3A_252, %max3A_254 : vector<512x64xf32>
    %max3A_256 = arith.maximumf %max3A_236, %max3A_255 : vector<512x64xf32>
    %get3A_257 = arith.constant 0 : index
    %get3A_258 = arith.constant 13 : index
    %get3A_259 = arith.constant 0 : index
    %get3A_260 = arith.constant 0 : index
    %get3A_261 = vector.load %arg2[%get3A_257, %get3A_258, %get3A_259, %get3A_260] : memref<1x32x512x32xf32, #tpu.memory_space<vmem>>, vector<1x1x512x32xf32>
    %get3A_262 = vector.shape_cast %get3A_261 : vector<1x1x512x32xf32> to vector<512x32xf32>
    %get3A_263 = arith.constant 0 : index
    %get3A_264 = arith.constant 0 : index
    %get3A_265 = vector.load %arg3[%get3A_263, %get3A_264] : memref<32x64xf32, #tpu.memory_space<vmem>>, vector<32x64xf32>
    %dot_general3A_266 = arith.constant dense<0.000000e+00> : vector<512x64xf32>
    %dot_general3A_267 = tpu.matmul %get3A_262, %get3A_265, %dot_general3A_266 {dimension_numbers = #tpu.dot_dimension_numbers<[1], [0], [0], [1], [0, 0, 1, 1], [], []>, transpose_lhs_hint = false} : vector<512x32xf32>, vector<32x64xf32>, vector<512x64xf32> -> vector<512x64xf32>
    %get3A_268 = arith.constant 0 : index
    %get3A_269 = arith.constant 0 : index
    %get3A_270 = vector.load %arg4[%get3A_268, %get3A_269] : memref<1x64xf32, #tpu.memory_space<vmem>>, vector<1x64xf32>
    %add3A_271 = vector.broadcast %get3A_270 : vector<1x64xf32> to vector<512x64xf32>
    %add3A_272 = arith.addf %dot_general3A_267, %add3A_271 : vector<512x64xf32>
    %max3A_273 = arith.constant 0.000000e+00 : f32
    %max3A_274 = vector.broadcast %max3A_273 : f32 to vector<512x64xf32>
    %max3A_275 = arith.maximumf %add3A_272, %max3A_274 : vector<512x64xf32>
    %max3A_276 = arith.maximumf %max3A_256, %max3A_275 : vector<512x64xf32>
    %get3A_277 = arith.constant 0 : index
    %get3A_278 = arith.constant 14 : index
    %get3A_279 = arith.constant 0 : index
    %get3A_280 = arith.constant 0 : index
    %get3A_281 = vector.load %arg2[%get3A_277, %get3A_278, %get3A_279, %get3A_280] : memref<1x32x512x32xf32, #tpu.memory_space<vmem>>, vector<1x1x512x32xf32>
    %get3A_282 = vector.shape_cast %get3A_281 : vector<1x1x512x32xf32> to vector<512x32xf32>
    %get3A_283 = arith.constant 0 : index
    %get3A_284 = arith.constant 0 : index
    %get3A_285 = vector.load %arg3[%get3A_283, %get3A_284] : memref<32x64xf32, #tpu.memory_space<vmem>>, vector<32x64xf32>
    %dot_general3A_286 = arith.constant dense<0.000000e+00> : vector<512x64xf32>
    %dot_general3A_287 = tpu.matmul %get3A_282, %get3A_285, %dot_general3A_286 {dimension_numbers = #tpu.dot_dimension_numbers<[1], [0], [0], [1], [0, 0, 1, 1], [], []>, transpose_lhs_hint = false} : vector<512x32xf32>, vector<32x64xf32>, vector<512x64xf32> -> vector<512x64xf32>
    %get3A_288 = arith.constant 0 : index
    %get3A_289 = arith.constant 0 : index
    %get3A_290 = vector.load %arg4[%get3A_288, %get3A_289] : memref<1x64xf32, #tpu.memory_space<vmem>>, vector<1x64xf32>
    %add3A_291 = vector.broadcast %get3A_290 : vector<1x64xf32> to vector<512x64xf32>
    %add3A_292 = arith.addf %dot_general3A_287, %add3A_291 : vector<512x64xf32>
    %max3A_293 = arith.constant 0.000000e+00 : f32
    %max3A_294 = vector.broadcast %max3A_293 : f32 to vector<512x64xf32>
    %max3A_295 = arith.maximumf %add3A_292, %max3A_294 : vector<512x64xf32>
    %max3A_296 = arith.maximumf %max3A_276, %max3A_295 : vector<512x64xf32>
    %get3A_297 = arith.constant 0 : index
    %get3A_298 = arith.constant 15 : index
    %get3A_299 = arith.constant 0 : index
    %get3A_300 = arith.constant 0 : index
    %get3A_301 = vector.load %arg2[%get3A_297, %get3A_298, %get3A_299, %get3A_300] : memref<1x32x512x32xf32, #tpu.memory_space<vmem>>, vector<1x1x512x32xf32>
    %get3A_302 = vector.shape_cast %get3A_301 : vector<1x1x512x32xf32> to vector<512x32xf32>
    %get3A_303 = arith.constant 0 : index
    %get3A_304 = arith.constant 0 : index
    %get3A_305 = vector.load %arg3[%get3A_303, %get3A_304] : memref<32x64xf32, #tpu.memory_space<vmem>>, vector<32x64xf32>
    %dot_general3A_306 = arith.constant dense<0.000000e+00> : vector<512x64xf32>
    %dot_general3A_307 = tpu.matmul %get3A_302, %get3A_305, %dot_general3A_306 {dimension_numbers = #tpu.dot_dimension_numbers<[1], [0], [0], [1], [0, 0, 1, 1], [], []>, transpose_lhs_hint = false} : vector<512x32xf32>, vector<32x64xf32>, vector<512x64xf32> -> vector<512x64xf32>
    %get3A_308 = arith.constant 0 : index
    %get3A_309 = arith.constant 0 : index
    %get3A_310 = vector.load %arg4[%get3A_308, %get3A_309] : memref<1x64xf32, #tpu.memory_space<vmem>>, vector<1x64xf32>
    %add3A_311 = vector.broadcast %get3A_310 : vector<1x64xf32> to vector<512x64xf32>
    %add3A_312 = arith.addf %dot_general3A_307, %add3A_311 : vector<512x64xf32>
    %max3A_313 = arith.constant 0.000000e+00 : f32
    %max3A_314 = vector.broadcast %max3A_313 : f32 to vector<512x64xf32>
    %max3A_315 = arith.maximumf %add3A_312, %max3A_314 : vector<512x64xf32>
    %max3A_316 = arith.maximumf %max3A_296, %max3A_315 : vector<512x64xf32>
    %get3A_317 = arith.constant 0 : index
    %get3A_318 = arith.constant 16 : index
    %get3A_319 = arith.constant 0 : index
    %get3A_320 = arith.constant 0 : index
    %get3A_321 = vector.load %arg2[%get3A_317, %get3A_318, %get3A_319, %get3A_320] : memref<1x32x512x32xf32, #tpu.memory_space<vmem>>, vector<1x1x512x32xf32>
    %get3A_322 = vector.shape_cast %get3A_321 : vector<1x1x512x32xf32> to vector<512x32xf32>
    %get3A_323 = arith.constant 0 : index
    %get3A_324 = arith.constant 0 : index
    %get3A_325 = vector.load %arg3[%get3A_323, %get3A_324] : memref<32x64xf32, #tpu.memory_space<vmem>>, vector<32x64xf32>
    %dot_general3A_326 = arith.constant dense<0.000000e+00> : vector<512x64xf32>
    %dot_general3A_327 = tpu.matmul %get3A_322, %get3A_325, %dot_general3A_326 {dimension_numbers = #tpu.dot_dimension_numbers<[1], [0], [0], [1], [0, 0, 1, 1], [], []>, transpose_lhs_hint = false} : vector<512x32xf32>, vector<32x64xf32>, vector<512x64xf32> -> vector<512x64xf32>
    %get3A_328 = arith.constant 0 : index
    %get3A_329 = arith.constant 0 : index
    %get3A_330 = vector.load %arg4[%get3A_328, %get3A_329] : memref<1x64xf32, #tpu.memory_space<vmem>>, vector<1x64xf32>
    %add3A_331 = vector.broadcast %get3A_330 : vector<1x64xf32> to vector<512x64xf32>
    %add3A_332 = arith.addf %dot_general3A_327, %add3A_331 : vector<512x64xf32>
    %max3A_333 = arith.constant 0.000000e+00 : f32
    %max3A_334 = vector.broadcast %max3A_333 : f32 to vector<512x64xf32>
    %max3A_335 = arith.maximumf %add3A_332, %max3A_334 : vector<512x64xf32>
    %max3A_336 = arith.maximumf %max3A_316, %max3A_335 : vector<512x64xf32>
    %get3A_337 = arith.constant 0 : index
    %get3A_338 = arith.constant 17 : index
    %get3A_339 = arith.constant 0 : index
    %get3A_340 = arith.constant 0 : index
    %get3A_341 = vector.load %arg2[%get3A_337, %get3A_338, %get3A_339, %get3A_340] : memref<1x32x512x32xf32, #tpu.memory_space<vmem>>, vector<1x1x512x32xf32>
    %get3A_342 = vector.shape_cast %get3A_341 : vector<1x1x512x32xf32> to vector<512x32xf32>
    %get3A_343 = arith.constant 0 : index
    %get3A_344 = arith.constant 0 : index
    %get3A_345 = vector.load %arg3[%get3A_343, %get3A_344] : memref<32x64xf32, #tpu.memory_space<vmem>>, vector<32x64xf32>
    %dot_general3A_346 = arith.constant dense<0.000000e+00> : vector<512x64xf32>
    %dot_general3A_347 = tpu.matmul %get3A_342, %get3A_345, %dot_general3A_346 {dimension_numbers = #tpu.dot_dimension_numbers<[1], [0], [0], [1], [0, 0, 1, 1], [], []>, transpose_lhs_hint = false} : vector<512x32xf32>, vector<32x64xf32>, vector<512x64xf32> -> vector<512x64xf32>
    %get3A_348 = arith.constant 0 : index
    %get3A_349 = arith.constant 0 : index
    %get3A_350 = vector.load %arg4[%get3A_348, %get3A_349] : memref<1x64xf32, #tpu.memory_space<vmem>>, vector<1x64xf32>
    %add3A_351 = vector.broadcast %get3A_350 : vector<1x64xf32> to vector<512x64xf32>
    %add3A_352 = arith.addf %dot_general3A_347, %add3A_351 : vector<512x64xf32>
    %max3A_353 = arith.constant 0.000000e+00 : f32
    %max3A_354 = vector.broadcast %max3A_353 : f32 to vector<512x64xf32>
    %max3A_355 = arith.maximumf %add3A_352, %max3A_354 : vector<512x64xf32>
    %max3A_356 = arith.maximumf %max3A_336, %max3A_355 : vector<512x64xf32>
    %get3A_357 = arith.constant 0 : index
    %get3A_358 = arith.constant 18 : index
    %get3A_359 = arith.constant 0 : index
    %get3A_360 = arith.constant 0 : index
    %get3A_361 = vector.load %arg2[%get3A_357, %get3A_358, %get3A_359, %get3A_360] : memref<1x32x512x32xf32, #tpu.memory_space<vmem>>, vector<1x1x512x32xf32>
    %get3A_362 = vector.shape_cast %get3A_361 : vector<1x1x512x32xf32> to vector<512x32xf32>
    %get3A_363 = arith.constant 0 : index
    %get3A_364 = arith.constant 0 : index
    %get3A_365 = vector.load %arg3[%get3A_363, %get3A_364] : memref<32x64xf32, #tpu.memory_space<vmem>>, vector<32x64xf32>
    %dot_general3A_366 = arith.constant dense<0.000000e+00> : vector<512x64xf32>
    %dot_general3A_367 = tpu.matmul %get3A_362, %get3A_365, %dot_general3A_366 {dimension_numbers = #tpu.dot_dimension_numbers<[1], [0], [0], [1], [0, 0, 1, 1], [], []>, transpose_lhs_hint = false} : vector<512x32xf32>, vector<32x64xf32>, vector<512x64xf32> -> vector<512x64xf32>
    %get3A_368 = arith.constant 0 : index
    %get3A_369 = arith.constant 0 : index
    %get3A_370 = vector.load %arg4[%get3A_368, %get3A_369] : memref<1x64xf32, #tpu.memory_space<vmem>>, vector<1x64xf32>
    %add3A_371 = vector.broadcast %get3A_370 : vector<1x64xf32> to vector<512x64xf32>
    %add3A_372 = arith.addf %dot_general3A_367, %add3A_371 : vector<512x64xf32>
    %max3A_373 = arith.constant 0.000000e+00 : f32
    %max3A_374 = vector.broadcast %max3A_373 : f32 to vector<512x64xf32>
    %max3A_375 = arith.maximumf %add3A_372, %max3A_374 : vector<512x64xf32>
    %max3A_376 = arith.maximumf %max3A_356, %max3A_375 : vector<512x64xf32>
    %get3A_377 = arith.constant 0 : index
    %get3A_378 = arith.constant 19 : index
    %get3A_379 = arith.constant 0 : index
    %get3A_380 = arith.constant 0 : index
    %get3A_381 = vector.load %arg2[%get3A_377, %get3A_378, %get3A_379, %get3A_380] : memref<1x32x512x32xf32, #tpu.memory_space<vmem>>, vector<1x1x512x32xf32>
    %get3A_382 = vector.shape_cast %get3A_381 : vector<1x1x512x32xf32> to vector<512x32xf32>
    %get3A_383 = arith.constant 0 : index
    %get3A_384 = arith.constant 0 : index
    %get3A_385 = vector.load %arg3[%get3A_383, %get3A_384] : memref<32x64xf32, #tpu.memory_space<vmem>>, vector<32x64xf32>
    %dot_general3A_386 = arith.constant dense<0.000000e+00> : vector<512x64xf32>
    %dot_general3A_387 = tpu.matmul %get3A_382, %get3A_385, %dot_general3A_386 {dimension_numbers = #tpu.dot_dimension_numbers<[1], [0], [0], [1], [0, 0, 1, 1], [], []>, transpose_lhs_hint = false} : vector<512x32xf32>, vector<32x64xf32>, vector<512x64xf32> -> vector<512x64xf32>
    %get3A_388 = arith.constant 0 : index
    %get3A_389 = arith.constant 0 : index
    %get3A_390 = vector.load %arg4[%get3A_388, %get3A_389] : memref<1x64xf32, #tpu.memory_space<vmem>>, vector<1x64xf32>
    %add3A_391 = vector.broadcast %get3A_390 : vector<1x64xf32> to vector<512x64xf32>
    %add3A_392 = arith.addf %dot_general3A_387, %add3A_391 : vector<512x64xf32>
    %max3A_393 = arith.constant 0.000000e+00 : f32
    %max3A_394 = vector.broadcast %max3A_393 : f32 to vector<512x64xf32>
    %max3A_395 = arith.maximumf %add3A_392, %max3A_394 : vector<512x64xf32>
    %max3A_396 = arith.maximumf %max3A_376, %max3A_395 : vector<512x64xf32>
    %get3A_397 = arith.constant 0 : index
    %get3A_398 = arith.constant 20 : index
    %get3A_399 = arith.constant 0 : index
    %get3A_400 = arith.constant 0 : index
    %get3A_401 = vector.load %arg2[%get3A_397, %get3A_398, %get3A_399, %get3A_400] : memref<1x32x512x32xf32, #tpu.memory_space<vmem>>, vector<1x1x512x32xf32>
    %get3A_402 = vector.shape_cast %get3A_401 : vector<1x1x512x32xf32> to vector<512x32xf32>
    %get3A_403 = arith.constant 0 : index
    %get3A_404 = arith.constant 0 : index
    %get3A_405 = vector.load %arg3[%get3A_403, %get3A_404] : memref<32x64xf32, #tpu.memory_space<vmem>>, vector<32x64xf32>
    %dot_general3A_406 = arith.constant dense<0.000000e+00> : vector<512x64xf32>
    %dot_general3A_407 = tpu.matmul %get3A_402, %get3A_405, %dot_general3A_406 {dimension_numbers = #tpu.dot_dimension_numbers<[1], [0], [0], [1], [0, 0, 1, 1], [], []>, transpose_lhs_hint = false} : vector<512x32xf32>, vector<32x64xf32>, vector<512x64xf32> -> vector<512x64xf32>
    %get3A_408 = arith.constant 0 : index
    %get3A_409 = arith.constant 0 : index
    %get3A_410 = vector.load %arg4[%get3A_408, %get3A_409] : memref<1x64xf32, #tpu.memory_space<vmem>>, vector<1x64xf32>
    %add3A_411 = vector.broadcast %get3A_410 : vector<1x64xf32> to vector<512x64xf32>
    %add3A_412 = arith.addf %dot_general3A_407, %add3A_411 : vector<512x64xf32>
    %max3A_413 = arith.constant 0.000000e+00 : f32
    %max3A_414 = vector.broadcast %max3A_413 : f32 to vector<512x64xf32>
    %max3A_415 = arith.maximumf %add3A_412, %max3A_414 : vector<512x64xf32>
    %max3A_416 = arith.maximumf %max3A_396, %max3A_415 : vector<512x64xf32>
    %get3A_417 = arith.constant 0 : index
    %get3A_418 = arith.constant 21 : index
    %get3A_419 = arith.constant 0 : index
    %get3A_420 = arith.constant 0 : index
    %get3A_421 = vector.load %arg2[%get3A_417, %get3A_418, %get3A_419, %get3A_420] : memref<1x32x512x32xf32, #tpu.memory_space<vmem>>, vector<1x1x512x32xf32>
    %get3A_422 = vector.shape_cast %get3A_421 : vector<1x1x512x32xf32> to vector<512x32xf32>
    %get3A_423 = arith.constant 0 : index
    %get3A_424 = arith.constant 0 : index
    %get3A_425 = vector.load %arg3[%get3A_423, %get3A_424] : memref<32x64xf32, #tpu.memory_space<vmem>>, vector<32x64xf32>
    %dot_general3A_426 = arith.constant dense<0.000000e+00> : vector<512x64xf32>
    %dot_general3A_427 = tpu.matmul %get3A_422, %get3A_425, %dot_general3A_426 {dimension_numbers = #tpu.dot_dimension_numbers<[1], [0], [0], [1], [0, 0, 1, 1], [], []>, transpose_lhs_hint = false} : vector<512x32xf32>, vector<32x64xf32>, vector<512x64xf32> -> vector<512x64xf32>
    %get3A_428 = arith.constant 0 : index
    %get3A_429 = arith.constant 0 : index
    %get3A_430 = vector.load %arg4[%get3A_428, %get3A_429] : memref<1x64xf32, #tpu.memory_space<vmem>>, vector<1x64xf32>
    %add3A_431 = vector.broadcast %get3A_430 : vector<1x64xf32> to vector<512x64xf32>
    %add3A_432 = arith.addf %dot_general3A_427, %add3A_431 : vector<512x64xf32>
    %max3A_433 = arith.constant 0.000000e+00 : f32
    %max3A_434 = vector.broadcast %max3A_433 : f32 to vector<512x64xf32>
    %max3A_435 = arith.maximumf %add3A_432, %max3A_434 : vector<512x64xf32>
    %max3A_436 = arith.maximumf %max3A_416, %max3A_435 : vector<512x64xf32>
    %get3A_437 = arith.constant 0 : index
    %get3A_438 = arith.constant 22 : index
    %get3A_439 = arith.constant 0 : index
    %get3A_440 = arith.constant 0 : index
    %get3A_441 = vector.load %arg2[%get3A_437, %get3A_438, %get3A_439, %get3A_440] : memref<1x32x512x32xf32, #tpu.memory_space<vmem>>, vector<1x1x512x32xf32>
    %get3A_442 = vector.shape_cast %get3A_441 : vector<1x1x512x32xf32> to vector<512x32xf32>
    %get3A_443 = arith.constant 0 : index
    %get3A_444 = arith.constant 0 : index
    %get3A_445 = vector.load %arg3[%get3A_443, %get3A_444] : memref<32x64xf32, #tpu.memory_space<vmem>>, vector<32x64xf32>
    %dot_general3A_446 = arith.constant dense<0.000000e+00> : vector<512x64xf32>
    %dot_general3A_447 = tpu.matmul %get3A_442, %get3A_445, %dot_general3A_446 {dimension_numbers = #tpu.dot_dimension_numbers<[1], [0], [0], [1], [0, 0, 1, 1], [], []>, transpose_lhs_hint = false} : vector<512x32xf32>, vector<32x64xf32>, vector<512x64xf32> -> vector<512x64xf32>
    %get3A_448 = arith.constant 0 : index
    %get3A_449 = arith.constant 0 : index
    %get3A_450 = vector.load %arg4[%get3A_448, %get3A_449] : memref<1x64xf32, #tpu.memory_space<vmem>>, vector<1x64xf32>
    %add3A_451 = vector.broadcast %get3A_450 : vector<1x64xf32> to vector<512x64xf32>
    %add3A_452 = arith.addf %dot_general3A_447, %add3A_451 : vector<512x64xf32>
    %max3A_453 = arith.constant 0.000000e+00 : f32
    %max3A_454 = vector.broadcast %max3A_453 : f32 to vector<512x64xf32>
    %max3A_455 = arith.maximumf %add3A_452, %max3A_454 : vector<512x64xf32>
    %max3A_456 = arith.maximumf %max3A_436, %max3A_455 : vector<512x64xf32>
    %get3A_457 = arith.constant 0 : index
    %get3A_458 = arith.constant 23 : index
    %get3A_459 = arith.constant 0 : index
    %get3A_460 = arith.constant 0 : index
    %get3A_461 = vector.load %arg2[%get3A_457, %get3A_458, %get3A_459, %get3A_460] : memref<1x32x512x32xf32, #tpu.memory_space<vmem>>, vector<1x1x512x32xf32>
    %get3A_462 = vector.shape_cast %get3A_461 : vector<1x1x512x32xf32> to vector<512x32xf32>
    %get3A_463 = arith.constant 0 : index
    %get3A_464 = arith.constant 0 : index
    %get3A_465 = vector.load %arg3[%get3A_463, %get3A_464] : memref<32x64xf32, #tpu.memory_space<vmem>>, vector<32x64xf32>
    %dot_general3A_466 = arith.constant dense<0.000000e+00> : vector<512x64xf32>
    %dot_general3A_467 = tpu.matmul %get3A_462, %get3A_465, %dot_general3A_466 {dimension_numbers = #tpu.dot_dimension_numbers<[1], [0], [0], [1], [0, 0, 1, 1], [], []>, transpose_lhs_hint = false} : vector<512x32xf32>, vector<32x64xf32>, vector<512x64xf32> -> vector<512x64xf32>
    %get3A_468 = arith.constant 0 : index
    %get3A_469 = arith.constant 0 : index
    %get3A_470 = vector.load %arg4[%get3A_468, %get3A_469] : memref<1x64xf32, #tpu.memory_space<vmem>>, vector<1x64xf32>
    %add3A_471 = vector.broadcast %get3A_470 : vector<1x64xf32> to vector<512x64xf32>
    %add3A_472 = arith.addf %dot_general3A_467, %add3A_471 : vector<512x64xf32>
    %max3A_473 = arith.constant 0.000000e+00 : f32
    %max3A_474 = vector.broadcast %max3A_473 : f32 to vector<512x64xf32>
    %max3A_475 = arith.maximumf %add3A_472, %max3A_474 : vector<512x64xf32>
    %max3A_476 = arith.maximumf %max3A_456, %max3A_475 : vector<512x64xf32>
    %get3A_477 = arith.constant 0 : index
    %get3A_478 = arith.constant 24 : index
    %get3A_479 = arith.constant 0 : index
    %get3A_480 = arith.constant 0 : index
    %get3A_481 = vector.load %arg2[%get3A_477, %get3A_478, %get3A_479, %get3A_480] : memref<1x32x512x32xf32, #tpu.memory_space<vmem>>, vector<1x1x512x32xf32>
    %get3A_482 = vector.shape_cast %get3A_481 : vector<1x1x512x32xf32> to vector<512x32xf32>
    %get3A_483 = arith.constant 0 : index
    %get3A_484 = arith.constant 0 : index
    %get3A_485 = vector.load %arg3[%get3A_483, %get3A_484] : memref<32x64xf32, #tpu.memory_space<vmem>>, vector<32x64xf32>
    %dot_general3A_486 = arith.constant dense<0.000000e+00> : vector<512x64xf32>
    %dot_general3A_487 = tpu.matmul %get3A_482, %get3A_485, %dot_general3A_486 {dimension_numbers = #tpu.dot_dimension_numbers<[1], [0], [0], [1], [0, 0, 1, 1], [], []>, transpose_lhs_hint = false} : vector<512x32xf32>, vector<32x64xf32>, vector<512x64xf32> -> vector<512x64xf32>
    %get3A_488 = arith.constant 0 : index
    %get3A_489 = arith.constant 0 : index
    %get3A_490 = vector.load %arg4[%get3A_488, %get3A_489] : memref<1x64xf32, #tpu.memory_space<vmem>>, vector<1x64xf32>
    %add3A_491 = vector.broadcast %get3A_490 : vector<1x64xf32> to vector<512x64xf32>
    %add3A_492 = arith.addf %dot_general3A_487, %add3A_491 : vector<512x64xf32>
    %max3A_493 = arith.constant 0.000000e+00 : f32
    %max3A_494 = vector.broadcast %max3A_493 : f32 to vector<512x64xf32>
    %max3A_495 = arith.maximumf %add3A_492, %max3A_494 : vector<512x64xf32>
    %max3A_496 = arith.maximumf %max3A_476, %max3A_495 : vector<512x64xf32>
    %get3A_497 = arith.constant 0 : index
    %get3A_498 = arith.constant 25 : index
    %get3A_499 = arith.constant 0 : index
    %get3A_500 = arith.constant 0 : index
    %get3A_501 = vector.load %arg2[%get3A_497, %get3A_498, %get3A_499, %get3A_500] : memref<1x32x512x32xf32, #tpu.memory_space<vmem>>, vector<1x1x512x32xf32>
    %get3A_502 = vector.shape_cast %get3A_501 : vector<1x1x512x32xf32> to vector<512x32xf32>
    %get3A_503 = arith.constant 0 : index
    %get3A_504 = arith.constant 0 : index
    %get3A_505 = vector.load %arg3[%get3A_503, %get3A_504] : memref<32x64xf32, #tpu.memory_space<vmem>>, vector<32x64xf32>
    %dot_general3A_506 = arith.constant dense<0.000000e+00> : vector<512x64xf32>
    %dot_general3A_507 = tpu.matmul %get3A_502, %get3A_505, %dot_general3A_506 {dimension_numbers = #tpu.dot_dimension_numbers<[1], [0], [0], [1], [0, 0, 1, 1], [], []>, transpose_lhs_hint = false} : vector<512x32xf32>, vector<32x64xf32>, vector<512x64xf32> -> vector<512x64xf32>
    %get3A_508 = arith.constant 0 : index
    %get3A_509 = arith.constant 0 : index
    %get3A_510 = vector.load %arg4[%get3A_508, %get3A_509] : memref<1x64xf32, #tpu.memory_space<vmem>>, vector<1x64xf32>
    %add3A_511 = vector.broadcast %get3A_510 : vector<1x64xf32> to vector<512x64xf32>
    %add3A_512 = arith.addf %dot_general3A_507, %add3A_511 : vector<512x64xf32>
    %max3A_513 = arith.constant 0.000000e+00 : f32
    %max3A_514 = vector.broadcast %max3A_513 : f32 to vector<512x64xf32>
    %max3A_515 = arith.maximumf %add3A_512, %max3A_514 : vector<512x64xf32>
    %max3A_516 = arith.maximumf %max3A_496, %max3A_515 : vector<512x64xf32>
    %get3A_517 = arith.constant 0 : index
    %get3A_518 = arith.constant 26 : index
    %get3A_519 = arith.constant 0 : index
    %get3A_520 = arith.constant 0 : index
    %get3A_521 = vector.load %arg2[%get3A_517, %get3A_518, %get3A_519, %get3A_520] : memref<1x32x512x32xf32, #tpu.memory_space<vmem>>, vector<1x1x512x32xf32>
    %get3A_522 = vector.shape_cast %get3A_521 : vector<1x1x512x32xf32> to vector<512x32xf32>
    %get3A_523 = arith.constant 0 : index
    %get3A_524 = arith.constant 0 : index
    %get3A_525 = vector.load %arg3[%get3A_523, %get3A_524] : memref<32x64xf32, #tpu.memory_space<vmem>>, vector<32x64xf32>
    %dot_general3A_526 = arith.constant dense<0.000000e+00> : vector<512x64xf32>
    %dot_general3A_527 = tpu.matmul %get3A_522, %get3A_525, %dot_general3A_526 {dimension_numbers = #tpu.dot_dimension_numbers<[1], [0], [0], [1], [0, 0, 1, 1], [], []>, transpose_lhs_hint = false} : vector<512x32xf32>, vector<32x64xf32>, vector<512x64xf32> -> vector<512x64xf32>
    %get3A_528 = arith.constant 0 : index
    %get3A_529 = arith.constant 0 : index
    %get3A_530 = vector.load %arg4[%get3A_528, %get3A_529] : memref<1x64xf32, #tpu.memory_space<vmem>>, vector<1x64xf32>
    %add3A_531 = vector.broadcast %get3A_530 : vector<1x64xf32> to vector<512x64xf32>
    %add3A_532 = arith.addf %dot_general3A_527, %add3A_531 : vector<512x64xf32>
    %max3A_533 = arith.constant 0.000000e+00 : f32
    %max3A_534 = vector.broadcast %max3A_533 : f32 to vector<512x64xf32>
    %max3A_535 = arith.maximumf %add3A_532, %max3A_534 : vector<512x64xf32>
    %max3A_536 = arith.maximumf %max3A_516, %max3A_535 : vector<512x64xf32>
    %get3A_537 = arith.constant 0 : index
    %get3A_538 = arith.constant 27 : index
    %get3A_539 = arith.constant 0 : index
    %get3A_540 = arith.constant 0 : index
    %get3A_541 = vector.load %arg2[%get3A_537, %get3A_538, %get3A_539, %get3A_540] : memref<1x32x512x32xf32, #tpu.memory_space<vmem>>, vector<1x1x512x32xf32>
    %get3A_542 = vector.shape_cast %get3A_541 : vector<1x1x512x32xf32> to vector<512x32xf32>
    %get3A_543 = arith.constant 0 : index
    %get3A_544 = arith.constant 0 : index
    %get3A_545 = vector.load %arg3[%get3A_543, %get3A_544] : memref<32x64xf32, #tpu.memory_space<vmem>>, vector<32x64xf32>
    %dot_general3A_546 = arith.constant dense<0.000000e+00> : vector<512x64xf32>
    %dot_general3A_547 = tpu.matmul %get3A_542, %get3A_545, %dot_general3A_546 {dimension_numbers = #tpu.dot_dimension_numbers<[1], [0], [0], [1], [0, 0, 1, 1], [], []>, transpose_lhs_hint = false} : vector<512x32xf32>, vector<32x64xf32>, vector<512x64xf32> -> vector<512x64xf32>
    %get3A_548 = arith.constant 0 : index
    %get3A_549 = arith.constant 0 : index
    %get3A_550 = vector.load %arg4[%get3A_548, %get3A_549] : memref<1x64xf32, #tpu.memory_space<vmem>>, vector<1x64xf32>
    %add3A_551 = vector.broadcast %get3A_550 : vector<1x64xf32> to vector<512x64xf32>
    %add3A_552 = arith.addf %dot_general3A_547, %add3A_551 : vector<512x64xf32>
    %max3A_553 = arith.constant 0.000000e+00 : f32
    %max3A_554 = vector.broadcast %max3A_553 : f32 to vector<512x64xf32>
    %max3A_555 = arith.maximumf %add3A_552, %max3A_554 : vector<512x64xf32>
    %max3A_556 = arith.maximumf %max3A_536, %max3A_555 : vector<512x64xf32>
    %get3A_557 = arith.constant 0 : index
    %get3A_558 = arith.constant 28 : index
    %get3A_559 = arith.constant 0 : index
    %get3A_560 = arith.constant 0 : index
    %get3A_561 = vector.load %arg2[%get3A_557, %get3A_558, %get3A_559, %get3A_560] : memref<1x32x512x32xf32, #tpu.memory_space<vmem>>, vector<1x1x512x32xf32>
    %get3A_562 = vector.shape_cast %get3A_561 : vector<1x1x512x32xf32> to vector<512x32xf32>
    %get3A_563 = arith.constant 0 : index
    %get3A_564 = arith.constant 0 : index
    %get3A_565 = vector.load %arg3[%get3A_563, %get3A_564] : memref<32x64xf32, #tpu.memory_space<vmem>>, vector<32x64xf32>
    %dot_general3A_566 = arith.constant dense<0.000000e+00> : vector<512x64xf32>
    %dot_general3A_567 = tpu.matmul %get3A_562, %get3A_565, %dot_general3A_566 {dimension_numbers = #tpu.dot_dimension_numbers<[1], [0], [0], [1], [0, 0, 1, 1], [], []>, transpose_lhs_hint = false} : vector<512x32xf32>, vector<32x64xf32>, vector<512x64xf32> -> vector<512x64xf32>
    %get3A_568 = arith.constant 0 : index
    %get3A_569 = arith.constant 0 : index
    %get3A_570 = vector.load %arg4[%get3A_568, %get3A_569] : memref<1x64xf32, #tpu.memory_space<vmem>>, vector<1x64xf32>
    %add3A_571 = vector.broadcast %get3A_570 : vector<1x64xf32> to vector<512x64xf32>
    %add3A_572 = arith.addf %dot_general3A_567, %add3A_571 : vector<512x64xf32>
    %max3A_573 = arith.constant 0.000000e+00 : f32
    %max3A_574 = vector.broadcast %max3A_573 : f32 to vector<512x64xf32>
    %max3A_575 = arith.maximumf %add3A_572, %max3A_574 : vector<512x64xf32>
    %max3A_576 = arith.maximumf %max3A_556, %max3A_575 : vector<512x64xf32>
    %get3A_577 = arith.constant 0 : index
    %get3A_578 = arith.constant 29 : index
    %get3A_579 = arith.constant 0 : index
    %get3A_580 = arith.constant 0 : index
    %get3A_581 = vector.load %arg2[%get3A_577, %get3A_578, %get3A_579, %get3A_580] : memref<1x32x512x32xf32, #tpu.memory_space<vmem>>, vector<1x1x512x32xf32>
    %get3A_582 = vector.shape_cast %get3A_581 : vector<1x1x512x32xf32> to vector<512x32xf32>
    %get3A_583 = arith.constant 0 : index
    %get3A_584 = arith.constant 0 : index
    %get3A_585 = vector.load %arg3[%get3A_583, %get3A_584] : memref<32x64xf32, #tpu.memory_space<vmem>>, vector<32x64xf32>
    %dot_general3A_586 = arith.constant dense<0.000000e+00> : vector<512x64xf32>
    %dot_general3A_587 = tpu.matmul %get3A_582, %get3A_585, %dot_general3A_586 {dimension_numbers = #tpu.dot_dimension_numbers<[1], [0], [0], [1], [0, 0, 1, 1], [], []>, transpose_lhs_hint = false} : vector<512x32xf32>, vector<32x64xf32>, vector<512x64xf32> -> vector<512x64xf32>
    %get3A_588 = arith.constant 0 : index
    %get3A_589 = arith.constant 0 : index
    %get3A_590 = vector.load %arg4[%get3A_588, %get3A_589] : memref<1x64xf32, #tpu.memory_space<vmem>>, vector<1x64xf32>
    %add3A_591 = vector.broadcast %get3A_590 : vector<1x64xf32> to vector<512x64xf32>
    %add3A_592 = arith.addf %dot_general3A_587, %add3A_591 : vector<512x64xf32>
    %max3A_593 = arith.constant 0.000000e+00 : f32
    %max3A_594 = vector.broadcast %max3A_593 : f32 to vector<512x64xf32>
    %max3A_595 = arith.maximumf %add3A_592, %max3A_594 : vector<512x64xf32>
    %max3A_596 = arith.maximumf %max3A_576, %max3A_595 : vector<512x64xf32>
    %get3A_597 = arith.constant 0 : index
    %get3A_598 = arith.constant 30 : index
    %get3A_599 = arith.constant 0 : index
    %get3A_600 = arith.constant 0 : index
    %get3A_601 = vector.load %arg2[%get3A_597, %get3A_598, %get3A_599, %get3A_600] : memref<1x32x512x32xf32, #tpu.memory_space<vmem>>, vector<1x1x512x32xf32>
    %get3A_602 = vector.shape_cast %get3A_601 : vector<1x1x512x32xf32> to vector<512x32xf32>
    %get3A_603 = arith.constant 0 : index
    %get3A_604 = arith.constant 0 : index
    %get3A_605 = vector.load %arg3[%get3A_603, %get3A_604] : memref<32x64xf32, #tpu.memory_space<vmem>>, vector<32x64xf32>
    %dot_general3A_606 = arith.constant dense<0.000000e+00> : vector<512x64xf32>
    %dot_general3A_607 = tpu.matmul %get3A_602, %get3A_605, %dot_general3A_606 {dimension_numbers = #tpu.dot_dimension_numbers<[1], [0], [0], [1], [0, 0, 1, 1], [], []>, transpose_lhs_hint = false} : vector<512x32xf32>, vector<32x64xf32>, vector<512x64xf32> -> vector<512x64xf32>
    %get3A_608 = arith.constant 0 : index
    %get3A_609 = arith.constant 0 : index
    %get3A_610 = vector.load %arg4[%get3A_608, %get3A_609] : memref<1x64xf32, #tpu.memory_space<vmem>>, vector<1x64xf32>
    %add3A_611 = vector.broadcast %get3A_610 : vector<1x64xf32> to vector<512x64xf32>
    %add3A_612 = arith.addf %dot_general3A_607, %add3A_611 : vector<512x64xf32>
    %max3A_613 = arith.constant 0.000000e+00 : f32
    %max3A_614 = vector.broadcast %max3A_613 : f32 to vector<512x64xf32>
    %max3A_615 = arith.maximumf %add3A_612, %max3A_614 : vector<512x64xf32>
    %max3A_616 = arith.maximumf %max3A_596, %max3A_615 : vector<512x64xf32>
    %get3A_617 = arith.constant 0 : index
    %get3A_618 = arith.constant 31 : index
    %get3A_619 = arith.constant 0 : index
    %get3A_620 = arith.constant 0 : index
    %get3A_621 = vector.load %arg2[%get3A_617, %get3A_618, %get3A_619, %get3A_620] : memref<1x32x512x32xf32, #tpu.memory_space<vmem>>, vector<1x1x512x32xf32>
    %get3A_622 = vector.shape_cast %get3A_621 : vector<1x1x512x32xf32> to vector<512x32xf32>
    %get3A_623 = arith.constant 0 : index
    %get3A_624 = arith.constant 0 : index
    %get3A_625 = vector.load %arg3[%get3A_623, %get3A_624] : memref<32x64xf32, #tpu.memory_space<vmem>>, vector<32x64xf32>
    %dot_general3A_626 = arith.constant dense<0.000000e+00> : vector<512x64xf32>
    %dot_general3A_627 = tpu.matmul %get3A_622, %get3A_625, %dot_general3A_626 {dimension_numbers = #tpu.dot_dimension_numbers<[1], [0], [0], [1], [0, 0, 1, 1], [], []>, transpose_lhs_hint = false} : vector<512x32xf32>, vector<32x64xf32>, vector<512x64xf32> -> vector<512x64xf32>
    %get3A_628 = arith.constant 0 : index
    %get3A_629 = arith.constant 0 : index
    %get3A_630 = vector.load %arg4[%get3A_628, %get3A_629] : memref<1x64xf32, #tpu.memory_space<vmem>>, vector<1x64xf32>
    %add3A_631 = vector.broadcast %get3A_630 : vector<1x64xf32> to vector<512x64xf32>
    %add3A_632 = arith.addf %dot_general3A_627, %add3A_631 : vector<512x64xf32>
    %max3A_633 = arith.constant 0.000000e+00 : f32
    %max3A_634 = vector.broadcast %max3A_633 : f32 to vector<512x64xf32>
    %max3A_635 = arith.maximumf %add3A_632, %max3A_634 : vector<512x64xf32>
    %max3A_636 = arith.maximumf %max3A_616, %max3A_635 : vector<512x64xf32>
    %swap3A = arith.constant 0 : index
    %swap3A_637 = arith.constant 0 : index
    %swap3A_638 = arith.constant 0 : index
    %swap3A_639 = vector.load %arg5[%swap3A, %swap3A_637, %swap3A_638] : memref<1x512x64xf32, #tpu.memory_space<vmem>>, vector<1x512x64xf32>
    %swap3A_640 = vector.shape_cast %swap3A_639 : vector<1x512x64xf32> to vector<512x64xf32>
    %swap3A_641 = vector.shape_cast %max3A_636 : vector<512x64xf32> to vector<1x512x64xf32>
    tpu.vector_store %arg5[%swap3A, %swap3A_637, %swap3A_638], %swap3A_641 {strides = array<i32>} : memref<1x512x64xf32, #tpu.memory_space<vmem>>, vector<1x512x64xf32>,
    return
  }
  func.func @transform_0(%arg0: i32, %arg1: i32) -> (i32, i32, i32, i32) {
    %c0_i32 = arith.constant 0 : i32
    %c0_i32_0 = arith.constant 0 : i32
    %c0_i32_1 = arith.constant 0 : i32
    return %arg0, %c0_i32, %arg1, %c0_i32_0 : i32, i32, i32, i32
  }
  func.func @transform_1(%arg0: i32, %arg1: i32) -> (i32, i32) {
    %c0_i32 = arith.constant 0 : i32
    %c0_i32_0 = arith.constant 0 : i32
    %c0_i32_1 = arith.constant 0 : i32
    return %c0_i32, %c0_i32_0 : i32, i32
  }
  func.func @transform_2(%arg0: i32, %arg1: i32) -> (i32, i32) {
    %c0_i32 = arith.constant 0 : i32
    %c0_i32_0 = arith.constant 0 : i32
    %c0_i32_1 = arith.constant 0 : i32
    return %c0_i32, %c0_i32_0 : i32, i32
  }
  func.func @transform_3(%arg0: i32, %arg1: i32) -> (i32, i32, i32) {
    %c0_i32 = arith.constant 0 : i32
    %c0_i32_0 = arith.constant 0 : i32
    return %arg0, %arg1, %c0_i32 : i32, i32, i32
  }
}

</mosaic_0001>

<sc_bundles>
// kernel: kernel.9.cloned.1.call-start
scs
__scs_entry_jumppad:
0x0: {  	(pc) =	sbr.rel $0x88, $3  }
0x1: {  	(tag) =	ssettag $0x0;
	lr =	simm.s32 $0x1  }
0x2: {  	[smem:$0x3F93] =	sst lr;
	_ =	strace $0xD0000000  }
0x3: {  	_ = 	snop  }
0x4: {  	_ = 	snop  }
0x5: {  	_ = 	snop  }
0x6: {  	_ = 	snop  }
0x7: {  	_ = 	snop  }
__scs_overlays_trampoline_lowered:
0x8: {  	[smem:$0x3FA2] =	sst s0  }
0x9: {  	[smem:$0x3FA3] =	sst s1  }
0xa: {  	[smem:$0x3FA4] =	sst s2  }
0xb: {  	[smem:$0x3FA5] =	sst s3  }
0xc: {  	[smem:$0x3FA6] =	sst s4  }
0xd: {  	[smem:$0x3FA7] =	sst s5  }
0xe: {  	[smem:$0x3FA8] =	sst s6  }
0xf: {  	[smem:$0x3FA9] =	sst s7  }
0x10: {  	[smem:$0x3FAA] =	sst s8  }
0x11: {  	[smem:$0x3FAB] =	sst s9;
	s0 =	simm.s32 @!p0 $0x0  }
0x12: {  	s1 =	sld [smem:$0x3F91];
	s0 =	simm.s32 @p0 $0x1  }
0x13: {  	[smem:$0x3FAC] =	sst s0;
	s0 =	simm.s32 @!p1 $0x0  }
0x14: {  	s2 =	sld [smem:$0x3F90];
	s0 =	simm.s32 @p1 $0x1  }
0x15: {  	[smem:$0x3FAD] =	sst s0;
	s0 =	simm.s32 @!p2 $0x0  }
0x16: {  	s3 =	sld [smem:$0x3FDB];
	s0 =	simm.s32 @p2 $0x1  }
0x17: {  	s4 =	simm.s32 $0x1BF5;
	[smem:$0x3FAF] =	sst s0  }
0x18: {  	s0 =	sld [smem:$0x3F92];
	_ =	swait.ge [sflag:s4], $0x0  }
0x19: {  	s7 =	sld [smem:$0x3F93]  }
0x1a: {  	s8 =	sadd.s32 $0xFFFFE003, lr  }
0x1b: {  	s9 =	sadd.s32 $0xFFFFFEF7, lr;
	s5 =	simm.s32 $0xFFFFFFFF;
	p2 =	slt.u32 s8, $0xFFFFF086  }
0x1c: {  	p1 =	slt.u32 s9, $0xF7A;
	s5 =	simm.s32 @!p2 $0x0  }
0x1d: {  	s5 =	simm.s32 @p1 $0x1;
	p0 =	seq.s32 s7, s2  }
0x1e: {  	s7 =	smul.u32 @!p0 $0xF7A, s2;
	p2 =	seq.s32 @!p0 s5, $0x0  }
0x1f: {  	s9 =	smul.u32 $0xF7A, s1;
	s8 =	simm.s32 @!p0 $0x1BF5;
	p2 =	por !p2, p0  }
0x20: {  	[sflag:s8] =	ssyncset.s32 @!p0 $0xFFFFF086;
	s6 =	sadd.s32 @!p0 s3, s7;
	s7 =	simm.s32 @!p0 $0x108  }
0x21: {  	s3 =	sadd.s32 s3, s9;
	s6 =	sadd.s32 @!p0 $0x88, s6;
	s7 =	simm.s32 @p2 $0x1082  }
0x22: {  	[simem:s7], [sflag:s8] =	dma.local @!p0 [hbm:s6], $0xF7A  }
0x23: {  	s9 =	sor.u32 $0xD0000000, s2;
	s6 =	simm.s32 $0x108;
	_ =	swait.ge @!p0 [sflag:s8], $0x0  }
0x24: {  	s3 =	sadd.s32 $0x88, s3;
	s6 =	simm.s32 @!p1 $0x1082;
	[sflag:s4] =	ssyncset.s32 $0xFFFFF086  }
0x25: {  	[simem:s6], [sflag:s4] =	dma.local [hbm:s3], $0xF7A  }
0x26: {  	[smem:$0x3F93] =	sst s1;
	(tag) =	ssettag s2;
	_ =	strace s9  }
0x27: {  	s1 =	sld [smem:$0x3FA3]  }
0x28: {  	s2 =	sld [smem:$0x3FA4]  }
0x29: {  	s4 =	sld [smem:$0x3FA6]  }
0x2a: {  	p0 =	seq.s32 s5, $0x0;
	s5 =	sld [smem:$0x3FA7]  }
0x2b: {  	s6 =	sld [smem:$0x3FA8]  }
0x2c: {  	s7 =	sld [smem:$0x3FA9]  }
0x2d: {  	s3 =	simm.s32 $0x108;
	s8 =	sld [smem:$0x3FAA]  }
0x2e: {  	s3 =	simm.s32 @!p0 $0x1082;
	s9 =	sld [smem:$0x3FAB]  }
0x2f: {  	lr =	sadd.s32 s0, s3;
	s0 =	sld [smem:$0x3FA2]  }
0x30: {  	s3 =	sld [smem:$0x3FA5]  }
0x31: {  	[smem:$0x3FAE] =	sst s10  }
0x32: {  	s10 =	sld [smem:$0x3FAC];
	_ =	sdelay $0x3  }
0x33: {  	p0 =	seq.s32 s10, $0x1;
	s10 =	sld [smem:$0x3FAE];
	_ =	sdelay $0x3  }
0x34: {  	[smem:$0x3FAE] =	sst s10  }
0x35: {  	s10 =	sld [smem:$0x3FAD];
	_ =	sdelay $0x3  }
0x36: {  	p1 =	seq.s32 s10, $0x1;
	s10 =	sld [smem:$0x3FAE];
	_ =	sdelay $0x3  }
0x37: {  	[smem:$0x3FAE] =	sst s10  }
0x38: {  	s10 =	sld [smem:$0x3FAF]  }
0x39: {  	_ = 	snop;
	(pc) =	sbr.ind lr, $3  }
0x3a: {  	_ = 	snop  }
0x3b: {  	_ = 	snop  }
0x3c: {  	p2 =	seq.s32 s10, $0x1;
	s10 =	sld [smem:$0x3FAE]  }
0x3d: {  	_ =	shalt  }
0x3e: {  	_ =	shalt  }
0x3f: {  	_ =	shalt  }
0x40: {  	_ =	shalt  }
0x41: {  	_ =	shalt  }
0x42: {  	_ =	shalt  }
0x43: {  	_ =	shalt  }
0x44: {  	_ =	shalt  }
0x45: {  	_ =	shalt  }
0x46: {  	_ =	shalt  }
0x47: {  	_ =	shalt  }
0x48: {  	_ =	shalt  }
0x49: {  	_ =	shalt  }
0x4a: {  	_ =	shalt  }
0x4b: {  	_ =	shalt  }
0x4c: {  	_ =	shalt  }
0x4d: {  	_ =	shalt  }
0x4e: {  	_ =	shalt  }
0x4f: {  	_ =	shalt  }
0x50: {  	_ =	shalt  }
0x51: {  	_ =	shalt  }
0x52: {  	_ =	shalt  }
0x53: {  	_ =	shalt  }
0x54: {  	_ =	shalt  }
0x55: {  	_ =	shalt  }
0x56: {  	_ =	shalt  }
0x57: {  	_ =	shalt  }
0x58: {  	_ =	shalt  }
0x59: {  	_ =	shalt  }
0x5a: {  	_ =	shalt  }
0x5b: {  	_ =	shalt  }
0x5c: {  	_ =	shalt  }
0x5d: {  	_ =	shalt  }
0x5e: {  	_ =	shalt  }
0x5f: {  	_ =	shalt  }
0x60: {  	_ =	shalt  }
0x61: {  	_ =	shalt  }
0x62: {  	_ =	shalt  }
0x63: {  	_ =	shalt  }
0x64: {  	_ =	shalt  }
0x65: {  	_ =	shalt  }
0x66: {  	_ =	shalt  }
0x67: {  	_ =	shalt  }
0x68: {  	_ =	shalt  }
0x69: {  	_ =	shalt  }
0x6a: {  	_ =	shalt  }
0x6b: {  	_ =	shalt  }
0x6c: {  	_ =	shalt  }
0x6d: {  	_ =	shalt  }
0x6e: {  	_ =	shalt  }
0x6f: {  	_ =	shalt  }
0x70: {  	_ =	shalt  }
0x71: {  	_ =	shalt  }
0x72: {  	_ =	shalt  }
0x73: {  	_ =	shalt  }
0x74: {  	_ =	shalt  }
0x75: {  	_ =	shalt  }
0x76: {  	_ =	shalt  }
0x77: {  	_ =	shalt  }
0x78: {  	_ =	shalt  }
0x79: {  	_ =	shalt  }
0x7a: {  	_ =	shalt  }
0x7b: {  	_ =	shalt  }
0x7c: {  	_ =	shalt  }
0x7d: {  	_ =	shalt  }
0x7e: {  	_ =	shalt  }
0x7f: {  	_ =	shalt  }
0x80: {  	_ =	shalt  }
0x81: {  	_ =	shalt  }
0x82: {  	_ =	shalt  }
0x83: {  	_ =	shalt  }
0x84: {  	_ =	shalt  }
0x85: {  	_ =	shalt  }
0x86: {  	_ =	shalt  }
0x87: {  	_ =	shalt  }
.Lfunc_end0:
.L_simem_size_0:
called_computation_lowered:
.L_overlay_start_0:
0x88: {  	s2 =	sld [smem:$0x3FD9]  }
0x89: {  	s3 =	sld [smem:$0x3FFE];
	_ =	sdelay $0x1  }
0x8a: {  	s1 =	srdreg.scid  }
0x8b: {  	s0 =	sand.u32 $0x1, s1  }
0x8c: {  	s14 =	sshll.u32 s0, $0xA;
	s2 =	sadd.s32 s3, s2  }
0x8d: {  	s2 =	sadd.s32 s2, s14  }
0x8e: {  	[smem:$0x3FBA] =	sst s2  }
0x8f: {  	_ = 	snop  }
0x90: {  	s2 =	sld [smem:$0x3FD0];
	_ =	sdelay $0x2  }
0x91: {  	s15 =	simm.s32 $0xA;
	s4 =	simm.s32 $0x10  }
0x92: {  	[smem:s4], [sflag:s15] =	dma.local [hbm:s2], $0x1  }
0x93: {  	_ =	swait.eq [sflag:s15], $0x1  }
0x94: {  	[sflag:s15] =	ssyncset.done $0x0  }
0x95: {  	[sflag:s15] =	ssyncadd.s32 $0xFFFFFFFF  }
0x96: {  	s16 =	sld [smem:$0x11];
	(tm) =	ssettm $0x1  }
0x97: {  	s17 =	sld [smem:$0x3FFB];
	_ =	sdelay $0x3  }
0x98: {  	_ =	strace s17  }
0x99: {  	s3 =	sld [smem:$0x3FFC];
	_ =	sdelay $0x3  }
0x9a: {  	_ =	strace s3  }
0x9b: {  	s3 =	sld [smem:$0x3FFD];
	_ =	sdelay $0x3  }
0x9c: {  	_ =	strace s3  }
0x9d: {  	_ =	strace $0x8FFFFFFF  }
0x9e: {  	s18 =	sld [smem:$0x3FDB];
	_ =	sdelay $0x1  }
0x9f: {  	s19 =	simm.s32 $_scs_section_size  }
0xa0: {  	s5 =	simm.s32 $_size__tile_overlayer_lowered;
	s6 =	simm.s32 $_tile_overlayer_lowered  }
0xa1: {  	s22 =	simm.s32 $0x1BFF;
	s21 =	sshll.u32 s6, $0x1;
	s3 =	sadd.s32 s19, s18  }
0xa2: {  	s7 =	simm.s32 $0x0;
	s20 =	sshll.u32 s5, $0x1;
	s5 =	sadd.s32 s21, s3  }
0xa3: {  	[timem:s7], [sflag:s22] =	dma.local [hbm:s5], s20  }
0xa4: {  	_ =	swait.ge [sflag:s22], s20  }
0xa5: {  	s4 =	ssub.s32 $0x0, s20;
	[sflag:s22] =	ssyncset.done $0x0  }
0xa6: {  	[sflag:s22] =	ssyncadd.s32 s4;
	_ =	sdelay $0x1  }
0xa7: {  	s23 =	simm.s32 $0x1B8B  }
0xa8: {  	_ =	swait.ge [sflag:s23], $0x1  }
0xa9: {  	[sflag:s23] =	ssyncset.done $0x0  }
0xaa: {  	s25 =	simm.s32 $0x1B8E;
	s24 =	sld [smem:$0x3FFE];
	[sflag:s23] =	ssyncadd.s32 $0xFFFFFFFF  }
0xab: {  	s26 =	simm.s32 $execute0_lowered;
	[smem:$0x3FD2] =	sst s25  }
0xac: {  	s5 =	sshll.u32 s26, $0x1;
	_ =	strace $0x80000046;
	[dreg:$0x1] =	wrdreg $0xFFFFFFFF  }
0xad: {  	s28 =	simm.s32 $_size_execute0_lowered;
	s3 =	sadd.s32 s3, s5;
	[dreg:$0x0] =	wrdreg $0x0  }
0xae: {  	s5 =	sshll.u32 s28, $0x1;
	[dreg:$0x2] =	wrdreg s3  }
0xaf: {  	[dreg:$0x3] =	wrdreg s5  }
0xb0: {  	[dreg:$0x4] =	wrdreg $0xC0  }
0xb1: {  	_ =	task [dreg:s7], $0x5FFFF  }
0xb2: {  	[dreg:$0x1] =	wrdreg $0xFFFFFFFF  }
0xb3: {  	[dreg:$0x0] =	wrdreg $0x60  }
0xb4: {  	[dreg:$0x2] =	wrdreg s24  }
0xb5: {  	[dreg:$0x3] =	wrdreg s16  }
0xb6: {  	[dreg:$0x4] =	wrdreg $0x9  }
0xb7: {  	_ =	task.clear_ibuf [dreg:s7], $0x5FFFF;
	_ =	strace $0x90000046  }
0xb8: {  	s29 =	simm.s32 $0x9;
	_ =	strace $0x80000048  }
0xb9: {  	_ =	swait.ge [sflag:s29], $0x1  }
0xba: {  	[sflag:s29] =	ssyncadd.s32 $0xFFFFFFFF  }
0xbb: {  	_ =	strace $0x90000048  }
0xbc: {  	_ =	sfence  }
0xbd: {  	s30 =	sld [smem:$0x0];
	_ =	sdelay $0x2  }
0xbe: {  	s31 =	sshll.u32 s1, $0xD;
	s1 =	sshrl.u32 s1, $0x2  }
0xbf: {  	s3 =	sand.u32 $0x4000, s31;
	s1 =	sadd.s32 s1, s30  }
0xc0: {  	s0 =	sor.u32 s3, s0;
	s1 =	sshll.u32 s1, $0x11  }
0xc1: {  	s0 =	sor.u32 s1, s0  }
0xc2: {  	s0 =	sadd.s32 $0x8F2B, s0  }
0xc3: {  	[sflag:s0] =	ssyncadd.remote.s32 $0x1  }
0xc4: {  	_ =	sfence.sel $0xFFFF  }
0xc5: {  	[dreg:$0x0] =	wrdreg $0xFFFFFFFF;
	(pc) =	sbr.abs _section_cstart, $3  }
0xc6: {  	[dreg:$0x1] =	wrdreg $0xFFFFFFFF  }
0xc7: {  	_ =	task.clear_ibuf [dreg:s7], $0x2FFFF;
	_ =	strace $0x9FFFFFFF  }
0xc8: {  	(tm) =	ssettm $0x7FFFFFFF  }
0xc9: {  	_ =	shalt  }
tec
execute0_lowered:
.L_overlay_start_1:
0x0: {  	(tag) =	ssettag $0x1  }
0x1: {  	s4 =	rddreg [dreg:$0x0]  }
0x2: {  	s30 =	rddreg [dreg:$0x1];
	s0 =	srdreg.scid;
	s2 =	simm.s32 $0x0  }
0x3: {  	s1 =	stileid.u32;
	s3 =	sand.u32 $0x1, s0;
	[smem:$0x7FF] =	sst s2  }
0x4: {  	s5 =	sshll.u32 s1, $0xE;
	[dreg:$0xb] =	wrdreg s3;
	s6 =	sshll.u32 s3, $0xD  }
0x5: {  	s0 =	sadd.s32 $0xC1C00, s4;
	s1 =	sor.u32 s6, s5;
	_ =	strace $0x80000047  }
0x6: {  	[dreg:$0xc] =	wrdreg s0;
	s7 =	sshrl.u32 s1, $0x3;
	s5 =	sshll.u32 s1, $0x4  }
0x7: {  	s9 =	sor.u32 $0x200, s1;
	s6 =	sor.u32 $0x400, s1;
	s3 =	sadd.s32 s30, s7  }
0x8: {  	s8 =	sadd.s32 s0, s5;
	s10 =	sshrl.u32 s9, $0x3;
	[dreg:$0x3] =	wrdreg s3  }
0x9: {  	s5 =	sshll.u32 s9, $0x4;
	[dreg:$0x4] =	wrdreg s8;
	s3 =	sadd.s32 s30, s10  }
0xa: {  	s12 =	sshrl.u32 s6, $0x3;
	s11 =	sadd.s32 s0, s5;
	[dreg:$0x5] =	wrdreg s3  }
0xb: {  	s14 =	sshll.u32 s6, $0x4;
	s13 =	sadd.s32 s30, s12;
	[dreg:$0x6] =	wrdreg s11  }
0xc: {  	s16 =	sor.u32 $0x600, s1;
	s15 =	sadd.s32 s0, s14;
	[dreg:$0x7] =	wrdreg s13  }
0xd: {  	s17 =	sshrl.u32 s16, $0x3;
	[dreg:$0x8] =	wrdreg s15  }
0xe: {  	s5 =	sshll.u32 s16, $0x4;
	s3 =	sadd.s32 s30, s17;
	s18 =	rddreg [dreg:$0x3]  }
0xf: {  	s19 =	sadd.s32 s0, s5;
	[dreg:$0x9] =	wrdreg s3  }
0x10: {  	[dreg:$0xa] =	wrdreg s19;
	s3 =	simm.s32 $0x2  }
0x11: {  	[tilespmem:s2], [sflag:$0x2] =	stream.linear.gather [hbm4b:s18+s2], $0x200, $0x38;
	[tilespmem:$0x10200] =	vst v63  }
0x12: {  	_ =	swait.ge [sflag:s3], $0x200  }
0x13: {  	s4 =	sadd.s32 $0x41C00, s4;
	[sflag:s3] =	ssyncset.done $0x0  }
0x14: {  	s6 =	simm.s32 $0x1;
	s5 =	simm.s32 $0x200;
	[sflag:s3] =	ssyncadd.s32 $0xFFFFFE00  }
0x15: {  	[tilespmem:s5], [sflag:$0x1] =	stream.indirect.gather [hbm4b:s4+s5], $0x80, s2, s5, $0xb8;
	[tilespmem:$0x10200] =	vst v63  }
0x16: {  	_ =	swait.ge [sflag:s6], $0x10000  }
0x17: {  	[sflag:s6] =	ssyncset.done $0x0  }
0x18: {  	s7 =	rddreg [dreg:$0x4];
	[sflag:s6] =	ssyncadd.s32 $0xFFFF0000  }
0x19: {  	[hbm4b:s7+s2] =	stream.linear.scatter [tilespmem:s5], [sflag:$0x2], $0x10000, $0x38;
	[tilespmem:$0x10200] =	vst v63  }
0x1a: {  	_ =	swait.ge [sflag:s3], $0x10000  }
0x1b: {  	[sflag:s3] =	ssyncset.done $0x0  }
0x1c: {  	s20 =	rddreg [dreg:$0x5];
	[sflag:s3] =	ssyncadd.s32 $0xFFFF0000  }
0x1d: {  	[tilespmem:s2], [sflag:$0x2] =	stream.linear.gather [hbm4b:s20+s2], $0x200, $0x38;
	[tilespmem:$0x10200] =	vst v63  }
0x1e: {  	_ =	swait.ge [sflag:s3], $0x200  }
0x1f: {  	[sflag:s3] =	ssyncset.done $0x0  }
0x20: {  	[sflag:s3] =	ssyncadd.s32 $0xFFFFFE00  }
0x21: {  	[tilespmem:s5], [sflag:$0x1] =	stream.indirect.gather [hbm4b:s4+s5], $0x80, s2, s5, $0xb8;
	[tilespmem:$0x10200] =	vst v63  }
0x22: {  	_ =	swait.ge [sflag:s6], $0x10000  }
0x23: {  	[sflag:s6] =	ssyncset.done $0x0  }
0x24: {  	s21 =	rddreg [dreg:$0x6];
	[sflag:s6] =	ssyncadd.s32 $0xFFFF0000  }
0x25: {  	[hbm4b:s21+s2] =	stream.linear.scatter [tilespmem:s5], [sflag:$0x2], $0x10000, $0x38;
	[tilespmem:$0x10200] =	vst v63  }
0x26: {  	_ =	swait.ge [sflag:s3], $0x10000  }
0x27: {  	[sflag:s3] =	ssyncset.done $0x0  }
0x28: {  	s22 =	rddreg [dreg:$0x7];
	[sflag:s3] =	ssyncadd.s32 $0xFFFF0000  }
0x29: {  	[tilespmem:s2], [sflag:$0x2] =	stream.linear.gather [hbm4b:s22+s2], $0x200, $0x38;
	[tilespmem:$0x10200] =	vst v63  }
0x2a: {  	_ =	swait.ge [sflag:s3], $0x200  }
0x2b: {  	[sflag:s3] =	ssyncset.done $0x0  }
0x2c: {  	[sflag:s3] =	ssyncadd.s32 $0xFFFFFE00  }
0x2d: {  	[tilespmem:s5], [sflag:$0x1] =	stream.indirect.gather [hbm4b:s4+s5], $0x80, s2, s5, $0xb8;
	[tilespmem:$0x10200] =	vst v63  }
0x2e: {  	_ =	swait.ge [sflag:s6], $0x10000  }
0x2f: {  	[sflag:s6] =	ssyncset.done $0x0  }
0x30: {  	s23 =	rddreg [dreg:$0x8];
	[sflag:s6] =	ssyncadd.s32 $0xFFFF0000  }
0x31: {  	[hbm4b:s23+s2] =	stream.linear.scatter [tilespmem:s5], [sflag:$0x2], $0x10000, $0x38;
	[tilespmem:$0x10200] =	vst v63  }
0x32: {  	_ =	swait.ge [sflag:s3], $0x10000  }
0x33: {  	[sflag:s3] =	ssyncset.done $0x0  }
0x34: {  	s24 =	rddreg [dreg:$0x9];
	[sflag:s3] =	ssyncadd.s32 $0xFFFF0000  }
0x35: {  	[tilespmem:s2], [sflag:$0x2] =	stream.linear.gather [hbm4b:s24+s2], $0x200, $0x38;
	[tilespmem:$0x10200] =	vst v63  }
0x36: {  	_ =	swait.ge [sflag:s3], $0x200  }
0x37: {  	[sflag:s3] =	ssyncset.done $0x0  }
0x38: {  	[sflag:s3] =	ssyncadd.s32 $0xFFFFFE00  }
0x39: {  	[tilespmem:s5], [sflag:$0x1] =	stream.indirect.gather [hbm4b:s4+s5], $0x80, s2, s5, $0xb8;
	[tilespmem:$0x10200] =	vst v63  }
0x3a: {  	_ =	swait.ge [sflag:s6], $0x10000  }
0x3b: {  	[sflag:s6] =	ssyncset.done $0x0  }
0x3c: {  	s25 =	rddreg [dreg:$0xa];
	[sflag:s6] =	ssyncadd.s32 $0xFFFF0000  }
0x3d: {  	[hbm4b:s25+s2] =	stream.linear.scatter [tilespmem:s5], [sflag:$0x2], $0x10000, $0x38;
	[tilespmem:$0x10200] =	vst v63  }
0x3e: {  	s8 =	sor.u32 $0x800, s1;
	_ =	swait.ge [sflag:s3], $0x10000  }
0x3f: {  	s26 =	sshrl.u32 s8, $0x3;
	[sflag:s3] =	ssyncset.done $0x0  }
0x40: {  	s7 =	sadd.s32 s30, s26;
	[sflag:s3] =	ssyncadd.s32 $0xFFFF0000  }
0x41: {  	[tilespmem:s2], [sflag:$0x2] =	stream.linear.gather [hbm4b:s7+s2], $0x200, $0x38;
	[tilespmem:$0x10200] =	vst v63  }
0x42: {  	_ =	swait.ge [sflag:s3], $0x200  }
0x43: {  	[sflag:s3] =	ssyncset.done $0x0  }
0x44: {  	[sflag:s3] =	ssyncadd.s32 $0xFFFFFE00  }
0x45: {  	[tilespmem:s5], [sflag:$0x1] =	stream.indirect.gather [hbm4b:s4+s5], $0x80, s2, s5, $0xb8;
	[tilespmem:$0x10200] =	vst v63  }
0x46: {  	_ =	swait.ge [sflag:s6], $0x10000  }
0x47: {  	s8 =	sshll.u32 s8, $0x4;
	[sflag:s6] =	ssyncset.done $0x0  }
0x48: {  	s8 =	sadd.s32 s0, s8;
	[sflag:s6] =	ssyncadd.s32 $0xFFFF0000  }
0x49: {  	[hbm4b:s8+s2] =	stream.linear.scatter [tilespmem:s5], [sflag:$0x2], $0x10000, $0x38;
	[tilespmem:$0x10200] =	vst v63  }
0x4a: {  	s10 =	sor.u32 $0xA00, s1;
	_ =	swait.ge [sflag:s3], $0x10000  }
0x4b: {  	s9 =	sshrl.u32 s10, $0x3;
	[sflag:s3] =	ssyncset.done $0x0  }
0x4c: {  	s9 =	sadd.s32 s30, s9;
	[sflag:s3] =	ssyncadd.s32 $0xFFFF0000  }
0x4d: {  	[tilespmem:s2], [sflag:$0x2] =	stream.linear.gather [hbm4b:s9+s2], $0x200, $0x38;
	[tilespmem:$0x10200] =	vst v63  }
0x4e: {  	_ =	swait.ge [sflag:s3], $0x200  }
0x4f: {  	[sflag:s3] =	ssyncset.done $0x0  }
0x50: {  	[sflag:s3] =	ssyncadd.s32 $0xFFFFFE00  }
0x51: {  	[tilespmem:s5], [sflag:$0x1] =	stream.indirect.gather [hbm4b:s4+s5], $0x80, s2, s5, $0xb8;
	[tilespmem:$0x10200] =	vst v63  }
0x52: {  	_ =	swait.ge [sflag:s6], $0x10000  }
0x53: {  	s10 =	sshll.u32 s10, $0x4;
	[sflag:s6] =	ssyncset.done $0x0  }
0x54: {  	s10 =	sadd.s32 s0, s10;
	[sflag:s6] =	ssyncadd.s32 $0xFFFF0000  }
0x55: {  	[hbm4b:s10+s2] =	stream.linear.scatter [tilespmem:s5], [sflag:$0x2], $0x10000, $0x38;
	[tilespmem:$0x10200] =	vst v63  }
0x56: {  	s12 =	sor.u32 $0xC00, s1;
	_ =	swait.ge [sflag:s3], $0x10000  }
0x57: {  	s11 =	sshrl.u32 s12, $0x3;
	[sflag:s3] =	ssyncset.done $0x0  }
0x58: {  	s11 =	sadd.s32 s30, s11;
	[sflag:s3] =	ssyncadd.s32 $0xFFFF0000  }
0x59: {  	[tilespmem:s2], [sflag:$0x2] =	stream.linear.gather [hbm4b:s11+s2], $0x200, $0x38;
	[tilespmem:$0x10200] =	vst v63  }
0x5a: {  	_ =	swait.ge [sflag:s3], $0x200  }
0x5b: {  	[sflag:s3] =	ssyncset.done $0x0  }
0x5c: {  	[sflag:s3] =	ssyncadd.s32 $0xFFFFFE00  }
0x5d: {  	[tilespmem:s5], [sflag:$0x1] =	stream.indirect.gather [hbm4b:s4+s5], $0x80, s2, s5, $0xb8;
	[tilespmem:$0x10200] =	vst v63  }
0x5e: {  	_ =	swait.ge [sflag:s6], $0x10000  }
0x5f: {  	s12 =	sshll.u32 s12, $0x4;
	[sflag:s6] =	ssyncset.done $0x0  }
0x60: {  	s12 =	sadd.s32 s0, s12;
	[sflag:s6] =	ssyncadd.s32 $0xFFFF0000  }
0x61: {  	[hbm4b:s12+s2] =	stream.linear.scatter [tilespmem:s5], [sflag:$0x2], $0x10000, $0x38;
	[tilespmem:$0x10200] =	vst v63  }
0x62: {  	s14 =	sor.u32 $0xE00, s1;
	_ =	swait.ge [sflag:s3], $0x10000  }
0x63: {  	s13 =	sshrl.u32 s14, $0x3;
	[sflag:s3] =	ssyncset.done $0x0  }
0x64: {  	s13 =	sadd.s32 s30, s13;
	[sflag:s3] =	ssyncadd.s32 $0xFFFF0000  }
0x65: {  	[tilespmem:s2], [sflag:$0x2] =	stream.linear.gather [hbm4b:s13+s2], $0x200, $0x38;
	[tilespmem:$0x10200] =	vst v63  }
0x66: {  	_ =	swait.ge [sflag:s3], $0x200  }
0x67: {  	[sflag:s3] =	ssyncset.done $0x0  }
0x68: {  	[sflag:s3] =	ssyncadd.s32 $0xFFFFFE00  }
0x69: {  	[tilespmem:s5], [sflag:$0x1] =	stream.indirect.gather [hbm4b:s4+s5], $0x80, s2, s5, $0xb8;
	[tilespmem:$0x10200] =	vst v63  }
0x6a: {  	_ =	swait.ge [sflag:s6], $0x10000  }
0x6b: {  	s14 =	sshll.u32 s14, $0x4;
	[sflag:s6] =	ssyncset.done $0x0  }
0x6c: {  	s14 =	sadd.s32 s0, s14;
	[sflag:s6] =	ssyncadd.s32 $0xFFFF0000  }
0x6d: {  	[hbm4b:s14+s2] =	stream.linear.scatter [tilespmem:s5], [sflag:$0x2], $0x10000, $0x38;
	[tilespmem:$0x10200] =	vst v63  }
0x6e: {  	s16 =	sor.u32 $0x1000, s1;
	_ =	swait.ge [sflag:s3], $0x10000  }
0x6f: {  	s15 =	sshrl.u32 s16, $0x3;
	[sflag:s3] =	ssyncset.done $0x0  }
0x70: {  	s15 =	sadd.s32 s30, s15;
	[sflag:s3] =	ssyncadd.s32 $0xFFFF0000  }
0x71: {  	[tilespmem:s2], [sflag:$0x2] =	stream.linear.gather [hbm4b:s15+s2], $0x200, $0x38;
	[tilespmem:$0x10200] =	vst v63  }
0x72: {  	_ =	swait.ge [sflag:s3], $0x200  }
0x73: {  	[sflag:s3] =	ssyncset.done $0x0  }
0x74: {  	[sflag:s3] =	ssyncadd.s32 $0xFFFFFE00  }
0x75: {  	[tilespmem:s5], [sflag:$0x1] =	stream.indirect.gather [hbm4b:s4+s5], $0x80, s2, s5, $0xb8;
	[tilespmem:$0x10200] =	vst v63  }
0x76: {  	_ =	swait.ge [sflag:s6], $0x10000  }
0x77: {  	s16 =	sshll.u32 s16, $0x4;
	[sflag:s6] =	ssyncset.done $0x0  }
0x78: {  	s16 =	sadd.s32 s0, s16;
	[sflag:s6] =	ssyncadd.s32 $0xFFFF0000  }
0x79: {  	[hbm4b:s16+s2] =	stream.linear.scatter [tilespmem:s5], [sflag:$0x2], $0x10000, $0x38;
	[tilespmem:$0x10200] =	vst v63  }
0x7a: {  	s18 =	sor.u32 $0x1200, s1;
	_ =	swait.ge [sflag:s3], $0x10000  }
0x7b: {  	s17 =	sshrl.u32 s18, $0x3;
	[sflag:s3] =	ssyncset.done $0x0  }
0x7c: {  	s17 =	sadd.s32 s30, s17;
	[sflag:s3] =	ssyncadd.s32 $0xFFFF0000  }
0x7d: {  	[tilespmem:s2], [sflag:$0x2] =	stream.linear.gather [hbm4b:s17+s2], $0x200, $0x38;
	[tilespmem:$0x10200] =	vst v63  }
0x7e: {  	_ =	swait.ge [sflag:s3], $0x200  }
0x7f: {  	[sflag:s3] =	ssyncset.done $0x0  }
0x80: {  	[sflag:s3] =	ssyncadd.s32 $0xFFFFFE00  }
0x81: {  	[tilespmem:s5], [sflag:$0x1] =	stream.indirect.gather [hbm4b:s4+s5], $0x80, s2, s5, $0xb8;
	[tilespmem:$0x10200] =	vst v63  }
0x82: {  	_ =	swait.ge [sflag:s6], $0x10000  }
0x83: {  	s18 =	sshll.u32 s18, $0x4;
	[sflag:s6] =	ssyncset.done $0x0  }
0x84: {  	s18 =	sadd.s32 s0, s18;
	[sflag:s6] =	ssyncadd.s32 $0xFFFF0000  }
0x85: {  	[hbm4b:s18+s2] =	stream.linear.scatter [tilespmem:s5], [sflag:$0x2], $0x10000, $0x38;
	[tilespmem:$0x10200] =	vst v63  }
0x86: {  	s20 =	sor.u32 $0x1400, s1;
	_ =	swait.ge [sflag:s3], $0x10000  }
0x87: {  	s19 =	sshrl.u32 s20, $0x3;
	[sflag:s3] =	ssyncset.done $0x0  }
0x88: {  	s19 =	sadd.s32 s30, s19;
	[sflag:s3] =	ssyncadd.s32 $0xFFFF0000  }
0x89: {  	[tilespmem:s2], [sflag:$0x2] =	stream.linear.gather [hbm4b:s19+s2], $0x200, $0x38;
	[tilespmem:$0x10200] =	vst v63  }
0x8a: {  	_ =	swait.ge [sflag:s3], $0x200  }
0x8b: {  	[sflag:s3] =	ssyncset.done $0x0  }
0x8c: {  	[sflag:s3] =	ssyncadd.s32 $0xFFFFFE00  }
0x8d: {  	[tilespmem:s5], [sflag:$0x1] =	stream.indirect.gather [hbm4b:s4+s5], $0x80, s2, s5, $0xb8;
	[tilespmem:$0x10200] =	vst v63  }
0x8e: {  	_ =	swait.ge [sflag:s6], $0x10000  }
0x8f: {  	s20 =	sshll.u32 s20, $0x4;
	[sflag:s6] =	ssyncset.done $0x0  }
0x90: {  	s20 =	sadd.s32 s0, s20;
	[sflag:s6] =	ssyncadd.s32 $0xFFFF0000  }
0x91: {  	[hbm4b:s20+s2] =	stream.linear.scatter [tilespmem:s5], [sflag:$0x2], $0x10000, $0x38;
	[tilespmem:$0x10200] =	vst v63  }
0x92: {  	s22 =	sor.u32 $0x1600, s1;
	_ =	swait.ge [sflag:s3], $0x10000  }
0x93: {  	s21 =	sshrl.u32 s22, $0x3;
	[sflag:s3] =	ssyncset.done $0x0  }
0x94: {  	s21 =	sadd.s32 s30, s21;
	[sflag:s3] =	ssyncadd.s32 $0xFFFF0000  }
0x95: {  	[tilespmem:s2], [sflag:$0x2] =	stream.linear.gather [hbm4b:s21+s2], $0x200, $0x38;
	[tilespmem:$0x10200] =	vst v63  }
0x96: {  	_ =	swait.ge [sflag:s3], $0x200  }
0x97: {  	[sflag:s3] =	ssyncset.done $0x0  }
0x98: {  	[sflag:s3] =	ssyncadd.s32 $0xFFFFFE00  }
0x99: {  	[tilespmem:s5], [sflag:$0x1] =	stream.indirect.gather [hbm4b:s4+s5], $0x80, s2, s5, $0xb8;
	[tilespmem:$0x10200] =	vst v63  }
0x9a: {  	_ =	swait.ge [sflag:s6], $0x10000  }
0x9b: {  	s22 =	sshll.u32 s22, $0x4;
	[sflag:s6] =	ssyncset.done $0x0  }
0x9c: {  	s22 =	sadd.s32 s0, s22;
	[sflag:s6] =	ssyncadd.s32 $0xFFFF0000  }
0x9d: {  	[hbm4b:s22+s2] =	stream.linear.scatter [tilespmem:s5], [sflag:$0x2], $0x10000, $0x38;
	[tilespmem:$0x10200] =	vst v63  }
0x9e: {  	s24 =	sor.u32 $0x1800, s1;
	_ =	swait.ge [sflag:s3], $0x10000  }
0x9f: {  	s23 =	sshrl.u32 s24, $0x3;
	[sflag:s3] =	ssyncset.done $0x0  }
0xa0: {  	s23 =	sadd.s32 s30, s23;
	[sflag:s3] =	ssyncadd.s32 $0xFFFF0000  }
0xa1: {  	[tilespmem:s2], [sflag:$0x2] =	stream.linear.gather [hbm4b:s23+s2], $0x200, $0x38;
	[tilespmem:$0x10200] =	vst v63  }
0xa2: {  	_ =	swait.ge [sflag:s3], $0x200  }
0xa3: {  	[sflag:s3] =	ssyncset.done $0x0  }
0xa4: {  	[sflag:s3] =	ssyncadd.s32 $0xFFFFFE00  }
0xa5: {  	[tilespmem:s5], [sflag:$0x1] =	stream.indirect.gather [hbm4b:s4+s5], $0x80, s2, s5, $0xb8;
	[tilespmem:$0x10200] =	vst v63  }
0xa6: {  	_ =	swait.ge [sflag:s6], $0x10000  }
0xa7: {  	s24 =	sshll.u32 s24, $0x4;
	[sflag:s6] =	ssyncset.done $0x0  }
0xa8: {  	s24 =	sadd.s32 s0, s24;
	[sflag:s6] =	ssyncadd.s32 $0xFFFF0000  }
0xa9: {  	[hbm4b:s24+s2] =	stream.linear.scatter [tilespmem:s5], [sflag:$0x2], $0x10000, $0x38;
	[tilespmem:$0x10200] =	vst v63  }
0xaa: {  	s26 =	sor.u32 $0x1A00, s1;
	_ =	swait.ge [sflag:s3], $0x10000  }
0xab: {  	s25 =	sshrl.u32 s26, $0x3;
	[sflag:s3] =	ssyncset.done $0x0  }
0xac: {  	s25 =	sadd.s32 s30, s25;
	[sflag:s3] =	ssyncadd.s32 $0xFFFF0000  }
0xad: {  	[tilespmem:s2], [sflag:$0x2] =	stream.linear.gather [hbm4b:s25+s2], $0x200, $0x38;
	[tilespmem:$0x10200] =	vst v63  }
0xae: {  	_ =	swait.ge [sflag:s3], $0x200  }
0xaf: {  	[sflag:s3] =	ssyncset.done $0x0  }
0xb0: {  	[sflag:s3] =	ssyncadd.s32 $0xFFFFFE00  }
0xb1: {  	[tilespmem:s5], [sflag:$0x1] =	stream.indirect.gather [hbm4b:s4+s5], $0x80, s2, s5, $0xb8;
	[tilespmem:$0x10200] =	vst v63  }
0xb2: {  	_ =	swait.ge [sflag:s6], $0x10000  }
0xb3: {  	s26 =	sshll.u32 s26, $0x4;
	[sflag:s6] =	ssyncset.done $0x0  }
0xb4: {  	s26 =	sadd.s32 s0, s26;
	[sflag:s6] =	ssyncadd.s32 $0xFFFF0000  }
0xb5: {  	[hbm4b:s26+s2] =	stream.linear.scatter [tilespmem:s5], [sflag:$0x2], $0x10000, $0x38;
	[tilespmem:$0x10200] =	vst v63  }
0xb6: {  	s29 =	sor.u32 $0x1C00, s1;
	_ =	swait.ge [sflag:s3], $0x10000  }
0xb7: {  	s28 =	sshrl.u32 s29, $0x3;
	[sflag:s3] =	ssyncset.done $0x0  }
0xb8: {  	s28 =	sadd.s32 s30, s28;
	[sflag:s3] =	ssyncadd.s32 $0xFFFF0000  }
0xb9: {  	[tilespmem:s2], [sflag:$0x2] =	stream.linear.gather [hbm4b:s28+s2], $0x200, $0x38;
	[tilespmem:$0x10200] =	vst v63  }
0xba: {  	_ =	swait.ge [sflag:s3], $0x200  }
0xbb: {  	[sflag:s3] =	ssyncset.done $0x0  }
0xbc: {  	[sflag:s3] =	ssyncadd.s32 $0xFFFFFE00  }
0xbd: {  	[tilespmem:s5], [sflag:$0x1] =	stream.indirect.gather [hbm4b:s4+s5], $0x80, s2, s5, $0xb8;
	[tilespmem:$0x10200] =	vst v63  }
0xbe: {  	_ =	swait.ge [sflag:s6], $0x10000  }
0xbf: {  	s29 =	sshll.u32 s29, $0x4;
	[sflag:s6] =	ssyncset.done $0x0  }
0xc0: {  	s29 =	sadd.s32 s0, s29;
	[sflag:s6] =	ssyncadd.s32 $0xFFFF0000  }
0xc1: {  	[hbm4b:s29+s2] =	stream.linear.scatter [tilespmem:s5], [sflag:$0x2], $0x10000, $0x38;
	[tilespmem:$0x10200] =	vst v63  }
0xc2: {  	s1 =	sor.u32 $0x1E00, s1;
	_ =	swait.ge [sflag:s3], $0x10000  }
0xc3: {  	s31 =	sshrl.u32 s1, $0x3;
	[sflag:s3] =	ssyncset.done $0x0  }
0xc4: {  	s30 =	sadd.s32 s30, s31;
	[sflag:s3] =	ssyncadd.s32 $0xFFFF0000  }
0xc5: {  	[tilespmem:s2], [sflag:$0x2] =	stream.linear.gather [hbm4b:s30+s2], $0x200, $0x38;
	[tilespmem:$0x10200] =	vst v63  }
0xc6: {  	_ =	swait.ge [sflag:s3], $0x200  }
0xc7: {  	[sflag:s3] =	ssyncset.done $0x0;
	s0 =	rddreg [dreg:$0xb]  }
0xc8: {  	s31 =	ssub.s32 $0x2, s0;
	[sflag:s3] =	ssyncadd.s32 $0xFFFFFE00  }
0xc9: {  	[tilespmem:s5], [sflag:$0x1] =	stream.indirect.gather [hbm4b:s4+s5], $0x80, s2, s5, $0xb8;
	[tilespmem:$0x10200] =	vst v63  }
0xca: {  	s0 =	sshrl.u32 s31, $0x1  }
0xcb: {  	s0 =	ssub.s32 s31, s0  }
0xcc: {  	s0 =	smax.u32 s0, $0x1  }
0xcd: {  	p0 =	sne.s32 s0, $0x1  }
.Ltmp0:
0xce: {  	_ =	swait.ge [sflag:s6], $0x10000;
	(pc) =	sbr.rel @!p0 .LBB2_2-.Ltmp0, $4  }
0xcf: {  	s1 =	sshll.u32 s1, $0x4;
	[sflag:s6] =	ssyncset.done $0x0;
	s31 =	rddreg [dreg:$0xc]  }
0xd0: {  	s31 =	sadd.s32 s31, s1;
	[sflag:s6] =	ssyncadd.s32 $0xFFFF0000  }
0xd1: {  	[hbm4b:s31+s2] =	stream.linear.scatter [tilespmem:s5], [sflag:$0x2], $0x10000, $0x38;
	[tilespmem:$0x10200] =	vst v63  }
0xd2: {  	s0 =	sadd.s32 $0xFFFFFFFF, s0;
	_ =	swait.ge [sflag:s3], $0x10000  }
.LBB2_1:
0xd3: {  	[sflag:s3] =	ssyncset.done $0x0  }
0xd4: {  	s1 =	rddreg [dreg:$0x3];
	[sflag:s3] =	ssyncadd.s32 $0xFFFF0000  }
0xd5: {  	[tilespmem:s2], [sflag:$0x2] =	stream.linear.gather [hbm4b:s1+s2], $0x200, $0x38;
	[tilespmem:$0x10200] =	vst v63  }
0xd6: {  	_ =	swait.ge [sflag:s3], $0x200  }
0xd7: {  	[sflag:s3] =	ssyncset.done $0x0  }
0xd8: {  	[sflag:s3] =	ssyncadd.s32 $0xFFFFFE00  }
0xd9: {  	[tilespmem:s5], [sflag:$0x1] =	stream.indirect.gather [hbm4b:s4+s5], $0x80, s2, s5, $0xb8;
	[tilespmem:$0x10200] =	vst v63  }
0xda: {  	_ =	swait.ge [sflag:s6], $0x10000  }
0xdb: {  	[sflag:s6] =	ssyncset.done $0x0  }
0xdc: {  	s1 =	rddreg [dreg:$0x4];
	[sflag:s6] =	ssyncadd.s32 $0xFFFF0000  }
0xdd: {  	[hbm4b:s1+s2] =	stream.linear.scatter [tilespmem:s5], [sflag:$0x2], $0x10000, $0x38;
	[tilespmem:$0x10200] =	vst v63  }
0xde: {  	_ =	swait.ge [sflag:s3], $0x10000  }
0xdf: {  	[sflag:s3] =	ssyncset.done $0x0  }
0xe0: {  	s1 =	rddreg [dreg:$0x5];
	[sflag:s3] =	ssyncadd.s32 $0xFFFF0000  }
0xe1: {  	[tilespmem:s2], [sflag:$0x2] =	stream.linear.gather [hbm4b:s1+s2], $0x200, $0x38;
	[tilespmem:$0x10200] =	vst v63  }
0xe2: {  	_ =	swait.ge [sflag:s3], $0x200  }
0xe3: {  	[sflag:s3] =	ssyncset.done $0x0  }
0xe4: {  	[sflag:s3] =	ssyncadd.s32 $0xFFFFFE00  }
0xe5: {  	[tilespmem:s5], [sflag:$0x1] =	stream.indirect.gather [hbm4b:s4+s5], $0x80, s2, s5, $0xb8;
	[tilespmem:$0x10200] =	vst v63  }
0xe6: {  	_ =	swait.ge [sflag:s6], $0x10000  }
0xe7: {  	[sflag:s6] =	ssyncset.done $0x0  }
0xe8: {  	s1 =	rddreg [dreg:$0x6];
	[sflag:s6] =	ssyncadd.s32 $0xFFFF0000  }
0xe9: {  	[hbm4b:s1+s2] =	stream.linear.scatter [tilespmem:s5], [sflag:$0x2], $0x10000, $0x38;
	[tilespmem:$0x10200] =	vst v63  }
0xea: {  	_ =	swait.ge [sflag:s3], $0x10000  }
0xeb: {  	[sflag:s3] =	ssyncset.done $0x0  }
0xec: {  	s1 =	rddreg [dreg:$0x7];
	[sflag:s3] =	ssyncadd.s32 $0xFFFF0000  }
0xed: {  	[tilespmem:s2], [sflag:$0x2] =	stream.linear.gather [hbm4b:s1+s2], $0x200, $0x38;
	[tilespmem:$0x10200] =	vst v63  }
0xee: {  	_ =	swait.ge [sflag:s3], $0x200  }
0xef: {  	[sflag:s3] =	ssyncset.done $0x0  }
0xf0: {  	[sflag:s3] =	ssyncadd.s32 $0xFFFFFE00  }
0xf1: {  	[tilespmem:s5], [sflag:$0x1] =	stream.indirect.gather [hbm4b:s4+s5], $0x80, s2, s5, $0xb8;
	[tilespmem:$0x10200] =	vst v63  }
0xf2: {  	_ =	swait.ge [sflag:s6], $0x10000  }
0xf3: {  	[sflag:s6] =	ssyncset.done $0x0  }
0xf4: {  	s1 =	rddreg [dreg:$0x8];
	[sflag:s6] =	ssyncadd.s32 $0xFFFF0000  }
0xf5: {  	[hbm4b:s1+s2] =	stream.linear.scatter [tilespmem:s5], [sflag:$0x2], $0x10000, $0x38;
	[tilespmem:$0x10200] =	vst v63  }
0xf6: {  	_ =	swait.ge [sflag:s3], $0x10000  }
0xf7: {  	[sflag:s3] =	ssyncset.done $0x0  }
0xf8: {  	s1 =	rddreg [dreg:$0x9];
	[sflag:s3] =	ssyncadd.s32 $0xFFFF0000  }
0xf9: {  	[tilespmem:s2], [sflag:$0x2] =	stream.linear.gather [hbm4b:s1+s2], $0x200, $0x38;
	[tilespmem:$0x10200] =	vst v63  }
0xfa: {  	_ =	swait.ge [sflag:s3], $0x200  }
0xfb: {  	[sflag:s3] =	ssyncset.done $0x0  }
0xfc: {  	[sflag:s3] =	ssyncadd.s32 $0xFFFFFE00  }
0xfd: {  	[tilespmem:s5], [sflag:$0x1] =	stream.indirect.gather [hbm4b:s4+s5], $0x80, s2, s5, $0xb8;
	[tilespmem:$0x10200] =	vst v63  }
0xfe: {  	_ =	swait.ge [sflag:s6], $0x10000  }
0xff: {  	[sflag:s6] =	ssyncset.done $0x0  }
0x100: {  	s1 =	rddreg [dreg:$0xa];
	[sflag:s6] =	ssyncadd.s32 $0xFFFF0000  }
0x101: {  	[hbm4b:s1+s2] =	stream.linear.scatter [tilespmem:s5], [sflag:$0x2], $0x10000, $0x38;
	[tilespmem:$0x10200] =	vst v63  }
0x102: {  	_ =	swait.ge [sflag:s3], $0x10000  }
0x103: {  	[sflag:s3] =	ssyncset.done $0x0  }
0x104: {  	[sflag:s3] =	ssyncadd.s32 $0xFFFF0000  }
0x105: {  	[tilespmem:s2], [sflag:$0x2] =	stream.linear.gather [hbm4b:s7+s2], $0x200, $0x38;
	[tilespmem:$0x10200] =	vst v63  }
0x106: {  	_ =	swait.ge [sflag:s3], $0x200  }
0x107: {  	[sflag:s3] =	ssyncset.done $0x0  }
0x108: {  	[sflag:s3] =	ssyncadd.s32 $0xFFFFFE00  }
0x109: {  	[tilespmem:s5], [sflag:$0x1] =	stream.indirect.gather [hbm4b:s4+s5], $0x80, s2, s5, $0xb8;
	[tilespmem:$0x10200] =	vst v63  }
0x10a: {  	_ =	swait.ge [sflag:s6], $0x10000  }
0x10b: {  	[sflag:s6] =	ssyncset.done $0x0  }
0x10c: {  	[sflag:s6] =	ssyncadd.s32 $0xFFFF0000  }
0x10d: {  	[hbm4b:s8+s2] =	stream.linear.scatter [tilespmem:s5], [sflag:$0x2], $0x10000, $0x38;
	[tilespmem:$0x10200] =	vst v63  }
0x10e: {  	_ =	swait.ge [sflag:s3], $0x10000  }
0x10f: {  	[sflag:s3] =	ssyncset.done $0x0  }
0x110: {  	[sflag:s3] =	ssyncadd.s32 $0xFFFF0000  }
0x111: {  	[tilespmem:s2], [sflag:$0x2] =	stream.linear.gather [hbm4b:s9+s2], $0x200, $0x38;
	[tilespmem:$0x10200] =	vst v63  }
0x112: {  	_ =	swait.ge [sflag:s3], $0x200  }
0x113: {  	[sflag:s3] =	ssyncset.done $0x0  }
0x114: {  	[sflag:s3] =	ssyncadd.s32 $0xFFFFFE00  }
0x115: {  	[tilespmem:s5], [sflag:$0x1] =	stream.indirect.gather [hbm4b:s4+s5], $0x80, s2, s5, $0xb8;
	[tilespmem:$0x10200] =	vst v63  }
0x116: {  	_ =	swait.ge [sflag:s6], $0x10000  }
0x117: {  	[sflag:s6] =	ssyncset.done $0x0  }
0x118: {  	[sflag:s6] =	ssyncadd.s32 $0xFFFF0000  }
0x119: {  	[hbm4b:s10+s2] =	stream.linear.scatter [tilespmem:s5], [sflag:$0x2], $0x10000, $0x38;
	[tilespmem:$0x10200] =	vst v63  }
0x11a: {  	_ =	swait.ge [sflag:s3], $0x10000  }
0x11b: {  	[sflag:s3] =	ssyncset.done $0x0  }
0x11c: {  	[sflag:s3] =	ssyncadd.s32 $0xFFFF0000  }
0x11d: {  	[tilespmem:s2], [sflag:$0x2] =	stream.linear.gather [hbm4b:s11+s2], $0x200, $0x38;
	[tilespmem:$0x10200] =	vst v63  }
0x11e: {  	_ =	swait.ge [sflag:s3], $0x200  }
0x11f: {  	[sflag:s3] =	ssyncset.done $0x0  }
0x120: {  	[sflag:s3] =	ssyncadd.s32 $0xFFFFFE00  }
0x121: {  	[tilespmem:s5], [sflag:$0x1] =	stream.indirect.gather [hbm4b:s4+s5], $0x80, s2, s5, $0xb8;
	[tilespmem:$0x10200] =	vst v63  }
0x122: {  	_ =	swait.ge [sflag:s6], $0x10000  }
0x123: {  	[sflag:s6] =	ssyncset.done $0x0  }
0x124: {  	[sflag:s6] =	ssyncadd.s32 $0xFFFF0000  }
0x125: {  	[hbm4b:s12+s2] =	stream.linear.scatter [tilespmem:s5], [sflag:$0x2], $0x10000, $0x38;
	[tilespmem:$0x10200] =	vst v63  }
0x126: {  	_ =	swait.ge [sflag:s3], $0x10000  }
0x127: {  	[sflag:s3] =	ssyncset.done $0x0  }
0x128: {  	[sflag:s3] =	ssyncadd.s32 $0xFFFF0000  }
0x129: {  	[tilespmem:s2], [sflag:$0x2] =	stream.linear.gather [hbm4b:s13+s2], $0x200, $0x38;
	[tilespmem:$0x10200] =	vst v63  }
0x12a: {  	_ =	swait.ge [sflag:s3], $0x200  }
0x12b: {  	[sflag:s3] =	ssyncset.done $0x0  }
0x12c: {  	[sflag:s3] =	ssyncadd.s32 $0xFFFFFE00  }
0x12d: {  	[tilespmem:s5], [sflag:$0x1] =	stream.indirect.gather [hbm4b:s4+s5], $0x80, s2, s5, $0xb8;
	[tilespmem:$0x10200] =	vst v63  }
0x12e: {  	_ =	swait.ge [sflag:s6], $0x10000  }
0x12f: {  	[sflag:s6] =	ssyncset.done $0x0  }
0x130: {  	[sflag:s6] =	ssyncadd.s32 $0xFFFF0000  }
0x131: {  	[hbm4b:s14+s2] =	stream.linear.scatter [tilespmem:s5], [sflag:$0x2], $0x10000, $0x38;
	[tilespmem:$0x10200] =	vst v63  }
0x132: {  	_ =	swait.ge [sflag:s3], $0x10000  }
0x133: {  	[sflag:s3] =	ssyncset.done $0x0  }
0x134: {  	[sflag:s3] =	ssyncadd.s32 $0xFFFF0000  }
0x135: {  	[tilespmem:s2], [sflag:$0x2] =	stream.linear.gather [hbm4b:s15+s2], $0x200, $0x38;
	[tilespmem:$0x10200] =	vst v63  }
0x136: {  	_ =	swait.ge [sflag:s3], $0x200  }
0x137: {  	[sflag:s3] =	ssyncset.done $0x0  }
0x138: {  	[sflag:s3] =	ssyncadd.s32 $0xFFFFFE00  }
0x139: {  	[tilespmem:s5], [sflag:$0x1] =	stream.indirect.gather [hbm4b:s4+s5], $0x80, s2, s5, $0xb8;
	[tilespmem:$0x10200] =	vst v63  }
0x13a: {  	_ =	swait.ge [sflag:s6], $0x10000  }
0x13b: {  	[sflag:s6] =	ssyncset.done $0x0  }
0x13c: {  	[sflag:s6] =	ssyncadd.s32 $0xFFFF0000  }
0x13d: {  	[hbm4b:s16+s2] =	stream.linear.scatter [tilespmem:s5], [sflag:$0x2], $0x10000, $0x38;
	[tilespmem:$0x10200] =	vst v63  }
0x13e: {  	_ =	swait.ge [sflag:s3], $0x10000  }
0x13f: {  	[sflag:s3] =	ssyncset.done $0x0  }
0x140: {  	[sflag:s3] =	ssyncadd.s32 $0xFFFF0000  }
0x141: {  	[tilespmem:s2], [sflag:$0x2] =	stream.linear.gather [hbm4b:s17+s2], $0x200, $0x38;
	[tilespmem:$0x10200] =	vst v63  }
0x142: {  	_ =	swait.ge [sflag:s3], $0x200  }
0x143: {  	[sflag:s3] =	ssyncset.done $0x0  }
0x144: {  	[sflag:s3] =	ssyncadd.s32 $0xFFFFFE00  }
0x145: {  	[tilespmem:s5], [sflag:$0x1] =	stream.indirect.gather [hbm4b:s4+s5], $0x80, s2, s5, $0xb8;
	[tilespmem:$0x10200] =	vst v63  }
0x146: {  	_ =	swait.ge [sflag:s6], $0x10000  }
0x147: {  	[sflag:s6] =	ssyncset.done $0x0  }
0x148: {  	[sflag:s6] =	ssyncadd.s32 $0xFFFF0000  }
0x149: {  	[hbm4b:s18+s2] =	stream.linear.scatter [tilespmem:s5], [sflag:$0x2], $0x10000, $0x38;
	[tilespmem:$0x10200] =	vst v63  }
0x14a: {  	_ =	swait.ge [sflag:s3], $0x10000  }
0x14b: {  	[sflag:s3] =	ssyncset.done $0x0  }
0x14c: {  	[sflag:s3] =	ssyncadd.s32 $0xFFFF0000  }
0x14d: {  	[tilespmem:s2], [sflag:$0x2] =	stream.linear.gather [hbm4b:s19+s2], $0x200, $0x38;
	[tilespmem:$0x10200] =	vst v63  }
0x14e: {  	_ =	swait.ge [sflag:s3], $0x200  }
0x14f: {  	[sflag:s3] =	ssyncset.done $0x0  }
0x150: {  	[sflag:s3] =	ssyncadd.s32 $0xFFFFFE00  }
0x151: {  	[tilespmem:s5], [sflag:$0x1] =	stream.indirect.gather [hbm4b:s4+s5], $0x80, s2, s5, $0xb8;
	[tilespmem:$0x10200] =	vst v63  }
0x152: {  	_ =	swait.ge [sflag:s6], $0x10000  }
0x153: {  	[sflag:s6] =	ssyncset.done $0x0  }
0x154: {  	[sflag:s6] =	ssyncadd.s32 $0xFFFF0000  }
0x155: {  	[hbm4b:s20+s2] =	stream.linear.scatter [tilespmem:s5], [sflag:$0x2], $0x10000, $0x38;
	[tilespmem:$0x10200] =	vst v63  }
0x156: {  	_ =	swait.ge [sflag:s3], $0x10000  }
0x157: {  	[sflag:s3] =	ssyncset.done $0x0  }
0x158: {  	[sflag:s3] =	ssyncadd.s32 $0xFFFF0000  }
0x159: {  	[tilespmem:s2], [sflag:$0x2] =	stream.linear.gather [hbm4b:s21+s2], $0x200, $0x38;
	[tilespmem:$0x10200] =	vst v63  }
0x15a: {  	_ =	swait.ge [sflag:s3], $0x200  }
0x15b: {  	[sflag:s3] =	ssyncset.done $0x0  }
0x15c: {  	[sflag:s3] =	ssyncadd.s32 $0xFFFFFE00  }
0x15d: {  	[tilespmem:s5], [sflag:$0x1] =	stream.indirect.gather [hbm4b:s4+s5], $0x80, s2, s5, $0xb8;
	[tilespmem:$0x10200] =	vst v63  }
0x15e: {  	_ =	swait.ge [sflag:s6], $0x10000  }
0x15f: {  	[sflag:s6] =	ssyncset.done $0x0  }
0x160: {  	[sflag:s6] =	ssyncadd.s32 $0xFFFF0000  }
0x161: {  	[hbm4b:s22+s2] =	stream.linear.scatter [tilespmem:s5], [sflag:$0x2], $0x10000, $0x38;
	[tilespmem:$0x10200] =	vst v63  }
0x162: {  	_ =	swait.ge [sflag:s3], $0x10000  }
0x163: {  	[sflag:s3] =	ssyncset.done $0x0  }
0x164: {  	[sflag:s3] =	ssyncadd.s32 $0xFFFF0000  }
0x165: {  	[tilespmem:s2], [sflag:$0x2] =	stream.linear.gather [hbm4b:s23+s2], $0x200, $0x38;
	[tilespmem:$0x10200] =	vst v63  }
0x166: {  	_ =	swait.ge [sflag:s3], $0x200  }
0x167: {  	[sflag:s3] =	ssyncset.done $0x0  }
0x168: {  	[sflag:s3] =	ssyncadd.s32 $0xFFFFFE00  }
0x169: {  	[tilespmem:s5], [sflag:$0x1] =	stream.indirect.gather [hbm4b:s4+s5], $0x80, s2, s5, $0xb8;
	[tilespmem:$0x10200] =	vst v63  }
0x16a: {  	_ =	swait.ge [sflag:s6], $0x10000  }
0x16b: {  	[sflag:s6] =	ssyncset.done $0x0  }
0x16c: {  	[sflag:s6] =	ssyncadd.s32 $0xFFFF0000  }
0x16d: {  	[hbm4b:s24+s2] =	stream.linear.scatter [tilespmem:s5], [sflag:$0x2], $0x10000, $0x38;
	[tilespmem:$0x10200] =	vst v63  }
0x16e: {  	_ =	swait.ge [sflag:s3], $0x10000  }
0x16f: {  	[sflag:s3] =	ssyncset.done $0x0  }
0x170: {  	[sflag:s3] =	ssyncadd.s32 $0xFFFF0000  }
0x171: {  	[tilespmem:s2], [sflag:$0x2] =	stream.linear.gather [hbm4b:s25+s2], $0x200, $0x38;
	[tilespmem:$0x10200] =	vst v63  }
0x172: {  	_ =	swait.ge [sflag:s3], $0x200  }
0x173: {  	[sflag:s3] =	ssyncset.done $0x0  }
0x174: {  	[sflag:s3] =	ssyncadd.s32 $0xFFFFFE00  }
0x175: {  	[tilespmem:s5], [sflag:$0x1] =	stream.indirect.gather [hbm4b:s4+s5], $0x80, s2, s5, $0xb8;
	[tilespmem:$0x10200] =	vst v63  }
0x176: {  	_ =	swait.ge [sflag:s6], $0x10000  }
0x177: {  	[sflag:s6] =	ssyncset.done $0x0  }
0x178: {  	[sflag:s6] =	ssyncadd.s32 $0xFFFF0000  }
0x179: {  	[hbm4b:s26+s2] =	stream.linear.scatter [tilespmem:s5], [sflag:$0x2], $0x10000, $0x38;
	[tilespmem:$0x10200] =	vst v63  }
0x17a: {  	_ =	swait.ge [sflag:s3], $0x10000  }
0x17b: {  	[sflag:s3] =	ssyncset.done $0x0  }
0x17c: {  	[sflag:s3] =	ssyncadd.s32 $0xFFFF0000  }
0x17d: {  	[tilespmem:s2], [sflag:$0x2] =	stream.linear.gather [hbm4b:s28+s2], $0x200, $0x38;
	[tilespmem:$0x10200] =	vst v63  }
0x17e: {  	_ =	swait.ge [sflag:s3], $0x200  }
0x17f: {  	[sflag:s3] =	ssyncset.done $0x0  }
0x180: {  	[sflag:s3] =	ssyncadd.s32 $0xFFFFFE00  }
0x181: {  	[tilespmem:s5], [sflag:$0x1] =	stream.indirect.gather [hbm4b:s4+s5], $0x80, s2, s5, $0xb8;
	[tilespmem:$0x10200] =	vst v63  }
0x182: {  	_ =	swait.ge [sflag:s6], $0x10000  }
0x183: {  	[sflag:s6] =	ssyncset.done $0x0  }
0x184: {  	[sflag:s6] =	ssyncadd.s32 $0xFFFF0000  }
0x185: {  	[hbm4b:s29+s2] =	stream.linear.scatter [tilespmem:s5], [sflag:$0x2], $0x10000, $0x38;
	[tilespmem:$0x10200] =	vst v63  }
0x186: {  	_ =	swait.ge [sflag:s3], $0x10000  }
0x187: {  	[sflag:s3] =	ssyncset.done $0x0  }
0x188: {  	[sflag:s3] =	ssyncadd.s32 $0xFFFF0000  }
0x189: {  	[tilespmem:s2], [sflag:$0x2] =	stream.linear.gather [hbm4b:s30+s2], $0x200, $0x38;
	[tilespmem:$0x10200] =	vst v63  }
0x18a: {  	_ =	swait.ge [sflag:s3], $0x200  }
0x18b: {  	[sflag:s3] =	ssyncset.done $0x0  }
0x18c: {  	p0 =	sne.s32 s0, $0x1;
	[sflag:s3] =	ssyncadd.s32 $0xFFFFFE00  }
0x18d: {  	[tilespmem:s5], [sflag:$0x1] =	stream.indirect.gather [hbm4b:s4+s5], $0x80, s2, s5, $0xb8;
	[tilespmem:$0x10200] =	vst v63  }
.Ltmp1:
0x18e: {  	_ =	swait.ge [sflag:s6], $0x10000;
	(pc) =	sbr.rel @p0 .LBB2_1-.Ltmp1, $4  }
0x18f: {  	[sflag:s6] =	ssyncset.done $0x0  }
0x190: {  	[sflag:s6] =	ssyncadd.s32 $0xFFFF0000  }
0x191: {  	[hbm4b:s31+s2] =	stream.linear.scatter [tilespmem:s5], [sflag:$0x2], $0x10000, $0x38;
	[tilespmem:$0x10200] =	vst v63  }
0x192: {  	s0 =	sadd.s32 $0xFFFFFFFF, s0;
	_ =	swait.ge [sflag:s3], $0x10000  }
.LBB2_2:
0x193: {  	[sflag:s3] =	ssyncset.done $0x0  }
0x194: {  	[sflag:s3] =	ssyncadd.s32 $0xFFFF0000  }
0x195: {  	_ =	sfence.sel $0x180000  }
0x196: {  	[bflag:$0x0] =	sbarrier.arrive $0xFFFF  }
0x197: {  	_ =	strace $0x90000047  }
0x198: {  	s0 =	stileid.u32;
	[bflag:$0x2] =	sbarrier.arrive $0xFFFF  }
0x199: {  	p0 =	sne.s32 s0, $0x0;
	s0 =	rddreg [dreg:$0x2]  }
0x19a: {  	s0 =	sadd.s32 @!p0 $0x100000, s0  }
0x19b: {  	[sflag:s0] =	ssyncadd.tile.s32 @!p0 $0x1;
	_ =	shalt  }
.Lfunc_end2:
_tile_overlayer_lowered:
.L_overlay_start_2:
0x19c: {  	(tag) =	ssettag $0x2  }
0x19d: {  	s0 =	rddreg [dreg:$0x0];
	s2 =	stileid.u32  }
0x19e: {  	s1 =	rddreg [dreg:$0x1];
	p0 =	sne.s32 s2, $0x0  }
0x19f: {  	s3 =	rddreg [dreg:$0x2];
	[bflag:$0x3] =	sbarrier.arrive $0xFFFF;
	s2 =	simm.s32 @!p0 $0x1C02  }
0x1a0: {  	[timem:s3], [sflag:s2] =	dma.local @!p0 [hbm:s0], s1  }
0x1a1: {  	s0 =	simm.s32 @!p0 $0x2  }
0x1a2: {  	_ =	swait.ge @!p0 [sflag:s0], s1  }
0x1a3: {  	s1 =	ssub.s32 @!p0 $0x0, s1;
	[sflag:s0] =	ssyncset.done @!p0 $0x0  }
0x1a4: {  	[sflag:s0] =	ssyncadd.s32 @!p0 s1  }
0x1a5: {  	[bflag:$0x3] =	sbarrier.arrive $0xFFFF  }
0x1a6: {  	_ =	shalt  }

</sc_bundles>
